<compile_context>
chip_gen: v7x
topology: tpu7x:2x2x1
jax: 0.10.2.dev20260603
libtpu: 0.0.44.dev20260713+nightly
codegen_flags: <defaults>
</compile_context>

<pallas_src>
import jax
import jax.numpy as jnp
from jax import lax
from jax.experimental import pallas as pl
from jax.experimental.pallas import tpu as pltpu
from jax.experimental.pallas import tpu_sc as plsc

VALUES_PER_CHANNEL = 256
C = 3
D = 256
L = 16
K = C * L
NB = 4
NW = 32
R = 1792
W = 224
KB = W // L
NS = 14
SC_ = 56


def _build():
    rows_per_w = R // NW
    G = rows_per_w * KB
    assert G == NS * SC_ and SC_ % NB == 0

    mesh = plsc.VectorSubcoreMesh(core_axis_name="c", subcore_axis_name="s")

    @pl.kernel(
        out_type=jax.ShapeDtypeStruct((R, W, C * D), jnp.float32),
        mesh=mesh,
        scratch_types=[
            [pltpu.VMEM((SC_, K), jnp.int32) for _ in range(2)],
            [pltpu.VMEM((L, C * D), jnp.float32) for _ in range(NB)],
            [pltpu.SemaphoreType.DMA for _ in range(2)],
            [pltpu.SemaphoreType.DMA for _ in range(NB)],
            [pltpu.SemaphoreType.DMA for _ in range(NB)],
        ],
    )
    def k(idx_hbm, table_hbm, out_hbm, ibufs, bufs, isems, gsems, wsems):
        cid = lax.axis_index("c")
        sid = lax.axis_index("s")
        wid = sid * 2 + cid
        row0 = wid * rows_per_w

        def idx_load(s, sp):
            return pltpu.make_async_copy(idx_hbm.at[wid, s], ibufs[sp],
                                         isems[sp])

        def gathers(h, t, b, ib):
            return [
                pltpu.make_async_copy(
                    table_hbm.at[ib.at[t, pl.ds(c * L, L)]],
                    bufs[b].at[:, pl.ds(c * D, D)],
                    gsems[b])
                for c in range(C)
            ]

        def writes(h, b):
            r = row0 + h // KB
            w0 = (h % KB) * L
            return [
                pltpu.make_async_copy(
                    bufs[b],
                    out_hbm.at[r, pl.ds(w0, L), :],
                    wsems[b])
            ]

        idx_load(0, 0).start()
        idx_load(1, 1).start()

        @pl.loop(0, NS, step=2)
        def _(so):
            for sp in range(2):
                s = so + sp
                ib = ibufs[sp]
                h0 = s * SC_
                idx_load(s, sp).wait()

                @pl.loop(0, SC_)
                def _(t):
                    ib[t, pl.ds(L, L)] = ib[t, pl.ds(L, L)] + VALUES_PER_CHANNEL
                    ib[t, pl.ds(2 * L, L)] = (ib[t, pl.ds(2 * L, L)]
                                              + 2 * VALUES_PER_CHANNEL)

                for t in range(2):
                    h = h0 + t

                    @pl.when(h >= NB)
                    def _():
                        for d_ in writes(h - NB, t):
                            d_.wait()
                    for d_ in gathers(h, t, t, ib):
                        d_.start()

                @pl.loop(0, SC_, step=NB)
                def _(to):
                    for b in range(NB):
                        t = to + b
                        h = h0 + t

                        @pl.when(t + 2 < SC_)
                        def _():
                            b2 = (b + 2) % NB

                            @pl.when(h >= 2)
                            def _():
                                for d_ in writes(h - 2, b2):
                                    d_.wait()
                            for d_ in gathers(h + 2, t + 2, b2, ib):
                                d_.start()

                        for d_ in gathers(h, t, b, ib):
                            d_.wait()
                        for d_ in writes(h, b):
                            d_.start()

                @pl.when(s + 2 < NS)
                def _():
                    idx_load(s + 2, sp).start()

        for t in range(NB):
            h = G - NB + t
            for d_ in writes(h, h % NB):
                d_.wait()

    return k


def kernel(inputs, table):
    idx = inputs.reshape(R, KB, L, C).transpose(0, 1, 3, 2)
    idx = idx.reshape(NW, NS, SC_, K)
    out = _build()(idx, table)
    return out.reshape(inputs.shape[:1] + (224, 224, 768))

# --- scband reference (transcript-rebuilt; emitter-appended) ---
"""Pipeline reference for scband-lookup-embedding-59201829208643 (READ-ONLY COPY).

The authoritative reference and input builder live on the scoring server;
editing this copy changes nothing except your own understanding.
"""

import jax, jax.numpy as jnp
import numpy as np

VALUES_PER_CHANNEL = 256
IN_FEATURES = 3
OUT_FEATURES = 768

def setup_inputs(seed: int = 0) -> dict:
    key = jax.random.key(seed)
    k1, k2 = jax.random.split(key)
    inputs = jax.random.randint(k1, (8, 224, 224, 3), 0, 256, dtype=jnp.int64 if jax.config.jax_enable_x64 else jnp.int32).astype(jnp.int32)
    # embedding table: nn.Embedding(in_features * 256, out_features // in_features), default N(0,1) init
    table = jax.random.normal(k2, (IN_FEATURES * VALUES_PER_CHANNEL, OUT_FEATURES // IN_FEATURES), dtype=jnp.float32)
    return {"inputs": inputs, "table": table}

def reference(inputs, table):
    # offsets = arange(C) * 256, broadcast over leading dims (matches torch offsets[(None,)*k])
    offsets = jnp.arange(inputs.shape[-1], dtype=inputs.dtype) * VALUES_PER_CHANNEL
    idx = inputs + offsets  # [..., C]
    emb = jnp.take(table, idx, axis=0)  # [..., C, dim]
    return emb.reshape(emb.shape[:-2] + (-1,))  # [..., C*dim] = [..., out_features]

if __name__ == "__main__":
    import jax
    _d = setup_inputs()
    print(jax.jit(kernel)(*tuple(_d.values())))

</pallas_src>

<mosaic_0001>
#map = affine_map<(d0, d1) -> (0, 0, 0, 0)>
#map1 = affine_map<(d0, d1) -> (0, 0)>
#map2 = affine_map<(d0, d1) -> (0, 0, 0)>
module attributes {stable_mosaic.version = 14 : i64} {
  func.func @k(%arg0: i32, %arg1: i32, %arg2: memref<32x14x56x48xi32, #tpu.memory_space<hbm>>, %arg3: memref<768x256xf32, #tpu.memory_space<hbm>>, %arg4: memref<1792x224x768xf32, #tpu.memory_space<hbm>>, %arg5: memref<56x48xi32, #tpu.memory_space<vmem>>, %arg6: memref<56x48xi32, #tpu.memory_space<vmem>>, %arg7: memref<16x768xf32, #tpu.memory_space<vmem>>, %arg8: memref<16x768xf32, #tpu.memory_space<vmem>>, %arg9: memref<16x768xf32, #tpu.memory_space<vmem>>, %arg10: memref<16x768xf32, #tpu.memory_space<vmem>>, %arg11: memref<!tpu.dma_semaphore, #tpu.memory_space<semaphore_mem>>, %arg12: memref<!tpu.dma_semaphore, #tpu.memory_space<semaphore_mem>>, %arg13: memref<!tpu.dma_semaphore, #tpu.memory_space<semaphore_mem>>, %arg14: memref<!tpu.dma_semaphore, #tpu.memory_space<semaphore_mem>>, %arg15: memref<!tpu.dma_semaphore, #tpu.memory_space<semaphore_mem>>, %arg16: memref<!tpu.dma_semaphore, #tpu.memory_space<semaphore_mem>>, %arg17: memref<!tpu.dma_semaphore, #tpu.memory_space<semaphore_mem>>, %arg18: memref<!tpu.dma_semaphore, #tpu.memory_space<semaphore_mem>>, %arg19: memref<!tpu.dma_semaphore, #tpu.memory_space<semaphore_mem>>, %arg20: memref<!tpu.dma_semaphore, #tpu.memory_space<semaphore_mem>>) attributes {dimension_semantics = [#tpu.dimension_semantics<core_parallel>, #tpu.dimension_semantics<subcore_parallel>], iteration_bounds = array<i64: 2, 16>, scalar_prefetch = 0 : i64, scratch_operands = 16 : i64, tpu.core_type = #tpu.core_type<sc_vector_subcore>, window_params = [{transform_indices = #map}, {transform_indices = #map1}, {transform_indices = #map2}]} {
    %mul3A = arith.constant 2 : i32
    %mul3A_0 = arith.muli %arg1, %mul3A : i32
    %add3A = arith.addi %mul3A_0, %arg0 : i32
    %mul3A_1 = arith.constant 56 : i32
    %mul3A_2 = arith.muli %add3A, %mul3A_1 : i32
    %dma_start3A = arith.constant 0 : i32
    %dma_start3A_3 = arith.constant 0 : i32
    %dma_start3A_4 = arith.constant 0 : i32
    %dma_start3A_5 = tpu.memref_slice %arg2[%add3A, %dma_start3A, %dma_start3A_3, %dma_start3A_4] : memref<32x14x56x48xi32, #tpu.memory_space<hbm>> -> memref<1x1x56x48xi32, #tpu.memory_space<hbm>>
    %dma_start3A_6 = tpu.memref_squeeze %dma_start3A_5 : memref<1x1x56x48xi32, #tpu.memory_space<hbm>> -> memref<56x48xi32, #tpu.memory_space<hbm>>
    %dma_start3A_7 = arith.constant 0 : i32
    %dma_start3A_8 = arith.constant 0 : i32
    %dma_start3A_9 = tpu.memref_slice %arg2[%add3A, %dma_start3A, %dma_start3A_7, %dma_start3A_8] : memref<32x14x56x48xi32, #tpu.memory_space<hbm>> -> memref<1x1x56x48xi32, #tpu.memory_space<hbm>>
    %dma_start3A_10 = tpu.memref_squeeze %dma_start3A_9 : memref<1x1x56x48xi32, #tpu.memory_space<hbm>> -> memref<56x48xi32, #tpu.memory_space<hbm>>
    tpu.enqueue_dma source(%dma_start3A_10 : memref<56x48xi32, #tpu.memory_space<hbm>>) target(%arg5 : memref<56x48xi32, #tpu.memory_space<vmem>>) target_semaphore(%arg11 : memref<!tpu.dma_semaphore, #tpu.memory_space<semaphore_mem>>)
    %dma_start3A_11 = arith.constant 1 : i32
    %dma_start3A_12 = arith.constant 0 : i32
    %dma_start3A_13 = arith.constant 0 : i32
    %dma_start3A_14 = tpu.memref_slice %arg2[%add3A, %dma_start3A_11, %dma_start3A_12, %dma_start3A_13] : memref<32x14x56x48xi32, #tpu.memory_space<hbm>> -> memref<1x1x56x48xi32, #tpu.memory_space<hbm>>
    %dma_start3A_15 = tpu.memref_squeeze %dma_start3A_14 : memref<1x1x56x48xi32, #tpu.memory_space<hbm>> -> memref<56x48xi32, #tpu.memory_space<hbm>>
    %dma_start3A_16 = arith.constant 0 : i32
    %dma_start3A_17 = arith.constant 0 : i32
    %dma_start3A_18 = tpu.memref_slice %arg2[%add3A, %dma_start3A_11, %dma_start3A_16, %dma_start3A_17] : memref<32x14x56x48xi32, #tpu.memory_space<hbm>> -> memref<1x1x56x48xi32, #tpu.memory_space<hbm>>
    %dma_start3A_19 = tpu.memref_squeeze %dma_start3A_18 : memref<1x1x56x48xi32, #tpu.memory_space<hbm>> -> memref<56x48xi32, #tpu.memory_space<hbm>>
    tpu.enqueue_dma source(%dma_start3A_19 : memref<56x48xi32, #tpu.memory_space<hbm>>) target(%arg6 : memref<56x48xi32, #tpu.memory_space<vmem>>) target_semaphore(%arg12 : memref<!tpu.dma_semaphore, #tpu.memory_space<semaphore_mem>>)
    %scan3A = arith.constant 0 : i32
    %scan3A_20 = arith.constant 7 : i32
    %scan3A_21 = arith.addi %scan3A, %scan3A_20 : i32
    %scan3A_22 = arith.constant 1 : i32
    scf.for %scan3A_63 = %scan3A to %scan3A_21 step %scan3A_22  : i32 {
      %mul3A_64 = arith.constant 2 : i32
      %mul3A_65 = arith.muli %scan3A_63, %mul3A_64 : i32
      %add3A_66 = arith.constant 0 : i32
      %add3A_67 = arith.addi %add3A_66, %mul3A_65 : i32
      %add3A_68 = arith.constant 0 : i32
      %add3A_69 = arith.addi %add3A_67, %add3A_68 : i32
      %mul3A_70 = arith.constant 56 : i32
      %mul3A_71 = arith.muli %add3A_69, %mul3A_70 : i32
      %dma_wait3A_72 = arith.constant 0 : i32
      %dma_wait3A_73 = arith.constant 0 : i32
      %dma_wait3A_74 = tpu.memref_slice %arg2[%add3A, %add3A_69, %dma_wait3A_72, %dma_wait3A_73] : memref<32x14x56x48xi32, #tpu.memory_space<hbm>> -> memref<1x1x56x48xi32, #tpu.memory_space<hbm>>
      %dma_wait3A_75 = tpu.memref_squeeze %dma_wait3A_74 : memref<1x1x56x48xi32, #tpu.memory_space<hbm>> -> memref<56x48xi32, #tpu.memory_space<hbm>>
      %dma_wait3A_76 = arith.constant 0 : i32
      %dma_wait3A_77 = arith.constant 0 : i32
      %dma_wait3A_78 = tpu.memref_slice %arg2[%add3A, %add3A_69, %dma_wait3A_76, %dma_wait3A_77] : memref<32x14x56x48xi32, #tpu.memory_space<hbm>> -> memref<1x1x56x48xi32, #tpu.memory_space<hbm>>
      %dma_wait3A_79 = tpu.memref_squeeze %dma_wait3A_78 : memref<1x1x56x48xi32, #tpu.memory_space<hbm>> -> memref<56x48xi32, #tpu.memory_space<hbm>>
      tpu.wait_dma2 semaphore(%arg11 : memref<!tpu.dma_semaphore, #tpu.memory_space<semaphore_mem>>) src(%dma_wait3A_79 : memref<56x48xi32, #tpu.memory_space<hbm>>) dst(%arg5 : memref<56x48xi32, #tpu.memory_space<vmem>>)
      %scan3A_80 = arith.constant 0 : i32
      %scan3A_81 = arith.constant 56 : i32
      %scan3A_82 = arith.addi %scan3A_80, %scan3A_81 : i32
      %scan3A_83 = arith.constant 1 : i32
      scf.for %scan3A_270 = %scan3A_80 to %scan3A_82 step %scan3A_83  : i32 {
        %mul3A_271 = arith.constant 1 : i32
        %mul3A_272 = arith.muli %scan3A_270, %mul3A_271 : i32
        %add3A_273 = arith.constant 0 : i32
        %add3A_274 = arith.addi %add3A_273, %mul3A_272 : i32
        %get3A = arith.index_cast %add3A_274 : i32 to index
        %get3A_275 = arith.constant 16 : index
        %get3A_276 = tpu.vector_load %arg5[%get3A, %get3A_275] {strides = array<i32>} : memref<56x48xi32, #tpu.memory_space<vmem>>, vector<1x16xi32>,
        %get3A_277 = vector.shape_cast %get3A_276 : vector<1x16xi32> to vector<16xi32>
        %add3A_278 = arith.constant 256 : i32
        %add3A_279 = vector.broadcast %add3A_278 : i32 to vector<16xi32>
        %add3A_280 = arith.addi %get3A_277, %add3A_279 : vector<16xi32>
        %swap3A = arith.index_cast %add3A_274 : i32 to index
        %swap3A_281 = arith.constant 16 : index
        %swap3A_282 = tpu.vector_load %arg5[%swap3A, %swap3A_281] {strides = array<i32>} : memref<56x48xi32, #tpu.memory_space<vmem>>, vector<1x16xi32>,
        %swap3A_283 = vector.shape_cast %swap3A_282 : vector<1x16xi32> to vector<16xi32>
        %swap3A_284 = vector.shape_cast %add3A_280 : vector<16xi32> to vector<1x16xi32>
        tpu.vector_store %arg5[%swap3A, %swap3A_281], %swap3A_284 {strides = array<i32>} : memref<56x48xi32, #tpu.memory_space<vmem>>, vector<1x16xi32>,
        %get3A_285 = arith.index_cast %add3A_274 : i32 to index
        %get3A_286 = arith.constant 32 : index
        %get3A_287 = tpu.vector_load %arg5[%get3A_285, %get3A_286] {strides = array<i32>} : memref<56x48xi32, #tpu.memory_space<vmem>>, vector<1x16xi32>,
        %get3A_288 = vector.shape_cast %get3A_287 : vector<1x16xi32> to vector<16xi32>
        %add3A_289 = arith.constant 512 : i32
        %add3A_290 = vector.broadcast %add3A_289 : i32 to vector<16xi32>
        %add3A_291 = arith.addi %get3A_288, %add3A_290 : vector<16xi32>
        %swap3A_292 = arith.index_cast %add3A_274 : i32 to index
        %swap3A_293 = arith.constant 32 : index
        %swap3A_294 = tpu.vector_load %arg5[%swap3A_292, %swap3A_293] {strides = array<i32>} : memref<56x48xi32, #tpu.memory_space<vmem>>, vector<1x16xi32>,
        %swap3A_295 = vector.shape_cast %swap3A_294 : vector<1x16xi32> to vector<16xi32>
        %swap3A_296 = vector.shape_cast %add3A_291 : vector<16xi32> to vector<1x16xi32>
        tpu.vector_store %arg5[%swap3A_292, %swap3A_293], %swap3A_296 {strides = array<i32>} : memref<56x48xi32, #tpu.memory_space<vmem>>, vector<1x16xi32>,
      }
      %scan3A_84 = arith.constant 56 : i32
      %add3A_85 = arith.constant 0 : i32
      %add3A_86 = arith.addi %mul3A_71, %add3A_85 : i32
      %ge3A = arith.constant 4 : i32
      %ge3A_87 = arith.cmpi sge, %add3A_86, %ge3A : i32
      %convert_element_type3A = arith.extui %ge3A_87 : i1 to i32
      %cond3A = arith.constant 0 : i32
      %cond3A_88 = arith.cmpi ne, %convert_element_type3A, %cond3A : i32
      scf.if %cond3A_88 {
        %sub3A = arith.constant 4 : i32
        %sub3A_270 = arith.subi %add3A_86, %sub3A : i32
        %jit3A = arith.constant 14 : i32
        %div3A = arith.divsi %sub3A_270, %jit3A : i32
        %sign3A = arith.constant 0 : i32
        %sign3A_271 = arith.cmpi sgt, %sub3A_270, %sign3A : i32
        %sign3A_272 = arith.extui %sign3A_271 : i1 to i32
        %sign3A_273 = arith.constant 0 : i32
        %sign3A_274 = arith.cmpi slt, %sub3A_270, %sign3A_273 : i32
        %sign3A_275 = arith.extui %sign3A_274 : i1 to i32
        %sign3A_276 = arith.subi %sign3A_272, %sign3A_275 : i32
        %sign3A_277 = arith.constant 0 : i32
        %sign3A_278 = arith.cmpi sgt, %jit3A, %sign3A_277 : i32
        %sign3A_279 = arith.extui %sign3A_278 : i1 to i32
        %sign3A_280 = arith.constant 0 : i32
        %sign3A_281 = arith.cmpi slt, %jit3A, %sign3A_280 : i32
        %sign3A_282 = arith.extui %sign3A_281 : i1 to i32
        %sign3A_283 = arith.subi %sign3A_279, %sign3A_282 : i32
        %ne3A = arith.cmpi ne, %sign3A_276, %sign3A_283 : i32
        %rem3A = arith.remsi %sub3A_270, %jit3A : i32
        %ne3A_284 = arith.constant 0 : i32
        %ne3A_285 = arith.cmpi ne, %rem3A, %ne3A_284 : i32
        %and3A = arith.andi %ne3A, %ne3A_285 : i1
        %sub3A_286 = arith.constant 1 : i32
        %sub3A_287 = arith.subi %div3A, %sub3A_286 : i32
        %select_n3A = arith.select %and3A, %sub3A_287, %div3A : i32
        %add3A_288 = arith.addi %mul3A_2, %select_n3A : i32
        %jit3A_289 = arith.constant 14 : i32
        %eq3A = arith.constant 0 : i32
        %eq3A_290 = arith.cmpi eq, %jit3A_289, %eq3A : i32
        %jit3A_291 = arith.constant 1 : i32
        %select_n3A_292 = arith.select %eq3A_290, %jit3A_291, %jit3A_289 : i32
        %rem3A_293 = arith.remsi %sub3A_270, %select_n3A_292 : i32
        %ne3A_294 = arith.constant 0 : i32
        %ne3A_295 = arith.cmpi ne, %rem3A_293, %ne3A_294 : i32
        %lt3A_296 = arith.constant 0 : i32
        %lt3A_297 = arith.cmpi slt, %rem3A_293, %lt3A_296 : i32
        %lt3A_298 = arith.constant 0 : i32
        %lt3A_299 = arith.cmpi slt, %select_n3A_292, %lt3A_298 : i32
        %ne3A_300 = arith.xori %lt3A_297, %lt3A_299 : i1
        %and3A_301 = arith.andi %ne3A_300, %ne3A_295 : i1
        %add3A_302 = arith.addi %rem3A_293, %select_n3A_292 : i32
        %select_n3A_303 = arith.select %and3A_301, %add3A_302, %rem3A_293 : i32
        %mul3A_304 = arith.constant 16 : i32
        %mul3A_305 = arith.muli %select_n3A_303, %mul3A_304 : i32
        %dma_wait3A_306 = arith.constant 0 : i32
        %dma_wait3A_307 = tpu.memref_slice %arg4[%add3A_288, %mul3A_305, %dma_wait3A_306] : memref<1792x224x768xf32, #tpu.memory_space<hbm>> -> memref<1x16x768xf32, #tpu.memory_space<hbm>>
        %dma_wait3A_308 = tpu.memref_squeeze %dma_wait3A_307 : memref<1x16x768xf32, #tpu.memory_space<hbm>> -> memref<16x768xf32, #tpu.memory_space<hbm>>
        %dma_wait3A_309 = arith.constant 0 : i32
        %dma_wait3A_310 = tpu.memref_slice %arg4[%add3A_288, %mul3A_305, %dma_wait3A_309] : memref<1792x224x768xf32, #tpu.memory_space<hbm>> -> memref<1x16x768xf32, #tpu.memory_space<hbm>>
        %dma_wait3A_311 = tpu.memref_squeeze %dma_wait3A_310 : memref<1x16x768xf32, #tpu.memory_space<hbm>> -> memref<16x768xf32, #tpu.memory_space<hbm>>
        tpu.wait_dma2 semaphore(%arg17 : memref<!tpu.dma_semaphore, #tpu.memory_space<semaphore_mem>>) src(%arg7 : memref<16x768xf32, #tpu.memory_space<vmem>>) dst(%dma_wait3A_311 : memref<16x768xf32, #tpu.memory_space<hbm>>)
      } else {
      }
      %dma_start3A_89 = arith.constant 0 : i32
      %dma_start3A_90 = arith.constant 0 : i32
      %dma_start3A_91 = arith.constant 0 : i32
      %dma_start3A_92 = tpu.memref_slice %arg7[%dma_start3A_90, %dma_start3A_91] : memref<16x768xf32, #tpu.memory_space<vmem>> -> memref<16x256xf32, #tpu.memory_space<vmem>>
      %dma_start3A_93 = arith.constant 0 : i32
      %dma_start3A_94 = tpu.memref_slice %arg5[%dma_start3A_89, %dma_start3A_93] : memref<56x48xi32, #tpu.memory_space<vmem>> -> memref<1x16xi32, #tpu.memory_space<vmem>>
      %dma_start3A_95 = tpu.memref_squeeze %dma_start3A_94 : memref<1x16xi32, #tpu.memory_space<vmem>> -> memref<16xi32, #tpu.memory_space<vmem>>
      %dma_start3A_96 = arith.constant 0 : i32
      %dma_start3A_97 = arith.constant 0 : i32
      %dma_start3A_98 = tpu.memref_slice %arg3[%dma_start3A_96, %dma_start3A_97] : memref<768x256xf32, #tpu.memory_space<hbm>> -> memref<768x256xf32, #tpu.memory_space<hbm>>
      tpu.enqueue_indirect_dma source(%dma_start3A_98 : memref<768x256xf32, #tpu.memory_space<hbm>>) target(%dma_start3A_92 : memref<16x256xf32, #tpu.memory_space<vmem>>) offsets(%dma_start3A_95 : memref<16xi32, #tpu.memory_space<vmem>>) semaphore(%arg13 : memref<!tpu.dma_semaphore, #tpu.memory_space<semaphore_mem>>)
      %dma_start3A_99 = arith.constant 0 : i32
      %dma_start3A_100 = arith.constant 0 : i32
      %dma_start3A_101 = arith.constant 256 : i32
      %dma_start3A_102 = tpu.memref_slice %arg7[%dma_start3A_100, %dma_start3A_101] : memref<16x768xf32, #tpu.memory_space<vmem>> -> memref<16x256xf32, #tpu.memory_space<vmem>>
      %dma_start3A_103 = arith.constant 16 : i32
      %dma_start3A_104 = tpu.memref_slice %arg5[%dma_start3A_99, %dma_start3A_103] : memref<56x48xi32, #tpu.memory_space<vmem>> -> memref<1x16xi32, #tpu.memory_space<vmem>>
      %dma_start3A_105 = tpu.memref_squeeze %dma_start3A_104 : memref<1x16xi32, #tpu.memory_space<vmem>> -> memref<16xi32, #tpu.memory_space<vmem>>
      %dma_start3A_106 = arith.constant 0 : i32
      %dma_start3A_107 = arith.constant 0 : i32
      %dma_start3A_108 = tpu.memref_slice %arg3[%dma_start3A_106, %dma_start3A_107] : memref<768x256xf32, #tpu.memory_space<hbm>> -> memref<768x256xf32, #tpu.memory_space<hbm>>
      tpu.enqueue_indirect_dma source(%dma_start3A_108 : memref<768x256xf32, #tpu.memory_space<hbm>>) target(%dma_start3A_102 : memref<16x256xf32, #tpu.memory_space<vmem>>) offsets(%dma_start3A_105 : memref<16xi32, #tpu.memory_space<vmem>>) semaphore(%arg13 : memref<!tpu.dma_semaphore, #tpu.memory_space<semaphore_mem>>)
      %dma_start3A_109 = arith.constant 0 : i32
      %dma_start3A_110 = arith.constant 0 : i32
      %dma_start3A_111 = arith.constant 512 : i32
      %dma_start3A_112 = tpu.memref_slice %arg7[%dma_start3A_110, %dma_start3A_111] : memref<16x768xf32, #tpu.memory_space<vmem>> -> memref<16x256xf32, #tpu.memory_space<vmem>>
      %dma_start3A_113 = arith.constant 32 : i32
      %dma_start3A_114 = tpu.memref_slice %arg5[%dma_start3A_109, %dma_start3A_113] : memref<56x48xi32, #tpu.memory_space<vmem>> -> memref<1x16xi32, #tpu.memory_space<vmem>>
      %dma_start3A_115 = tpu.memref_squeeze %dma_start3A_114 : memref<1x16xi32, #tpu.memory_space<vmem>> -> memref<16xi32, #tpu.memory_space<vmem>>
      %dma_start3A_116 = arith.constant 0 : i32
      %dma_start3A_117 = arith.constant 0 : i32
      %dma_start3A_118 = tpu.memref_slice %arg3[%dma_start3A_116, %dma_start3A_117] : memref<768x256xf32, #tpu.memory_space<hbm>> -> memref<768x256xf32, #tpu.memory_space<hbm>>
      tpu.enqueue_indirect_dma source(%dma_start3A_118 : memref<768x256xf32, #tpu.memory_space<hbm>>) target(%dma_start3A_112 : memref<16x256xf32, #tpu.memory_space<vmem>>) offsets(%dma_start3A_115 : memref<16xi32, #tpu.memory_space<vmem>>) semaphore(%arg13 : memref<!tpu.dma_semaphore, #tpu.memory_space<semaphore_mem>>)
      %add3A_119 = arith.constant 1 : i32
      %add3A_120 = arith.addi %mul3A_71, %add3A_119 : i32
      %ge3A_121 = arith.constant 4 : i32
      %ge3A_122 = arith.cmpi sge, %add3A_120, %ge3A_121 : i32
      %convert_element_type3A_123 = arith.extui %ge3A_122 : i1 to i32
      %cond3A_124 = arith.constant 0 : i32
      %cond3A_125 = arith.cmpi ne, %convert_element_type3A_123, %cond3A_124 : i32
      scf.if %cond3A_125 {
        %sub3A = arith.constant 4 : i32
        %sub3A_270 = arith.subi %add3A_120, %sub3A : i32
        %jit3A = arith.constant 14 : i32
        %div3A = arith.divsi %sub3A_270, %jit3A : i32
        %sign3A = arith.constant 0 : i32
        %sign3A_271 = arith.cmpi sgt, %sub3A_270, %sign3A : i32
        %sign3A_272 = arith.extui %sign3A_271 : i1 to i32
        %sign3A_273 = arith.constant 0 : i32
        %sign3A_274 = arith.cmpi slt, %sub3A_270, %sign3A_273 : i32
        %sign3A_275 = arith.extui %sign3A_274 : i1 to i32
        %sign3A_276 = arith.subi %sign3A_272, %sign3A_275 : i32
        %sign3A_277 = arith.constant 0 : i32
        %sign3A_278 = arith.cmpi sgt, %jit3A, %sign3A_277 : i32
        %sign3A_279 = arith.extui %sign3A_278 : i1 to i32
        %sign3A_280 = arith.constant 0 : i32
        %sign3A_281 = arith.cmpi slt, %jit3A, %sign3A_280 : i32
        %sign3A_282 = arith.extui %sign3A_281 : i1 to i32
        %sign3A_283 = arith.subi %sign3A_279, %sign3A_282 : i32
        %ne3A = arith.cmpi ne, %sign3A_276, %sign3A_283 : i32
        %rem3A = arith.remsi %sub3A_270, %jit3A : i32
        %ne3A_284 = arith.constant 0 : i32
        %ne3A_285 = arith.cmpi ne, %rem3A, %ne3A_284 : i32
        %and3A = arith.andi %ne3A, %ne3A_285 : i1
        %sub3A_286 = arith.constant 1 : i32
        %sub3A_287 = arith.subi %div3A, %sub3A_286 : i32
        %select_n3A = arith.select %and3A, %sub3A_287, %div3A : i32
        %add3A_288 = arith.addi %mul3A_2, %select_n3A : i32
        %jit3A_289 = arith.constant 14 : i32
        %eq3A = arith.constant 0 : i32
        %eq3A_290 = arith.cmpi eq, %jit3A_289, %eq3A : i32
        %jit3A_291 = arith.constant 1 : i32
        %select_n3A_292 = arith.select %eq3A_290, %jit3A_291, %jit3A_289 : i32
        %rem3A_293 = arith.remsi %sub3A_270, %select_n3A_292 : i32
        %ne3A_294 = arith.constant 0 : i32
        %ne3A_295 = arith.cmpi ne, %rem3A_293, %ne3A_294 : i32
        %lt3A_296 = arith.constant 0 : i32
        %lt3A_297 = arith.cmpi slt, %rem3A_293, %lt3A_296 : i32
        %lt3A_298 = arith.constant 0 : i32
        %lt3A_299 = arith.cmpi slt, %select_n3A_292, %lt3A_298 : i32
        %ne3A_300 = arith.xori %lt3A_297, %lt3A_299 : i1
        %and3A_301 = arith.andi %ne3A_300, %ne3A_295 : i1
        %add3A_302 = arith.addi %rem3A_293, %select_n3A_292 : i32
        %select_n3A_303 = arith.select %and3A_301, %add3A_302, %rem3A_293 : i32
        %mul3A_304 = arith.constant 16 : i32
        %mul3A_305 = arith.muli %select_n3A_303, %mul3A_304 : i32
        %dma_wait3A_306 = arith.constant 0 : i32
        %dma_wait3A_307 = tpu.memref_slice %arg4[%add3A_288, %mul3A_305, %dma_wait3A_306] : memref<1792x224x768xf32, #tpu.memory_space<hbm>> -> memref<1x16x768xf32, #tpu.memory_space<hbm>>
        %dma_wait3A_308 = tpu.memref_squeeze %dma_wait3A_307 : memref<1x16x768xf32, #tpu.memory_space<hbm>> -> memref<16x768xf32, #tpu.memory_space<hbm>>
        %dma_wait3A_309 = arith.constant 0 : i32
        %dma_wait3A_310 = tpu.memref_slice %arg4[%add3A_288, %mul3A_305, %dma_wait3A_309] : memref<1792x224x768xf32, #tpu.memory_space<hbm>> -> memref<1x16x768xf32, #tpu.memory_space<hbm>>
        %dma_wait3A_311 = tpu.memref_squeeze %dma_wait3A_310 : memref<1x16x768xf32, #tpu.memory_space<hbm>> -> memref<16x768xf32, #tpu.memory_space<hbm>>
        tpu.wait_dma2 semaphore(%arg18 : memref<!tpu.dma_semaphore, #tpu.memory_space<semaphore_mem>>) src(%arg8 : memref<16x768xf32, #tpu.memory_space<vmem>>) dst(%dma_wait3A_311 : memref<16x768xf32, #tpu.memory_space<hbm>>)
      } else {
      }
      %dma_start3A_126 = arith.constant 1 : i32
      %dma_start3A_127 = arith.constant 0 : i32
      %dma_start3A_128 = arith.constant 0 : i32
      %dma_start3A_129 = tpu.memref_slice %arg8[%dma_start3A_127, %dma_start3A_128] : memref<16x768xf32, #tpu.memory_space<vmem>> -> memref<16x256xf32, #tpu.memory_space<vmem>>
      %dma_start3A_130 = arith.constant 0 : i32
      %dma_start3A_131 = tpu.memref_slice %arg5[%dma_start3A_126, %dma_start3A_130] : memref<56x48xi32, #tpu.memory_space<vmem>> -> memref<1x16xi32, #tpu.memory_space<vmem>>
      %dma_start3A_132 = tpu.memref_squeeze %dma_start3A_131 : memref<1x16xi32, #tpu.memory_space<vmem>> -> memref<16xi32, #tpu.memory_space<vmem>>
      %dma_start3A_133 = arith.constant 0 : i32
      %dma_start3A_134 = arith.constant 0 : i32
      %dma_start3A_135 = tpu.memref_slice %arg3[%dma_start3A_133, %dma_start3A_134] : memref<768x256xf32, #tpu.memory_space<hbm>> -> memref<768x256xf32, #tpu.memory_space<hbm>>
      tpu.enqueue_indirect_dma source(%dma_start3A_135 : memref<768x256xf32, #tpu.memory_space<hbm>>) target(%dma_start3A_129 : memref<16x256xf32, #tpu.memory_space<vmem>>) offsets(%dma_start3A_132 : memref<16xi32, #tpu.memory_space<vmem>>) semaphore(%arg14 : memref<!tpu.dma_semaphore, #tpu.memory_space<semaphore_mem>>)
      %dma_start3A_136 = arith.constant 1 : i32
      %dma_start3A_137 = arith.constant 0 : i32
      %dma_start3A_138 = arith.constant 256 : i32
      %dma_start3A_139 = tpu.memref_slice %arg8[%dma_start3A_137, %dma_start3A_138] : memref<16x768xf32, #tpu.memory_space<vmem>> -> memref<16x256xf32, #tpu.memory_space<vmem>>
      %dma_start3A_140 = arith.constant 16 : i32
      %dma_start3A_141 = tpu.memref_slice %arg5[%dma_start3A_136, %dma_start3A_140] : memref<56x48xi32, #tpu.memory_space<vmem>> -> memref<1x16xi32, #tpu.memory_space<vmem>>
      %dma_start3A_142 = tpu.memref_squeeze %dma_start3A_141 : memref<1x16xi32, #tpu.memory_space<vmem>> -> memref<16xi32, #tpu.memory_space<vmem>>
      %dma_start3A_143 = arith.constant 0 : i32
      %dma_start3A_144 = arith.constant 0 : i32
      %dma_start3A_145 = tpu.memref_slice %arg3[%dma_start3A_143, %dma_start3A_144] : memref<768x256xf32, #tpu.memory_space<hbm>> -> memref<768x256xf32, #tpu.memory_space<hbm>>
      tpu.enqueue_indirect_dma source(%dma_start3A_145 : memref<768x256xf32, #tpu.memory_space<hbm>>) target(%dma_start3A_139 : memref<16x256xf32, #tpu.memory_space<vmem>>) offsets(%dma_start3A_142 : memref<16xi32, #tpu.memory_space<vmem>>) semaphore(%arg14 : memref<!tpu.dma_semaphore, #tpu.memory_space<semaphore_mem>>)
      %dma_start3A_146 = arith.constant 1 : i32
      %dma_start3A_147 = arith.constant 0 : i32
      %dma_start3A_148 = arith.constant 512 : i32
      %dma_start3A_149 = tpu.memref_slice %arg8[%dma_start3A_147, %dma_start3A_148] : memref<16x768xf32, #tpu.memory_space<vmem>> -> memref<16x256xf32, #tpu.memory_space<vmem>>
      %dma_start3A_150 = arith.constant 32 : i32
      %dma_start3A_151 = tpu.memref_slice %arg5[%dma_start3A_146, %dma_start3A_150] : memref<56x48xi32, #tpu.memory_space<vmem>> -> memref<1x16xi32, #tpu.memory_space<vmem>>
      %dma_start3A_152 = tpu.memref_squeeze %dma_start3A_151 : memref<1x16xi32, #tpu.memory_space<vmem>> -> memref<16xi32, #tpu.memory_space<vmem>>
      %dma_start3A_153 = arith.constant 0 : i32
      %dma_start3A_154 = arith.constant 0 : i32
      %dma_start3A_155 = tpu.memref_slice %arg3[%dma_start3A_153, %dma_start3A_154] : memref<768x256xf32, #tpu.memory_space<hbm>> -> memref<768x256xf32, #tpu.memory_space<hbm>>
      tpu.enqueue_indirect_dma source(%dma_start3A_155 : memref<768x256xf32, #tpu.memory_space<hbm>>) target(%dma_start3A_149 : memref<16x256xf32, #tpu.memory_space<vmem>>) offsets(%dma_start3A_152 : memref<16xi32, #tpu.memory_space<vmem>>) semaphore(%arg14 : memref<!tpu.dma_semaphore, #tpu.memory_space<semaphore_mem>>)
      %scan3A_156 = arith.constant 0 : i32
      %scan3A_157 = arith.constant 14 : i32
      %scan3A_158 = arith.addi %scan3A_156, %scan3A_157 : i32
      %scan3A_159 = arith.constant 1 : i32
      scf.for %scan3A_270 = %scan3A_156 to %scan3A_158 step %scan3A_159  : i32 {
        %mul3A_271 = arith.constant 4 : i32
        %mul3A_272 = arith.muli %scan3A_270, %mul3A_271 : i32
        %add3A_273 = arith.constant 0 : i32
        %add3A_274 = arith.addi %add3A_273, %mul3A_272 : i32
        %add3A_275 = arith.constant 0 : i32
        %add3A_276 = arith.addi %add3A_274, %add3A_275 : i32
        %add3A_277 = arith.addi %mul3A_71, %add3A_276 : i32
        %add3A_278 = arith.constant 2 : i32
        %add3A_279 = arith.addi %add3A_276, %add3A_278 : i32
        %lt3A_280 = arith.constant 56 : i32
        %lt3A_281 = arith.cmpi slt, %add3A_279, %lt3A_280 : i32
        %convert_element_type3A_282 = arith.extui %lt3A_281 : i1 to i32
        %cond3A_283 = arith.constant 0 : i32
        %cond3A_284 = arith.cmpi ne, %convert_element_type3A_282, %cond3A_283 : i32
        scf.if %cond3A_284 {
          %ge3A_610 = arith.constant 2 : i32
          %ge3A_611 = arith.cmpi sge, %add3A_277, %ge3A_610 : i32
          %convert_element_type3A_612 = arith.extui %ge3A_611 : i1 to i32
          %cond3A_613 = arith.constant 0 : i32
          %cond3A_614 = arith.cmpi ne, %convert_element_type3A_612, %cond3A_613 : i32
          scf.if %cond3A_614 {
            %sub3A_646 = arith.constant 2 : i32
            %sub3A_647 = arith.subi %add3A_277, %sub3A_646 : i32
            %jit3A_648 = arith.constant 14 : i32
            %div3A_649 = arith.divsi %sub3A_647, %jit3A_648 : i32
            %sign3A_650 = arith.constant 0 : i32
            %sign3A_651 = arith.cmpi sgt, %sub3A_647, %sign3A_650 : i32
            %sign3A_652 = arith.extui %sign3A_651 : i1 to i32
            %sign3A_653 = arith.constant 0 : i32
            %sign3A_654 = arith.cmpi slt, %sub3A_647, %sign3A_653 : i32
            %sign3A_655 = arith.extui %sign3A_654 : i1 to i32
            %sign3A_656 = arith.subi %sign3A_652, %sign3A_655 : i32
            %sign3A_657 = arith.constant 0 : i32
            %sign3A_658 = arith.cmpi sgt, %jit3A_648, %sign3A_657 : i32
            %sign3A_659 = arith.extui %sign3A_658 : i1 to i32
            %sign3A_660 = arith.constant 0 : i32
            %sign3A_661 = arith.cmpi slt, %jit3A_648, %sign3A_660 : i32
            %sign3A_662 = arith.extui %sign3A_661 : i1 to i32
            %sign3A_663 = arith.subi %sign3A_659, %sign3A_662 : i32
            %ne3A_664 = arith.cmpi ne, %sign3A_656, %sign3A_663 : i32
            %rem3A_665 = arith.remsi %sub3A_647, %jit3A_648 : i32
            %ne3A_666 = arith.constant 0 : i32
            %ne3A_667 = arith.cmpi ne, %rem3A_665, %ne3A_666 : i32
            %and3A_668 = arith.andi %ne3A_664, %ne3A_667 : i1
            %sub3A_669 = arith.constant 1 : i32
            %sub3A_670 = arith.subi %div3A_649, %sub3A_669 : i32
            %select_n3A_671 = arith.select %and3A_668, %sub3A_670, %div3A_649 : i32
            %add3A_672 = arith.addi %mul3A_2, %select_n3A_671 : i32
            %jit3A_673 = arith.constant 14 : i32
            %eq3A_674 = arith.constant 0 : i32
            %eq3A_675 = arith.cmpi eq, %jit3A_673, %eq3A_674 : i32
            %jit3A_676 = arith.constant 1 : i32
            %select_n3A_677 = arith.select %eq3A_675, %jit3A_676, %jit3A_673 : i32
            %rem3A_678 = arith.remsi %sub3A_647, %select_n3A_677 : i32
            %ne3A_679 = arith.constant 0 : i32
            %ne3A_680 = arith.cmpi ne, %rem3A_678, %ne3A_679 : i32
            %lt3A_681 = arith.constant 0 : i32
            %lt3A_682 = arith.cmpi slt, %rem3A_678, %lt3A_681 : i32
            %lt3A_683 = arith.constant 0 : i32
            %lt3A_684 = arith.cmpi slt, %select_n3A_677, %lt3A_683 : i32
            %ne3A_685 = arith.xori %lt3A_682, %lt3A_684 : i1
            %and3A_686 = arith.andi %ne3A_685, %ne3A_680 : i1
            %add3A_687 = arith.addi %rem3A_678, %select_n3A_677 : i32
            %select_n3A_688 = arith.select %and3A_686, %add3A_687, %rem3A_678 : i32
            %mul3A_689 = arith.constant 16 : i32
            %mul3A_690 = arith.muli %select_n3A_688, %mul3A_689 : i32
            %dma_wait3A_691 = arith.constant 0 : i32
            %dma_wait3A_692 = tpu.memref_slice %arg4[%add3A_672, %mul3A_690, %dma_wait3A_691] : memref<1792x224x768xf32, #tpu.memory_space<hbm>> -> memref<1x16x768xf32, #tpu.memory_space<hbm>>
            %dma_wait3A_693 = tpu.memref_squeeze %dma_wait3A_692 : memref<1x16x768xf32, #tpu.memory_space<hbm>> -> memref<16x768xf32, #tpu.memory_space<hbm>>
            %dma_wait3A_694 = arith.constant 0 : i32
            %dma_wait3A_695 = tpu.memref_slice %arg4[%add3A_672, %mul3A_690, %dma_wait3A_694] : memref<1792x224x768xf32, #tpu.memory_space<hbm>> -> memref<1x16x768xf32, #tpu.memory_space<hbm>>
            %dma_wait3A_696 = tpu.memref_squeeze %dma_wait3A_695 : memref<1x16x768xf32, #tpu.memory_space<hbm>> -> memref<16x768xf32, #tpu.memory_space<hbm>>
            tpu.wait_dma2 semaphore(%arg19 : memref<!tpu.dma_semaphore, #tpu.memory_space<semaphore_mem>>) src(%arg9 : memref<16x768xf32, #tpu.memory_space<vmem>>) dst(%dma_wait3A_696 : memref<16x768xf32, #tpu.memory_space<hbm>>)
          } else {
          }
          %add3A_615 = arith.constant 2 : i32
          %add3A_616 = arith.addi %add3A_277, %add3A_615 : i32
          %add3A_617 = arith.constant 2 : i32
          %add3A_618 = arith.addi %add3A_276, %add3A_617 : i32
          %dma_start3A_619 = arith.constant 0 : i32
          %dma_start3A_620 = arith.constant 0 : i32
          %dma_start3A_621 = tpu.memref_slice %arg9[%dma_start3A_619, %dma_start3A_620] : memref<16x768xf32, #tpu.memory_space<vmem>> -> memref<16x256xf32, #tpu.memory_space<vmem>>
          %dma_start3A_622 = arith.constant 0 : i32
          %dma_start3A_623 = tpu.memref_slice %arg5[%add3A_618, %dma_start3A_622] : memref<56x48xi32, #tpu.memory_space<vmem>> -> memref<1x16xi32, #tpu.memory_space<vmem>>
          %dma_start3A_624 = tpu.memref_squeeze %dma_start3A_623 : memref<1x16xi32, #tpu.memory_space<vmem>> -> memref<16xi32, #tpu.memory_space<vmem>>
          %dma_start3A_625 = arith.constant 0 : i32
          %dma_start3A_626 = arith.constant 0 : i32
          %dma_start3A_627 = tpu.memref_slice %arg3[%dma_start3A_625, %dma_start3A_626] : memref<768x256xf32, #tpu.memory_space<hbm>> -> memref<768x256xf32, #tpu.memory_space<hbm>>
          tpu.enqueue_indirect_dma source(%dma_start3A_627 : memref<768x256xf32, #tpu.memory_space<hbm>>) target(%dma_start3A_621 : memref<16x256xf32, #tpu.memory_space<vmem>>) offsets(%dma_start3A_624 : memref<16xi32, #tpu.memory_space<vmem>>) semaphore(%arg15 : memref<!tpu.dma_semaphore, #tpu.memory_space<semaphore_mem>>)
          %dma_start3A_628 = arith.constant 0 : i32
          %dma_start3A_629 = arith.constant 256 : i32
          %dma_start3A_630 = tpu.memref_slice %arg9[%dma_start3A_628, %dma_start3A_629] : memref<16x768xf32, #tpu.memory_space<vmem>> -> memref<16x256xf32, #tpu.memory_space<vmem>>
          %dma_start3A_631 = arith.constant 16 : i32
          %dma_start3A_632 = tpu.memref_slice %arg5[%add3A_618, %dma_start3A_631] : memref<56x48xi32, #tpu.memory_space<vmem>> -> memref<1x16xi32, #tpu.memory_space<vmem>>
          %dma_start3A_633 = tpu.memref_squeeze %dma_start3A_632 : memref<1x16xi32, #tpu.memory_space<vmem>> -> memref<16xi32, #tpu.memory_space<vmem>>
          %dma_start3A_634 = arith.constant 0 : i32
          %dma_start3A_635 = arith.constant 0 : i32
          %dma_start3A_636 = tpu.memref_slice %arg3[%dma_start3A_634, %dma_start3A_635] : memref<768x256xf32, #tpu.memory_space<hbm>> -> memref<768x256xf32, #tpu.memory_space<hbm>>
          tpu.enqueue_indirect_dma source(%dma_start3A_636 : memref<768x256xf32, #tpu.memory_space<hbm>>) target(%dma_start3A_630 : memref<16x256xf32, #tpu.memory_space<vmem>>) offsets(%dma_start3A_633 : memref<16xi32, #tpu.memory_space<vmem>>) semaphore(%arg15 : memref<!tpu.dma_semaphore, #tpu.memory_space<semaphore_mem>>)
          %dma_start3A_637 = arith.constant 0 : i32
          %dma_start3A_638 = arith.constant 512 : i32
          %dma_start3A_639 = tpu.memref_slice %arg9[%dma_start3A_637, %dma_start3A_638] : memref<16x768xf32, #tpu.memory_space<vmem>> -> memref<16x256xf32, #tpu.memory_space<vmem>>
          %dma_start3A_640 = arith.constant 32 : i32
          %dma_start3A_641 = tpu.memref_slice %arg5[%add3A_618, %dma_start3A_640] : memref<56x48xi32, #tpu.memory_space<vmem>> -> memref<1x16xi32, #tpu.memory_space<vmem>>
          %dma_start3A_642 = tpu.memref_squeeze %dma_start3A_641 : memref<1x16xi32, #tpu.memory_space<vmem>> -> memref<16xi32, #tpu.memory_space<vmem>>
          %dma_start3A_643 = arith.constant 0 : i32
          %dma_start3A_644 = arith.constant 0 : i32
          %dma_start3A_645 = tpu.memref_slice %arg3[%dma_start3A_643, %dma_start3A_644] : memref<768x256xf32, #tpu.memory_space<hbm>> -> memref<768x256xf32, #tpu.memory_space<hbm>>
          tpu.enqueue_indirect_dma source(%dma_start3A_645 : memref<768x256xf32, #tpu.memory_space<hbm>>) target(%dma_start3A_639 : memref<16x256xf32, #tpu.memory_space<vmem>>) offsets(%dma_start3A_642 : memref<16xi32, #tpu.memory_space<vmem>>) semaphore(%arg15 : memref<!tpu.dma_semaphore, #tpu.memory_space<semaphore_mem>>)
        } else {
        }
        %dma_wait3A_285 = arith.constant 0 : i32
        %dma_wait3A_286 = arith.constant 0 : i32
        %dma_wait3A_287 = tpu.memref_slice %arg7[%dma_wait3A_285, %dma_wait3A_286] : memref<16x768xf32, #tpu.memory_space<vmem>> -> memref<16x256xf32, #tpu.memory_space<vmem>>
        %dma_wait3A_288 = arith.constant 0 : i32
        %dma_wait3A_289 = tpu.memref_slice %arg5[%add3A_276, %dma_wait3A_288] : memref<56x48xi32, #tpu.memory_space<vmem>> -> memref<1x16xi32, #tpu.memory_space<vmem>>
        %dma_wait3A_290 = tpu.memref_squeeze %dma_wait3A_289 : memref<1x16xi32, #tpu.memory_space<vmem>> -> memref<16xi32, #tpu.memory_space<vmem>>
        %dma_wait3A_291 = arith.constant 0 : i32
        %dma_wait3A_292 = arith.constant 0 : i32
        %dma_wait3A_293 = tpu.memref_slice %arg3[%dma_wait3A_291, %dma_wait3A_292] : memref<768x256xf32, #tpu.memory_space<hbm>> -> memref<768x256xf32, #tpu.memory_space<hbm>>
        tpu.wait_indirect_dma semaphore(%arg13 : memref<!tpu.dma_semaphore, #tpu.memory_space<semaphore_mem>>) src(%dma_wait3A_293 : memref<768x256xf32, #tpu.memory_space<hbm>>) dst(%dma_wait3A_287 : memref<16x256xf32, #tpu.memory_space<vmem>>)
        %dma_wait3A_294 = arith.constant 0 : i32
        %dma_wait3A_295 = arith.constant 256 : i32
        %dma_wait3A_296 = tpu.memref_slice %arg7[%dma_wait3A_294, %dma_wait3A_295] : memref<16x768xf32, #tpu.memory_space<vmem>> -> memref<16x256xf32, #tpu.memory_space<vmem>>
        %dma_wait3A_297 = arith.constant 16 : i32
        %dma_wait3A_298 = tpu.memref_slice %arg5[%add3A_276, %dma_wait3A_297] : memref<56x48xi32, #tpu.memory_space<vmem>> -> memref<1x16xi32, #tpu.memory_space<vmem>>
        %dma_wait3A_299 = tpu.memref_squeeze %dma_wait3A_298 : memref<1x16xi32, #tpu.memory_space<vmem>> -> memref<16xi32, #tpu.memory_space<vmem>>
        %dma_wait3A_300 = arith.constant 0 : i32
        %dma_wait3A_301 = arith.constant 0 : i32
        %dma_wait3A_302 = tpu.memref_slice %arg3[%dma_wait3A_300, %dma_wait3A_301] : memref<768x256xf32, #tpu.memory_space<hbm>> -> memref<768x256xf32, #tpu.memory_space<hbm>>
        tpu.wait_indirect_dma semaphore(%arg13 : memref<!tpu.dma_semaphore, #tpu.memory_space<semaphore_mem>>) src(%dma_wait3A_302 : memref<768x256xf32, #tpu.memory_space<hbm>>) dst(%dma_wait3A_296 : memref<16x256xf32, #tpu.memory_space<vmem>>)
        %dma_wait3A_303 = arith.constant 0 : i32
        %dma_wait3A_304 = arith.constant 512 : i32
        %dma_wait3A_305 = tpu.memref_slice %arg7[%dma_wait3A_303, %dma_wait3A_304] : memref<16x768xf32, #tpu.memory_space<vmem>> -> memref<16x256xf32, #tpu.memory_space<vmem>>
        %dma_wait3A_306 = arith.constant 32 : i32
        %dma_wait3A_307 = tpu.memref_slice %arg5[%add3A_276, %dma_wait3A_306] : memref<56x48xi32, #tpu.memory_space<vmem>> -> memref<1x16xi32, #tpu.memory_space<vmem>>
        %dma_wait3A_308 = tpu.memref_squeeze %dma_wait3A_307 : memref<1x16xi32, #tpu.memory_space<vmem>> -> memref<16xi32, #tpu.memory_space<vmem>>
        %dma_wait3A_309 = arith.constant 0 : i32
        %dma_wait3A_310 = arith.constant 0 : i32
        %dma_wait3A_311 = tpu.memref_slice %arg3[%dma_wait3A_309, %dma_wait3A_310] : memref<768x256xf32, #tpu.memory_space<hbm>> -> memref<768x256xf32, #tpu.memory_space<hbm>>
        tpu.wait_indirect_dma semaphore(%arg13 : memref<!tpu.dma_semaphore, #tpu.memory_space<semaphore_mem>>) src(%dma_wait3A_311 : memref<768x256xf32, #tpu.memory_space<hbm>>) dst(%dma_wait3A_305 : memref<16x256xf32, #tpu.memory_space<vmem>>)
        %jit3A = arith.constant 14 : i32
        %div3A = arith.divsi %add3A_277, %jit3A : i32
        %sign3A = arith.constant 0 : i32
        %sign3A_312 = arith.cmpi sgt, %add3A_277, %sign3A : i32
        %sign3A_313 = arith.extui %sign3A_312 : i1 to i32
        %sign3A_314 = arith.constant 0 : i32
        %sign3A_315 = arith.cmpi slt, %add3A_277, %sign3A_314 : i32
        %sign3A_316 = arith.extui %sign3A_315 : i1 to i32
        %sign3A_317 = arith.subi %sign3A_313, %sign3A_316 : i32
        %sign3A_318 = arith.constant 0 : i32
        %sign3A_319 = arith.cmpi sgt, %jit3A, %sign3A_318 : i32
        %sign3A_320 = arith.extui %sign3A_319 : i1 to i32
        %sign3A_321 = arith.constant 0 : i32
        %sign3A_322 = arith.cmpi slt, %jit3A, %sign3A_321 : i32
        %sign3A_323 = arith.extui %sign3A_322 : i1 to i32
        %sign3A_324 = arith.subi %sign3A_320, %sign3A_323 : i32
        %ne3A = arith.cmpi ne, %sign3A_317, %sign3A_324 : i32
        %rem3A = arith.remsi %add3A_277, %jit3A : i32
        %ne3A_325 = arith.constant 0 : i32
        %ne3A_326 = arith.cmpi ne, %rem3A, %ne3A_325 : i32
        %and3A = arith.andi %ne3A, %ne3A_326 : i1
        %sub3A = arith.constant 1 : i32
        %sub3A_327 = arith.subi %div3A, %sub3A : i32
        %select_n3A = arith.select %and3A, %sub3A_327, %div3A : i32
        %add3A_328 = arith.addi %mul3A_2, %select_n3A : i32
        %jit3A_329 = arith.constant 14 : i32
        %eq3A = arith.constant 0 : i32
        %eq3A_330 = arith.cmpi eq, %jit3A_329, %eq3A : i32
        %jit3A_331 = arith.constant 1 : i32
        %select_n3A_332 = arith.select %eq3A_330, %jit3A_331, %jit3A_329 : i32
        %rem3A_333 = arith.remsi %add3A_277, %select_n3A_332 : i32
        %ne3A_334 = arith.constant 0 : i32
        %ne3A_335 = arith.cmpi ne, %rem3A_333, %ne3A_334 : i32
        %lt3A_336 = arith.constant 0 : i32
        %lt3A_337 = arith.cmpi slt, %rem3A_333, %lt3A_336 : i32
        %lt3A_338 = arith.constant 0 : i32
        %lt3A_339 = arith.cmpi slt, %select_n3A_332, %lt3A_338 : i32
        %ne3A_340 = arith.xori %lt3A_337, %lt3A_339 : i1
        %and3A_341 = arith.andi %ne3A_340, %ne3A_335 : i1
        %add3A_342 = arith.addi %rem3A_333, %select_n3A_332 : i32
        %select_n3A_343 = arith.select %and3A_341, %add3A_342, %rem3A_333 : i32
        %mul3A_344 = arith.constant 16 : i32
        %mul3A_345 = arith.muli %select_n3A_343, %mul3A_344 : i32
        %dma_start3A_346 = arith.constant 0 : i32
        %dma_start3A_347 = tpu.memref_slice %arg4[%add3A_328, %mul3A_345, %dma_start3A_346] : memref<1792x224x768xf32, #tpu.memory_space<hbm>> -> memref<1x16x768xf32, #tpu.memory_space<hbm>>
        %dma_start3A_348 = tpu.memref_squeeze %dma_start3A_347 : memref<1x16x768xf32, #tpu.memory_space<hbm>> -> memref<16x768xf32, #tpu.memory_space<hbm>>
        %dma_start3A_349 = arith.constant 0 : i32
        %dma_start3A_350 = tpu.memref_slice %arg4[%add3A_328, %mul3A_345, %dma_start3A_349] : memref<1792x224x768xf32, #tpu.memory_space<hbm>> -> memref<1x16x768xf32, #tpu.memory_space<hbm>>
        %dma_start3A_351 = tpu.memref_squeeze %dma_start3A_350 : memref<1x16x768xf32, #tpu.memory_space<hbm>> -> memref<16x768xf32, #tpu.memory_space<hbm>>
        tpu.enqueue_dma source(%arg7 : memref<16x768xf32, #tpu.memory_space<vmem>>) target(%dma_start3A_351 : memref<16x768xf32, #tpu.memory_space<hbm>>) target_semaphore(%arg17 : memref<!tpu.dma_semaphore, #tpu.memory_space<semaphore_mem>>)
        %add3A_352 = arith.constant 1 : i32
        %add3A_353 = arith.addi %add3A_274, %add3A_352 : i32
        %add3A_354 = arith.addi %mul3A_71, %add3A_353 : i32
        %add3A_355 = arith.constant 2 : i32
        %add3A_356 = arith.addi %add3A_353, %add3A_355 : i32
        %lt3A_357 = arith.constant 56 : i32
        %lt3A_358 = arith.cmpi slt, %add3A_356, %lt3A_357 : i32
        %convert_element_type3A_359 = arith.extui %lt3A_358 : i1 to i32
        %cond3A_360 = arith.constant 0 : i32
        %cond3A_361 = arith.cmpi ne, %convert_element_type3A_359, %cond3A_360 : i32
        scf.if %cond3A_361 {
          %ge3A_610 = arith.constant 2 : i32
          %ge3A_611 = arith.cmpi sge, %add3A_354, %ge3A_610 : i32
          %convert_element_type3A_612 = arith.extui %ge3A_611 : i1 to i32
          %cond3A_613 = arith.constant 0 : i32
          %cond3A_614 = arith.cmpi ne, %convert_element_type3A_612, %cond3A_613 : i32
          scf.if %cond3A_614 {
            %sub3A_646 = arith.constant 2 : i32
            %sub3A_647 = arith.subi %add3A_354, %sub3A_646 : i32
            %jit3A_648 = arith.constant 14 : i32
            %div3A_649 = arith.divsi %sub3A_647, %jit3A_648 : i32
            %sign3A_650 = arith.constant 0 : i32
            %sign3A_651 = arith.cmpi sgt, %sub3A_647, %sign3A_650 : i32
            %sign3A_652 = arith.extui %sign3A_651 : i1 to i32
            %sign3A_653 = arith.constant 0 : i32
            %sign3A_654 = arith.cmpi slt, %sub3A_647, %sign3A_653 : i32
            %sign3A_655 = arith.extui %sign3A_654 : i1 to i32
            %sign3A_656 = arith.subi %sign3A_652, %sign3A_655 : i32
            %sign3A_657 = arith.constant 0 : i32
            %sign3A_658 = arith.cmpi sgt, %jit3A_648, %sign3A_657 : i32
            %sign3A_659 = arith.extui %sign3A_658 : i1 to i32
            %sign3A_660 = arith.constant 0 : i32
            %sign3A_661 = arith.cmpi slt, %jit3A_648, %sign3A_660 : i32
            %sign3A_662 = arith.extui %sign3A_661 : i1 to i32
            %sign3A_663 = arith.subi %sign3A_659, %sign3A_662 : i32
            %ne3A_664 = arith.cmpi ne, %sign3A_656, %sign3A_663 : i32
            %rem3A_665 = arith.remsi %sub3A_647, %jit3A_648 : i32
            %ne3A_666 = arith.constant 0 : i32
            %ne3A_667 = arith.cmpi ne, %rem3A_665, %ne3A_666 : i32
            %and3A_668 = arith.andi %ne3A_664, %ne3A_667 : i1
            %sub3A_669 = arith.constant 1 : i32
            %sub3A_670 = arith.subi %div3A_649, %sub3A_669 : i32
            %select_n3A_671 = arith.select %and3A_668, %sub3A_670, %div3A_649 : i32
            %add3A_672 = arith.addi %mul3A_2, %select_n3A_671 : i32
            %jit3A_673 = arith.constant 14 : i32
            %eq3A_674 = arith.constant 0 : i32
            %eq3A_675 = arith.cmpi eq, %jit3A_673, %eq3A_674 : i32
            %jit3A_676 = arith.constant 1 : i32
            %select_n3A_677 = arith.select %eq3A_675, %jit3A_676, %jit3A_673 : i32
            %rem3A_678 = arith.remsi %sub3A_647, %select_n3A_677 : i32
            %ne3A_679 = arith.constant 0 : i32
            %ne3A_680 = arith.cmpi ne, %rem3A_678, %ne3A_679 : i32
            %lt3A_681 = arith.constant 0 : i32
            %lt3A_682 = arith.cmpi slt, %rem3A_678, %lt3A_681 : i32
            %lt3A_683 = arith.constant 0 : i32
            %lt3A_684 = arith.cmpi slt, %select_n3A_677, %lt3A_683 : i32
            %ne3A_685 = arith.xori %lt3A_682, %lt3A_684 : i1
            %and3A_686 = arith.andi %ne3A_685, %ne3A_680 : i1
            %add3A_687 = arith.addi %rem3A_678, %select_n3A_677 : i32
            %select_n3A_688 = arith.select %and3A_686, %add3A_687, %rem3A_678 : i32
            %mul3A_689 = arith.constant 16 : i32
            %mul3A_690 = arith.muli %select_n3A_688, %mul3A_689 : i32
            %dma_wait3A_691 = arith.constant 0 : i32
            %dma_wait3A_692 = tpu.memref_slice %arg4[%add3A_672, %mul3A_690, %dma_wait3A_691] : memref<1792x224x768xf32, #tpu.memory_space<hbm>> -> memref<1x16x768xf32, #tpu.memory_space<hbm>>
            %dma_wait3A_693 = tpu.memref_squeeze %dma_wait3A_692 : memref<1x16x768xf32, #tpu.memory_space<hbm>> -> memref<16x768xf32, #tpu.memory_space<hbm>>
            %dma_wait3A_694 = arith.constant 0 : i32
            %dma_wait3A_695 = tpu.memref_slice %arg4[%add3A_672, %mul3A_690, %dma_wait3A_694] : memref<1792x224x768xf32, #tpu.memory_space<hbm>> -> memref<1x16x768xf32, #tpu.memory_space<hbm>>
            %dma_wait3A_696 = tpu.memref_squeeze %dma_wait3A_695 : memref<1x16x768xf32, #tpu.memory_space<hbm>> -> memref<16x768xf32, #tpu.memory_space<hbm>>
            tpu.wait_dma2 semaphore(%arg20 : memref<!tpu.dma_semaphore, #tpu.memory_space<semaphore_mem>>) src(%arg10 : memref<16x768xf32, #tpu.memory_space<vmem>>) dst(%dma_wait3A_696 : memref<16x768xf32, #tpu.memory_space<hbm>>)
          } else {
          }
          %add3A_615 = arith.constant 2 : i32
          %add3A_616 = arith.addi %add3A_354, %add3A_615 : i32
          %add3A_617 = arith.constant 2 : i32
          %add3A_618 = arith.addi %add3A_353, %add3A_617 : i32
          %dma_start3A_619 = arith.constant 0 : i32
          %dma_start3A_620 = arith.constant 0 : i32
          %dma_start3A_621 = tpu.memref_slice %arg10[%dma_start3A_619, %dma_start3A_620] : memref<16x768xf32, #tpu.memory_space<vmem>> -> memref<16x256xf32, #tpu.memory_space<vmem>>
          %dma_start3A_622 = arith.constant 0 : i32
          %dma_start3A_623 = tpu.memref_slice %arg5[%add3A_618, %dma_start3A_622] : memref<56x48xi32, #tpu.memory_space<vmem>> -> memref<1x16xi32, #tpu.memory_space<vmem>>
          %dma_start3A_624 = tpu.memref_squeeze %dma_start3A_623 : memref<1x16xi32, #tpu.memory_space<vmem>> -> memref<16xi32, #tpu.memory_space<vmem>>
          %dma_start3A_625 = arith.constant 0 : i32
          %dma_start3A_626 = arith.constant 0 : i32
          %dma_start3A_627 = tpu.memref_slice %arg3[%dma_start3A_625, %dma_start3A_626] : memref<768x256xf32, #tpu.memory_space<hbm>> -> memref<768x256xf32, #tpu.memory_space<hbm>>
          tpu.enqueue_indirect_dma source(%dma_start3A_627 : memref<768x256xf32, #tpu.memory_space<hbm>>) target(%dma_start3A_621 : memref<16x256xf32, #tpu.memory_space<vmem>>) offsets(%dma_start3A_624 : memref<16xi32, #tpu.memory_space<vmem>>) semaphore(%arg16 : memref<!tpu.dma_semaphore, #tpu.memory_space<semaphore_mem>>)
          %dma_start3A_628 = arith.constant 0 : i32
          %dma_start3A_629 = arith.constant 256 : i32
          %dma_start3A_630 = tpu.memref_slice %arg10[%dma_start3A_628, %dma_start3A_629] : memref<16x768xf32, #tpu.memory_space<vmem>> -> memref<16x256xf32, #tpu.memory_space<vmem>>
          %dma_start3A_631 = arith.constant 16 : i32
          %dma_start3A_632 = tpu.memref_slice %arg5[%add3A_618, %dma_start3A_631] : memref<56x48xi32, #tpu.memory_space<vmem>> -> memref<1x16xi32, #tpu.memory_space<vmem>>
          %dma_start3A_633 = tpu.memref_squeeze %dma_start3A_632 : memref<1x16xi32, #tpu.memory_space<vmem>> -> memref<16xi32, #tpu.memory_space<vmem>>
          %dma_start3A_634 = arith.constant 0 : i32
          %dma_start3A_635 = arith.constant 0 : i32
          %dma_start3A_636 = tpu.memref_slice %arg3[%dma_start3A_634, %dma_start3A_635] : memref<768x256xf32, #tpu.memory_space<hbm>> -> memref<768x256xf32, #tpu.memory_space<hbm>>
          tpu.enqueue_indirect_dma source(%dma_start3A_636 : memref<768x256xf32, #tpu.memory_space<hbm>>) target(%dma_start3A_630 : memref<16x256xf32, #tpu.memory_space<vmem>>) offsets(%dma_start3A_633 : memref<16xi32, #tpu.memory_space<vmem>>) semaphore(%arg16 : memref<!tpu.dma_semaphore, #tpu.memory_space<semaphore_mem>>)
          %dma_start3A_637 = arith.constant 0 : i32
          %dma_start3A_638 = arith.constant 512 : i32
          %dma_start3A_639 = tpu.memref_slice %arg10[%dma_start3A_637, %dma_start3A_638] : memref<16x768xf32, #tpu.memory_space<vmem>> -> memref<16x256xf32, #tpu.memory_space<vmem>>
          %dma_start3A_640 = arith.constant 32 : i32
          %dma_start3A_641 = tpu.memref_slice %arg5[%add3A_618, %dma_start3A_640] : memref<56x48xi32, #tpu.memory_space<vmem>> -> memref<1x16xi32, #tpu.memory_space<vmem>>
          %dma_start3A_642 = tpu.memref_squeeze %dma_start3A_641 : memref<1x16xi32, #tpu.memory_space<vmem>> -> memref<16xi32, #tpu.memory_space<vmem>>
          %dma_start3A_643 = arith.constant 0 : i32
          %dma_start3A_644 = arith.constant 0 : i32
          %dma_start3A_645 = tpu.memref_slice %arg3[%dma_start3A_643, %dma_start3A_644] : memref<768x256xf32, #tpu.memory_space<hbm>> -> memref<768x256xf32, #tpu.memory_space<hbm>>
          tpu.enqueue_indirect_dma source(%dma_start3A_645 : memref<768x256xf32, #tpu.memory_space<hbm>>) target(%dma_start3A_639 : memref<16x256xf32, #tpu.memory_space<vmem>>) offsets(%dma_start3A_642 : memref<16xi32, #tpu.memory_space<vmem>>) semaphore(%arg16 : memref<!tpu.dma_semaphore, #tpu.memory_space<semaphore_mem>>)
        } else {
        }
        %dma_wait3A_362 = arith.constant 0 : i32
        %dma_wait3A_363 = arith.constant 0 : i32
        %dma_wait3A_364 = tpu.memref_slice %arg8[%dma_wait3A_362, %dma_wait3A_363] : memref<16x768xf32, #tpu.memory_space<vmem>> -> memref<16x256xf32, #tpu.memory_space<vmem>>
        %dma_wait3A_365 = arith.constant 0 : i32
        %dma_wait3A_366 = tpu.memref_slice %arg5[%add3A_353, %dma_wait3A_365] : memref<56x48xi32, #tpu.memory_space<vmem>> -> memref<1x16xi32, #tpu.memory_space<vmem>>
        %dma_wait3A_367 = tpu.memref_squeeze %dma_wait3A_366 : memref<1x16xi32, #tpu.memory_space<vmem>> -> memref<16xi32, #tpu.memory_space<vmem>>
        %dma_wait3A_368 = arith.constant 0 : i32
        %dma_wait3A_369 = arith.constant 0 : i32
        %dma_wait3A_370 = tpu.memref_slice %arg3[%dma_wait3A_368, %dma_wait3A_369] : memref<768x256xf32, #tpu.memory_space<hbm>> -> memref<768x256xf32, #tpu.memory_space<hbm>>
        tpu.wait_indirect_dma semaphore(%arg14 : memref<!tpu.dma_semaphore, #tpu.memory_space<semaphore_mem>>) src(%dma_wait3A_370 : memref<768x256xf32, #tpu.memory_space<hbm>>) dst(%dma_wait3A_364 : memref<16x256xf32, #tpu.memory_space<vmem>>)
        %dma_wait3A_371 = arith.constant 0 : i32
        %dma_wait3A_372 = arith.constant 256 : i32
        %dma_wait3A_373 = tpu.memref_slice %arg8[%dma_wait3A_371, %dma_wait3A_372] : memref<16x768xf32, #tpu.memory_space<vmem>> -> memref<16x256xf32, #tpu.memory_space<vmem>>
        %dma_wait3A_374 = arith.constant 16 : i32
        %dma_wait3A_375 = tpu.memref_slice %arg5[%add3A_353, %dma_wait3A_374] : memref<56x48xi32, #tpu.memory_space<vmem>> -> memref<1x16xi32, #tpu.memory_space<vmem>>
        %dma_wait3A_376 = tpu.memref_squeeze %dma_wait3A_375 : memref<1x16xi32, #tpu.memory_space<vmem>> -> memref<16xi32, #tpu.memory_space<vmem>>
        %dma_wait3A_377 = arith.constant 0 : i32
        %dma_wait3A_378 = arith.constant 0 : i32
        %dma_wait3A_379 = tpu.memref_slice %arg3[%dma_wait3A_377, %dma_wait3A_378] : memref<768x256xf32, #tpu.memory_space<hbm>> -> memref<768x256xf32, #tpu.memory_space<hbm>>
        tpu.wait_indirect_dma semaphore(%arg14 : memref<!tpu.dma_semaphore, #tpu.memory_space<semaphore_mem>>) src(%dma_wait3A_379 : memref<768x256xf32, #tpu.memory_space<hbm>>) dst(%dma_wait3A_373 : memref<16x256xf32, #tpu.memory_space<vmem>>)
        %dma_wait3A_380 = arith.constant 0 : i32
        %dma_wait3A_381 = arith.constant 512 : i32
        %dma_wait3A_382 = tpu.memref_slice %arg8[%dma_wait3A_380, %dma_wait3A_381] : memref<16x768xf32, #tpu.memory_space<vmem>> -> memref<16x256xf32, #tpu.memory_space<vmem>>
        %dma_wait3A_383 = arith.constant 32 : i32
        %dma_wait3A_384 = tpu.memref_slice %arg5[%add3A_353, %dma_wait3A_383] : memref<56x48xi32, #tpu.memory_space<vmem>> -> memref<1x16xi32, #tpu.memory_space<vmem>>
        %dma_wait3A_385 = tpu.memref_squeeze %dma_wait3A_384 : memref<1x16xi32, #tpu.memory_space<vmem>> -> memref<16xi32, #tpu.memory_space<vmem>>
        %dma_wait3A_386 = arith.constant 0 : i32
        %dma_wait3A_387 = arith.constant 0 : i32
        %dma_wait3A_388 = tpu.memref_slice %arg3[%dma_wait3A_386, %dma_wait3A_387] : memref<768x256xf32, #tpu.memory_space<hbm>> -> memref<768x256xf32, #tpu.memory_space<hbm>>
        tpu.wait_indirect_dma semaphore(%arg14 : memref<!tpu.dma_semaphore, #tpu.memory_space<semaphore_mem>>) src(%dma_wait3A_388 : memref<768x256xf32, #tpu.memory_space<hbm>>) dst(%dma_wait3A_382 : memref<16x256xf32, #tpu.memory_space<vmem>>)
        %jit3A_389 = arith.constant 14 : i32
        %div3A_390 = arith.divsi %add3A_354, %jit3A_389 : i32
        %sign3A_391 = arith.constant 0 : i32
        %sign3A_392 = arith.cmpi sgt, %add3A_354, %sign3A_391 : i32
        %sign3A_393 = arith.extui %sign3A_392 : i1 to i32
        %sign3A_394 = arith.constant 0 : i32
        %sign3A_395 = arith.cmpi slt, %add3A_354, %sign3A_394 : i32
        %sign3A_396 = arith.extui %sign3A_395 : i1 to i32
        %sign3A_397 = arith.subi %sign3A_393, %sign3A_396 : i32
        %sign3A_398 = arith.constant 0 : i32
        %sign3A_399 = arith.cmpi sgt, %jit3A_389, %sign3A_398 : i32
        %sign3A_400 = arith.extui %sign3A_399 : i1 to i32
        %sign3A_401 = arith.constant 0 : i32
        %sign3A_402 = arith.cmpi slt, %jit3A_389, %sign3A_401 : i32
        %sign3A_403 = arith.extui %sign3A_402 : i1 to i32
        %sign3A_404 = arith.subi %sign3A_400, %sign3A_403 : i32
        %ne3A_405 = arith.cmpi ne, %sign3A_397, %sign3A_404 : i32
        %rem3A_406 = arith.remsi %add3A_354, %jit3A_389 : i32
        %ne3A_407 = arith.constant 0 : i32
        %ne3A_408 = arith.cmpi ne, %rem3A_406, %ne3A_407 : i32
        %and3A_409 = arith.andi %ne3A_405, %ne3A_408 : i1
        %sub3A_410 = arith.constant 1 : i32
        %sub3A_411 = arith.subi %div3A_390, %sub3A_410 : i32
        %select_n3A_412 = arith.select %and3A_409, %sub3A_411, %div3A_390 : i32
        %add3A_413 = arith.addi %mul3A_2, %select_n3A_412 : i32
        %jit3A_414 = arith.constant 14 : i32
        %eq3A_415 = arith.constant 0 : i32
        %eq3A_416 = arith.cmpi eq, %jit3A_414, %eq3A_415 : i32
        %jit3A_417 = arith.constant 1 : i32
        %select_n3A_418 = arith.select %eq3A_416, %jit3A_417, %jit3A_414 : i32
        %rem3A_419 = arith.remsi %add3A_354, %select_n3A_418 : i32
        %ne3A_420 = arith.constant 0 : i32
        %ne3A_421 = arith.cmpi ne, %rem3A_419, %ne3A_420 : i32
        %lt3A_422 = arith.constant 0 : i32
        %lt3A_423 = arith.cmpi slt, %rem3A_419, %lt3A_422 : i32
        %lt3A_424 = arith.constant 0 : i32
        %lt3A_425 = arith.cmpi slt, %select_n3A_418, %lt3A_424 : i32
        %ne3A_426 = arith.xori %lt3A_423, %lt3A_425 : i1
        %and3A_427 = arith.andi %ne3A_426, %ne3A_421 : i1
        %add3A_428 = arith.addi %rem3A_419, %select_n3A_418 : i32
        %select_n3A_429 = arith.select %and3A_427, %add3A_428, %rem3A_419 : i32
        %mul3A_430 = arith.constant 16 : i32
        %mul3A_431 = arith.muli %select_n3A_429, %mul3A_430 : i32
        %dma_start3A_432 = arith.constant 0 : i32
        %dma_start3A_433 = tpu.memref_slice %arg4[%add3A_413, %mul3A_431, %dma_start3A_432] : memref<1792x224x768xf32, #tpu.memory_space<hbm>> -> memref<1x16x768xf32, #tpu.memory_space<hbm>>
        %dma_start3A_434 = tpu.memref_squeeze %dma_start3A_433 : memref<1x16x768xf32, #tpu.memory_space<hbm>> -> memref<16x768xf32, #tpu.memory_space<hbm>>
        %dma_start3A_435 = arith.constant 0 : i32
        %dma_start3A_436 = tpu.memref_slice %arg4[%add3A_413, %mul3A_431, %dma_start3A_435] : memref<1792x224x768xf32, #tpu.memory_space<hbm>> -> memref<1x16x768xf32, #tpu.memory_space<hbm>>
        %dma_start3A_437 = tpu.memref_squeeze %dma_start3A_436 : memref<1x16x768xf32, #tpu.memory_space<hbm>> -> memref<16x768xf32, #tpu.memory_space<hbm>>
        tpu.enqueue_dma source(%arg8 : memref<16x768xf32, #tpu.memory_space<vmem>>) target(%dma_start3A_437 : memref<16x768xf32, #tpu.memory_space<hbm>>) target_semaphore(%arg18 : memref<!tpu.dma_semaphore, #tpu.memory_space<semaphore_mem>>)
        %add3A_438 = arith.constant 2 : i32
        %add3A_439 = arith.addi %add3A_274, %add3A_438 : i32
        %add3A_440 = arith.addi %mul3A_71, %add3A_439 : i32
        %add3A_441 = arith.constant 2 : i32
        %add3A_442 = arith.addi %add3A_439, %add3A_441 : i32
        %lt3A_443 = arith.constant 56 : i32
        %lt3A_444 = arith.cmpi slt, %add3A_442, %lt3A_443 : i32
        %convert_element_type3A_445 = arith.extui %lt3A_444 : i1 to i32
        %cond3A_446 = arith.constant 0 : i32
        %cond3A_447 = arith.cmpi ne, %convert_element_type3A_445, %cond3A_446 : i32
        scf.if %cond3A_447 {
          %ge3A_610 = arith.constant 2 : i32
          %ge3A_611 = arith.cmpi sge, %add3A_440, %ge3A_610 : i32
          %convert_element_type3A_612 = arith.extui %ge3A_611 : i1 to i32
          %cond3A_613 = arith.constant 0 : i32
          %cond3A_614 = arith.cmpi ne, %convert_element_type3A_612, %cond3A_613 : i32
          scf.if %cond3A_614 {
            %sub3A_646 = arith.constant 2 : i32
            %sub3A_647 = arith.subi %add3A_440, %sub3A_646 : i32
            %jit3A_648 = arith.constant 14 : i32
            %div3A_649 = arith.divsi %sub3A_647, %jit3A_648 : i32
            %sign3A_650 = arith.constant 0 : i32
            %sign3A_651 = arith.cmpi sgt, %sub3A_647, %sign3A_650 : i32
            %sign3A_652 = arith.extui %sign3A_651 : i1 to i32
            %sign3A_653 = arith.constant 0 : i32
            %sign3A_654 = arith.cmpi slt, %sub3A_647, %sign3A_653 : i32
            %sign3A_655 = arith.extui %sign3A_654 : i1 to i32
            %sign3A_656 = arith.subi %sign3A_652, %sign3A_655 : i32
            %sign3A_657 = arith.constant 0 : i32
            %sign3A_658 = arith.cmpi sgt, %jit3A_648, %sign3A_657 : i32
            %sign3A_659 = arith.extui %sign3A_658 : i1 to i32
            %sign3A_660 = arith.constant 0 : i32
            %sign3A_661 = arith.cmpi slt, %jit3A_648, %sign3A_660 : i32
            %sign3A_662 = arith.extui %sign3A_661 : i1 to i32
            %sign3A_663 = arith.subi %sign3A_659, %sign3A_662 : i32
            %ne3A_664 = arith.cmpi ne, %sign3A_656, %sign3A_663 : i32
            %rem3A_665 = arith.remsi %sub3A_647, %jit3A_648 : i32
            %ne3A_666 = arith.constant 0 : i32
            %ne3A_667 = arith.cmpi ne, %rem3A_665, %ne3A_666 : i32
            %and3A_668 = arith.andi %ne3A_664, %ne3A_667 : i1
            %sub3A_669 = arith.constant 1 : i32
            %sub3A_670 = arith.subi %div3A_649, %sub3A_669 : i32
            %select_n3A_671 = arith.select %and3A_668, %sub3A_670, %div3A_649 : i32
            %add3A_672 = arith.addi %mul3A_2, %select_n3A_671 : i32
            %jit3A_673 = arith.constant 14 : i32
            %eq3A_674 = arith.constant 0 : i32
            %eq3A_675 = arith.cmpi eq, %jit3A_673, %eq3A_674 : i32
            %jit3A_676 = arith.constant 1 : i32
            %select_n3A_677 = arith.select %eq3A_675, %jit3A_676, %jit3A_673 : i32
            %rem3A_678 = arith.remsi %sub3A_647, %select_n3A_677 : i32
            %ne3A_679 = arith.constant 0 : i32
            %ne3A_680 = arith.cmpi ne, %rem3A_678, %ne3A_679 : i32
            %lt3A_681 = arith.constant 0 : i32
            %lt3A_682 = arith.cmpi slt, %rem3A_678, %lt3A_681 : i32
            %lt3A_683 = arith.constant 0 : i32
            %lt3A_684 = arith.cmpi slt, %select_n3A_677, %lt3A_683 : i32
            %ne3A_685 = arith.xori %lt3A_682, %lt3A_684 : i1
            %and3A_686 = arith.andi %ne3A_685, %ne3A_680 : i1
            %add3A_687 = arith.addi %rem3A_678, %select_n3A_677 : i32
            %select_n3A_688 = arith.select %and3A_686, %add3A_687, %rem3A_678 : i32
            %mul3A_689 = arith.constant 16 : i32
            %mul3A_690 = arith.muli %select_n3A_688, %mul3A_689 : i32
            %dma_wait3A_691 = arith.constant 0 : i32
            %dma_wait3A_692 = tpu.memref_slice %arg4[%add3A_672, %mul3A_690, %dma_wait3A_691] : memref<1792x224x768xf32, #tpu.memory_space<hbm>> -> memref<1x16x768xf32, #tpu.memory_space<hbm>>
            %dma_wait3A_693 = tpu.memref_squeeze %dma_wait3A_692 : memref<1x16x768xf32, #tpu.memory_space<hbm>> -> memref<16x768xf32, #tpu.memory_space<hbm>>
            %dma_wait3A_694 = arith.constant 0 : i32
            %dma_wait3A_695 = tpu.memref_slice %arg4[%add3A_672, %mul3A_690, %dma_wait3A_694] : memref<1792x224x768xf32, #tpu.memory_space<hbm>> -> memref<1x16x768xf32, #tpu.memory_space<hbm>>
            %dma_wait3A_696 = tpu.memref_squeeze %dma_wait3A_695 : memref<1x16x768xf32, #tpu.memory_space<hbm>> -> memref<16x768xf32, #tpu.memory_space<hbm>>
            tpu.wait_dma2 semaphore(%arg17 : memref<!tpu.dma_semaphore, #tpu.memory_space<semaphore_mem>>) src(%arg7 : memref<16x768xf32, #tpu.memory_space<vmem>>) dst(%dma_wait3A_696 : memref<16x768xf32, #tpu.memory_space<hbm>>)
          } else {
          }
          %add3A_615 = arith.constant 2 : i32
          %add3A_616 = arith.addi %add3A_440, %add3A_615 : i32
          %add3A_617 = arith.constant 2 : i32
          %add3A_618 = arith.addi %add3A_439, %add3A_617 : i32
          %dma_start3A_619 = arith.constant 0 : i32
          %dma_start3A_620 = arith.constant 0 : i32
          %dma_start3A_621 = tpu.memref_slice %arg7[%dma_start3A_619, %dma_start3A_620] : memref<16x768xf32, #tpu.memory_space<vmem>> -> memref<16x256xf32, #tpu.memory_space<vmem>>
          %dma_start3A_622 = arith.constant 0 : i32
          %dma_start3A_623 = tpu.memref_slice %arg5[%add3A_618, %dma_start3A_622] : memref<56x48xi32, #tpu.memory_space<vmem>> -> memref<1x16xi32, #tpu.memory_space<vmem>>
          %dma_start3A_624 = tpu.memref_squeeze %dma_start3A_623 : memref<1x16xi32, #tpu.memory_space<vmem>> -> memref<16xi32, #tpu.memory_space<vmem>>
          %dma_start3A_625 = arith.constant 0 : i32
          %dma_start3A_626 = arith.constant 0 : i32
          %dma_start3A_627 = tpu.memref_slice %arg3[%dma_start3A_625, %dma_start3A_626] : memref<768x256xf32, #tpu.memory_space<hbm>> -> memref<768x256xf32, #tpu.memory_space<hbm>>
          tpu.enqueue_indirect_dma source(%dma_start3A_627 : memref<768x256xf32, #tpu.memory_space<hbm>>) target(%dma_start3A_621 : memref<16x256xf32, #tpu.memory_space<vmem>>) offsets(%dma_start3A_624 : memref<16xi32, #tpu.memory_space<vmem>>) semaphore(%arg13 : memref<!tpu.dma_semaphore, #tpu.memory_space<semaphore_mem>>)
          %dma_start3A_628 = arith.constant 0 : i32
          %dma_start3A_629 = arith.constant 256 : i32
          %dma_start3A_630 = tpu.memref_slice %arg7[%dma_start3A_628, %dma_start3A_629] : memref<16x768xf32, #tpu.memory_space<vmem>> -> memref<16x256xf32, #tpu.memory_space<vmem>>
          %dma_start3A_631 = arith.constant 16 : i32
          %dma_start3A_632 = tpu.memref_slice %arg5[%add3A_618, %dma_start3A_631] : memref<56x48xi32, #tpu.memory_space<vmem>> -> memref<1x16xi32, #tpu.memory_space<vmem>>
          %dma_start3A_633 = tpu.memref_squeeze %dma_start3A_632 : memref<1x16xi32, #tpu.memory_space<vmem>> -> memref<16xi32, #tpu.memory_space<vmem>>
          %dma_start3A_634 = arith.constant 0 : i32
          %dma_start3A_635 = arith.constant 0 : i32
          %dma_start3A_636 = tpu.memref_slice %arg3[%dma_start3A_634, %dma_start3A_635] : memref<768x256xf32, #tpu.memory_space<hbm>> -> memref<768x256xf32, #tpu.memory_space<hbm>>
          tpu.enqueue_indirect_dma source(%dma_start3A_636 : memref<768x256xf32, #tpu.memory_space<hbm>>) target(%dma_start3A_630 : memref<16x256xf32, #tpu.memory_space<vmem>>) offsets(%dma_start3A_633 : memref<16xi32, #tpu.memory_space<vmem>>) semaphore(%arg13 : memref<!tpu.dma_semaphore, #tpu.memory_space<semaphore_mem>>)
          %dma_start3A_637 = arith.constant 0 : i32
          %dma_start3A_638 = arith.constant 512 : i32
          %dma_start3A_639 = tpu.memref_slice %arg7[%dma_start3A_637, %dma_start3A_638] : memref<16x768xf32, #tpu.memory_space<vmem>> -> memref<16x256xf32, #tpu.memory_space<vmem>>
          %dma_start3A_640 = arith.constant 32 : i32
          %dma_start3A_641 = tpu.memref_slice %arg5[%add3A_618, %dma_start3A_640] : memref<56x48xi32, #tpu.memory_space<vmem>> -> memref<1x16xi32, #tpu.memory_space<vmem>>
          %dma_start3A_642 = tpu.memref_squeeze %dma_start3A_641 : memref<1x16xi32, #tpu.memory_space<vmem>> -> memref<16xi32, #tpu.memory_space<vmem>>
          %dma_start3A_643 = arith.constant 0 : i32
          %dma_start3A_644 = arith.constant 0 : i32
          %dma_start3A_645 = tpu.memref_slice %arg3[%dma_start3A_643, %dma_start3A_644] : memref<768x256xf32, #tpu.memory_space<hbm>> -> memref<768x256xf32, #tpu.memory_space<hbm>>
          tpu.enqueue_indirect_dma source(%dma_start3A_645 : memref<768x256xf32, #tpu.memory_space<hbm>>) target(%dma_start3A_639 : memref<16x256xf32, #tpu.memory_space<vmem>>) offsets(%dma_start3A_642 : memref<16xi32, #tpu.memory_space<vmem>>) semaphore(%arg13 : memref<!tpu.dma_semaphore, #tpu.memory_space<semaphore_mem>>)
        } else {
        }
        %dma_wait3A_448 = arith.constant 0 : i32
        %dma_wait3A_449 = arith.constant 0 : i32
        %dma_wait3A_450 = tpu.memref_slice %arg9[%dma_wait3A_448, %dma_wait3A_449] : memref<16x768xf32, #tpu.memory_space<vmem>> -> memref<16x256xf32, #tpu.memory_space<vmem>>
        %dma_wait3A_451 = arith.constant 0 : i32
        %dma_wait3A_452 = tpu.memref_slice %arg5[%add3A_439, %dma_wait3A_451] : memref<56x48xi32, #tpu.memory_space<vmem>> -> memref<1x16xi32, #tpu.memory_space<vmem>>
        %dma_wait3A_453 = tpu.memref_squeeze %dma_wait3A_452 : memref<1x16xi32, #tpu.memory_space<vmem>> -> memref<16xi32, #tpu.memory_space<vmem>>
        %dma_wait3A_454 = arith.constant 0 : i32
        %dma_wait3A_455 = arith.constant 0 : i32
        %dma_wait3A_456 = tpu.memref_slice %arg3[%dma_wait3A_454, %dma_wait3A_455] : memref<768x256xf32, #tpu.memory_space<hbm>> -> memref<768x256xf32, #tpu.memory_space<hbm>>
        tpu.wait_indirect_dma semaphore(%arg15 : memref<!tpu.dma_semaphore, #tpu.memory_space<semaphore_mem>>) src(%dma_wait3A_456 : memref<768x256xf32, #tpu.memory_space<hbm>>) dst(%dma_wait3A_450 : memref<16x256xf32, #tpu.memory_space<vmem>>)
        %dma_wait3A_457 = arith.constant 0 : i32
        %dma_wait3A_458 = arith.constant 256 : i32
        %dma_wait3A_459 = tpu.memref_slice %arg9[%dma_wait3A_457, %dma_wait3A_458] : memref<16x768xf32, #tpu.memory_space<vmem>> -> memref<16x256xf32, #tpu.memory_space<vmem>>
        %dma_wait3A_460 = arith.constant 16 : i32
        %dma_wait3A_461 = tpu.memref_slice %arg5[%add3A_439, %dma_wait3A_460] : memref<56x48xi32, #tpu.memory_space<vmem>> -> memref<1x16xi32, #tpu.memory_space<vmem>>
        %dma_wait3A_462 = tpu.memref_squeeze %dma_wait3A_461 : memref<1x16xi32, #tpu.memory_space<vmem>> -> memref<16xi32, #tpu.memory_space<vmem>>
        %dma_wait3A_463 = arith.constant 0 : i32
        %dma_wait3A_464 = arith.constant 0 : i32
        %dma_wait3A_465 = tpu.memref_slice %arg3[%dma_wait3A_463, %dma_wait3A_464] : memref<768x256xf32, #tpu.memory_space<hbm>> -> memref<768x256xf32, #tpu.memory_space<hbm>>
        tpu.wait_indirect_dma semaphore(%arg15 : memref<!tpu.dma_semaphore, #tpu.memory_space<semaphore_mem>>) src(%dma_wait3A_465 : memref<768x256xf32, #tpu.memory_space<hbm>>) dst(%dma_wait3A_459 : memref<16x256xf32, #tpu.memory_space<vmem>>)
        %dma_wait3A_466 = arith.constant 0 : i32
        %dma_wait3A_467 = arith.constant 512 : i32
        %dma_wait3A_468 = tpu.memref_slice %arg9[%dma_wait3A_466, %dma_wait3A_467] : memref<16x768xf32, #tpu.memory_space<vmem>> -> memref<16x256xf32, #tpu.memory_space<vmem>>
        %dma_wait3A_469 = arith.constant 32 : i32
        %dma_wait3A_470 = tpu.memref_slice %arg5[%add3A_439, %dma_wait3A_469] : memref<56x48xi32, #tpu.memory_space<vmem>> -> memref<1x16xi32, #tpu.memory_space<vmem>>
        %dma_wait3A_471 = tpu.memref_squeeze %dma_wait3A_470 : memref<1x16xi32, #tpu.memory_space<vmem>> -> memref<16xi32, #tpu.memory_space<vmem>>
        %dma_wait3A_472 = arith.constant 0 : i32
        %dma_wait3A_473 = arith.constant 0 : i32
        %dma_wait3A_474 = tpu.memref_slice %arg3[%dma_wait3A_472, %dma_wait3A_473] : memref<768x256xf32, #tpu.memory_space<hbm>> -> memref<768x256xf32, #tpu.memory_space<hbm>>
        tpu.wait_indirect_dma semaphore(%arg15 : memref<!tpu.dma_semaphore, #tpu.memory_space<semaphore_mem>>) src(%dma_wait3A_474 : memref<768x256xf32, #tpu.memory_space<hbm>>) dst(%dma_wait3A_468 : memref<16x256xf32, #tpu.memory_space<vmem>>)
        %jit3A_475 = arith.constant 14 : i32
        %div3A_476 = arith.divsi %add3A_440, %jit3A_475 : i32
        %sign3A_477 = arith.constant 0 : i32
        %sign3A_478 = arith.cmpi sgt, %add3A_440, %sign3A_477 : i32
        %sign3A_479 = arith.extui %sign3A_478 : i1 to i32
        %sign3A_480 = arith.constant 0 : i32
        %sign3A_481 = arith.cmpi slt, %add3A_440, %sign3A_480 : i32
        %sign3A_482 = arith.extui %sign3A_481 : i1 to i32
        %sign3A_483 = arith.subi %sign3A_479, %sign3A_482 : i32
        %sign3A_484 = arith.constant 0 : i32
        %sign3A_485 = arith.cmpi sgt, %jit3A_475, %sign3A_484 : i32
        %sign3A_486 = arith.extui %sign3A_485 : i1 to i32
        %sign3A_487 = arith.constant 0 : i32
        %sign3A_488 = arith.cmpi slt, %jit3A_475, %sign3A_487 : i32
        %sign3A_489 = arith.extui %sign3A_488 : i1 to i32
        %sign3A_490 = arith.subi %sign3A_486, %sign3A_489 : i32
        %ne3A_491 = arith.cmpi ne, %sign3A_483, %sign3A_490 : i32
        %rem3A_492 = arith.remsi %add3A_440, %jit3A_475 : i32
        %ne3A_493 = arith.constant 0 : i32
        %ne3A_494 = arith.cmpi ne, %rem3A_492, %ne3A_493 : i32
        %and3A_495 = arith.andi %ne3A_491, %ne3A_494 : i1
        %sub3A_496 = arith.constant 1 : i32
        %sub3A_497 = arith.subi %div3A_476, %sub3A_496 : i32
        %select_n3A_498 = arith.select %and3A_495, %sub3A_497, %div3A_476 : i32
        %add3A_499 = arith.addi %mul3A_2, %select_n3A_498 : i32
        %jit3A_500 = arith.constant 14 : i32
        %eq3A_501 = arith.constant 0 : i32
        %eq3A_502 = arith.cmpi eq, %jit3A_500, %eq3A_501 : i32
        %jit3A_503 = arith.constant 1 : i32
        %select_n3A_504 = arith.select %eq3A_502, %jit3A_503, %jit3A_500 : i32
        %rem3A_505 = arith.remsi %add3A_440, %select_n3A_504 : i32
        %ne3A_506 = arith.constant 0 : i32
        %ne3A_507 = arith.cmpi ne, %rem3A_505, %ne3A_506 : i32
        %lt3A_508 = arith.constant 0 : i32
        %lt3A_509 = arith.cmpi slt, %rem3A_505, %lt3A_508 : i32
        %lt3A_510 = arith.constant 0 : i32
        %lt3A_511 = arith.cmpi slt, %select_n3A_504, %lt3A_510 : i32
        %ne3A_512 = arith.xori %lt3A_509, %lt3A_511 : i1
        %and3A_513 = arith.andi %ne3A_512, %ne3A_507 : i1
        %add3A_514 = arith.addi %rem3A_505, %select_n3A_504 : i32
        %select_n3A_515 = arith.select %and3A_513, %add3A_514, %rem3A_505 : i32
        %mul3A_516 = arith.constant 16 : i32
        %mul3A_517 = arith.muli %select_n3A_515, %mul3A_516 : i32
        %dma_start3A_518 = arith.constant 0 : i32
        %dma_start3A_519 = tpu.memref_slice %arg4[%add3A_499, %mul3A_517, %dma_start3A_518] : memref<1792x224x768xf32, #tpu.memory_space<hbm>> -> memref<1x16x768xf32, #tpu.memory_space<hbm>>
        %dma_start3A_520 = tpu.memref_squeeze %dma_start3A_519 : memref<1x16x768xf32, #tpu.memory_space<hbm>> -> memref<16x768xf32, #tpu.memory_space<hbm>>
        %dma_start3A_521 = arith.constant 0 : i32
        %dma_start3A_522 = tpu.memref_slice %arg4[%add3A_499, %mul3A_517, %dma_start3A_521] : memref<1792x224x768xf32, #tpu.memory_space<hbm>> -> memref<1x16x768xf32, #tpu.memory_space<hbm>>
        %dma_start3A_523 = tpu.memref_squeeze %dma_start3A_522 : memref<1x16x768xf32, #tpu.memory_space<hbm>> -> memref<16x768xf32, #tpu.memory_space<hbm>>
        tpu.enqueue_dma source(%arg9 : memref<16x768xf32, #tpu.memory_space<vmem>>) target(%dma_start3A_523 : memref<16x768xf32, #tpu.memory_space<hbm>>) target_semaphore(%arg19 : memref<!tpu.dma_semaphore, #tpu.memory_space<semaphore_mem>>)
        %add3A_524 = arith.constant 3 : i32
        %add3A_525 = arith.addi %add3A_274, %add3A_524 : i32
        %add3A_526 = arith.addi %mul3A_71, %add3A_525 : i32
        %add3A_527 = arith.constant 2 : i32
        %add3A_528 = arith.addi %add3A_525, %add3A_527 : i32
        %lt3A_529 = arith.constant 56 : i32
        %lt3A_530 = arith.cmpi slt, %add3A_528, %lt3A_529 : i32
        %convert_element_type3A_531 = arith.extui %lt3A_530 : i1 to i32
        %cond3A_532 = arith.constant 0 : i32
        %cond3A_533 = arith.cmpi ne, %convert_element_type3A_531, %cond3A_532 : i32
        scf.if %cond3A_533 {
          %ge3A_610 = arith.constant 2 : i32
          %ge3A_611 = arith.cmpi sge, %add3A_526, %ge3A_610 : i32
          %convert_element_type3A_612 = arith.extui %ge3A_611 : i1 to i32
          %cond3A_613 = arith.constant 0 : i32
          %cond3A_614 = arith.cmpi ne, %convert_element_type3A_612, %cond3A_613 : i32
          scf.if %cond3A_614 {
            %sub3A_646 = arith.constant 2 : i32
            %sub3A_647 = arith.subi %add3A_526, %sub3A_646 : i32
            %jit3A_648 = arith.constant 14 : i32
            %div3A_649 = arith.divsi %sub3A_647, %jit3A_648 : i32
            %sign3A_650 = arith.constant 0 : i32
            %sign3A_651 = arith.cmpi sgt, %sub3A_647, %sign3A_650 : i32
            %sign3A_652 = arith.extui %sign3A_651 : i1 to i32
            %sign3A_653 = arith.constant 0 : i32
            %sign3A_654 = arith.cmpi slt, %sub3A_647, %sign3A_653 : i32
            %sign3A_655 = arith.extui %sign3A_654 : i1 to i32
            %sign3A_656 = arith.subi %sign3A_652, %sign3A_655 : i32
            %sign3A_657 = arith.constant 0 : i32
            %sign3A_658 = arith.cmpi sgt, %jit3A_648, %sign3A_657 : i32
            %sign3A_659 = arith.extui %sign3A_658 : i1 to i32
            %sign3A_660 = arith.constant 0 : i32
            %sign3A_661 = arith.cmpi slt, %jit3A_648, %sign3A_660 : i32
            %sign3A_662 = arith.extui %sign3A_661 : i1 to i32
            %sign3A_663 = arith.subi %sign3A_659, %sign3A_662 : i32
            %ne3A_664 = arith.cmpi ne, %sign3A_656, %sign3A_663 : i32
            %rem3A_665 = arith.remsi %sub3A_647, %jit3A_648 : i32
            %ne3A_666 = arith.constant 0 : i32
            %ne3A_667 = arith.cmpi ne, %rem3A_665, %ne3A_666 : i32
            %and3A_668 = arith.andi %ne3A_664, %ne3A_667 : i1
            %sub3A_669 = arith.constant 1 : i32
            %sub3A_670 = arith.subi %div3A_649, %sub3A_669 : i32
            %select_n3A_671 = arith.select %and3A_668, %sub3A_670, %div3A_649 : i32
            %add3A_672 = arith.addi %mul3A_2, %select_n3A_671 : i32
            %jit3A_673 = arith.constant 14 : i32
            %eq3A_674 = arith.constant 0 : i32
            %eq3A_675 = arith.cmpi eq, %jit3A_673, %eq3A_674 : i32
            %jit3A_676 = arith.constant 1 : i32
            %select_n3A_677 = arith.select %eq3A_675, %jit3A_676, %jit3A_673 : i32
            %rem3A_678 = arith.remsi %sub3A_647, %select_n3A_677 : i32
            %ne3A_679 = arith.constant 0 : i32
            %ne3A_680 = arith.cmpi ne, %rem3A_678, %ne3A_679 : i32
            %lt3A_681 = arith.constant 0 : i32
            %lt3A_682 = arith.cmpi slt, %rem3A_678, %lt3A_681 : i32
            %lt3A_683 = arith.constant 0 : i32
            %lt3A_684 = arith.cmpi slt, %select_n3A_677, %lt3A_683 : i32
            %ne3A_685 = arith.xori %lt3A_682, %lt3A_684 : i1
            %and3A_686 = arith.andi %ne3A_685, %ne3A_680 : i1
            %add3A_687 = arith.addi %rem3A_678, %select_n3A_677 : i32
            %select_n3A_688 = arith.select %and3A_686, %add3A_687, %rem3A_678 : i32
            %mul3A_689 = arith.constant 16 : i32
            %mul3A_690 = arith.muli %select_n3A_688, %mul3A_689 : i32
            %dma_wait3A_691 = arith.constant 0 : i32
            %dma_wait3A_692 = tpu.memref_slice %arg4[%add3A_672, %mul3A_690, %dma_wait3A_691] : memref<1792x224x768xf32, #tpu.memory_space<hbm>> -> memref<1x16x768xf32, #tpu.memory_space<hbm>>
            %dma_wait3A_693 = tpu.memref_squeeze %dma_wait3A_692 : memref<1x16x768xf32, #tpu.memory_space<hbm>> -> memref<16x768xf32, #tpu.memory_space<hbm>>
            %dma_wait3A_694 = arith.constant 0 : i32
            %dma_wait3A_695 = tpu.memref_slice %arg4[%add3A_672, %mul3A_690, %dma_wait3A_694] : memref<1792x224x768xf32, #tpu.memory_space<hbm>> -> memref<1x16x768xf32, #tpu.memory_space<hbm>>
            %dma_wait3A_696 = tpu.memref_squeeze %dma_wait3A_695 : memref<1x16x768xf32, #tpu.memory_space<hbm>> -> memref<16x768xf32, #tpu.memory_space<hbm>>
            tpu.wait_dma2 semaphore(%arg18 : memref<!tpu.dma_semaphore, #tpu.memory_space<semaphore_mem>>) src(%arg8 : memref<16x768xf32, #tpu.memory_space<vmem>>) dst(%dma_wait3A_696 : memref<16x768xf32, #tpu.memory_space<hbm>>)
          } else {
          }
          %add3A_615 = arith.constant 2 : i32
          %add3A_616 = arith.addi %add3A_526, %add3A_615 : i32
          %add3A_617 = arith.constant 2 : i32
          %add3A_618 = arith.addi %add3A_525, %add3A_617 : i32
          %dma_start3A_619 = arith.constant 0 : i32
          %dma_start3A_620 = arith.constant 0 : i32
          %dma_start3A_621 = tpu.memref_slice %arg8[%dma_start3A_619, %dma_start3A_620] : memref<16x768xf32, #tpu.memory_space<vmem>> -> memref<16x256xf32, #tpu.memory_space<vmem>>
          %dma_start3A_622 = arith.constant 0 : i32
          %dma_start3A_623 = tpu.memref_slice %arg5[%add3A_618, %dma_start3A_622] : memref<56x48xi32, #tpu.memory_space<vmem>> -> memref<1x16xi32, #tpu.memory_space<vmem>>
          %dma_start3A_624 = tpu.memref_squeeze %dma_start3A_623 : memref<1x16xi32, #tpu.memory_space<vmem>> -> memref<16xi32, #tpu.memory_space<vmem>>
          %dma_start3A_625 = arith.constant 0 : i32
          %dma_start3A_626 = arith.constant 0 : i32
          %dma_start3A_627 = tpu.memref_slice %arg3[%dma_start3A_625, %dma_start3A_626] : memref<768x256xf32, #tpu.memory_space<hbm>> -> memref<768x256xf32, #tpu.memory_space<hbm>>
          tpu.enqueue_indirect_dma source(%dma_start3A_627 : memref<768x256xf32, #tpu.memory_space<hbm>>) target(%dma_start3A_621 : memref<16x256xf32, #tpu.memory_space<vmem>>) offsets(%dma_start3A_624 : memref<16xi32, #tpu.memory_space<vmem>>) semaphore(%arg14 : memref<!tpu.dma_semaphore, #tpu.memory_space<semaphore_mem>>)
          %dma_start3A_628 = arith.constant 0 : i32
          %dma_start3A_629 = arith.constant 256 : i32
          %dma_start3A_630 = tpu.memref_slice %arg8[%dma_start3A_628, %dma_start3A_629] : memref<16x768xf32, #tpu.memory_space<vmem>> -> memref<16x256xf32, #tpu.memory_space<vmem>>
          %dma_start3A_631 = arith.constant 16 : i32
          %dma_start3A_632 = tpu.memref_slice %arg5[%add3A_618, %dma_start3A_631] : memref<56x48xi32, #tpu.memory_space<vmem>> -> memref<1x16xi32, #tpu.memory_space<vmem>>
          %dma_start3A_633 = tpu.memref_squeeze %dma_start3A_632 : memref<1x16xi32, #tpu.memory_space<vmem>> -> memref<16xi32, #tpu.memory_space<vmem>>
          %dma_start3A_634 = arith.constant 0 : i32
          %dma_start3A_635 = arith.constant 0 : i32
          %dma_start3A_636 = tpu.memref_slice %arg3[%dma_start3A_634, %dma_start3A_635] : memref<768x256xf32, #tpu.memory_space<hbm>> -> memref<768x256xf32, #tpu.memory_space<hbm>>
          tpu.enqueue_indirect_dma source(%dma_start3A_636 : memref<768x256xf32, #tpu.memory_space<hbm>>) target(%dma_start3A_630 : memref<16x256xf32, #tpu.memory_space<vmem>>) offsets(%dma_start3A_633 : memref<16xi32, #tpu.memory_space<vmem>>) semaphore(%arg14 : memref<!tpu.dma_semaphore, #tpu.memory_space<semaphore_mem>>)
          %dma_start3A_637 = arith.constant 0 : i32
          %dma_start3A_638 = arith.constant 512 : i32
          %dma_start3A_639 = tpu.memref_slice %arg8[%dma_start3A_637, %dma_start3A_638] : memref<16x768xf32, #tpu.memory_space<vmem>> -> memref<16x256xf32, #tpu.memory_space<vmem>>
          %dma_start3A_640 = arith.constant 32 : i32
          %dma_start3A_641 = tpu.memref_slice %arg5[%add3A_618, %dma_start3A_640] : memref<56x48xi32, #tpu.memory_space<vmem>> -> memref<1x16xi32, #tpu.memory_space<vmem>>
          %dma_start3A_642 = tpu.memref_squeeze %dma_start3A_641 : memref<1x16xi32, #tpu.memory_space<vmem>> -> memref<16xi32, #tpu.memory_space<vmem>>
          %dma_start3A_643 = arith.constant 0 : i32
          %dma_start3A_644 = arith.constant 0 : i32
          %dma_start3A_645 = tpu.memref_slice %arg3[%dma_start3A_643, %dma_start3A_644] : memref<768x256xf32, #tpu.memory_space<hbm>> -> memref<768x256xf32, #tpu.memory_space<hbm>>
          tpu.enqueue_indirect_dma source(%dma_start3A_645 : memref<768x256xf32, #tpu.memory_space<hbm>>) target(%dma_start3A_639 : memref<16x256xf32, #tpu.memory_space<vmem>>) offsets(%dma_start3A_642 : memref<16xi32, #tpu.memory_space<vmem>>) semaphore(%arg14 : memref<!tpu.dma_semaphore, #tpu.memory_space<semaphore_mem>>)
        } else {
        }
        %dma_wait3A_534 = arith.constant 0 : i32
        %dma_wait3A_535 = arith.constant 0 : i32
        %dma_wait3A_536 = tpu.memref_slice %arg10[%dma_wait3A_534, %dma_wait3A_535] : memref<16x768xf32, #tpu.memory_space<vmem>> -> memref<16x256xf32, #tpu.memory_space<vmem>>
        %dma_wait3A_537 = arith.constant 0 : i32
        %dma_wait3A_538 = tpu.memref_slice %arg5[%add3A_525, %dma_wait3A_537] : memref<56x48xi32, #tpu.memory_space<vmem>> -> memref<1x16xi32, #tpu.memory_space<vmem>>
        %dma_wait3A_539 = tpu.memref_squeeze %dma_wait3A_538 : memref<1x16xi32, #tpu.memory_space<vmem>> -> memref<16xi32, #tpu.memory_space<vmem>>
        %dma_wait3A_540 = arith.constant 0 : i32
        %dma_wait3A_541 = arith.constant 0 : i32
        %dma_wait3A_542 = tpu.memref_slice %arg3[%dma_wait3A_540, %dma_wait3A_541] : memref<768x256xf32, #tpu.memory_space<hbm>> -> memref<768x256xf32, #tpu.memory_space<hbm>>
        tpu.wait_indirect_dma semaphore(%arg16 : memref<!tpu.dma_semaphore, #tpu.memory_space<semaphore_mem>>) src(%dma_wait3A_542 : memref<768x256xf32, #tpu.memory_space<hbm>>) dst(%dma_wait3A_536 : memref<16x256xf32, #tpu.memory_space<vmem>>)
        %dma_wait3A_543 = arith.constant 0 : i32
        %dma_wait3A_544 = arith.constant 256 : i32
        %dma_wait3A_545 = tpu.memref_slice %arg10[%dma_wait3A_543, %dma_wait3A_544] : memref<16x768xf32, #tpu.memory_space<vmem>> -> memref<16x256xf32, #tpu.memory_space<vmem>>
        %dma_wait3A_546 = arith.constant 16 : i32
        %dma_wait3A_547 = tpu.memref_slice %arg5[%add3A_525, %dma_wait3A_546] : memref<56x48xi32, #tpu.memory_space<vmem>> -> memref<1x16xi32, #tpu.memory_space<vmem>>
        %dma_wait3A_548 = tpu.memref_squeeze %dma_wait3A_547 : memref<1x16xi32, #tpu.memory_space<vmem>> -> memref<16xi32, #tpu.memory_space<vmem>>
        %dma_wait3A_549 = arith.constant 0 : i32
        %dma_wait3A_550 = arith.constant 0 : i32
        %dma_wait3A_551 = tpu.memref_slice %arg3[%dma_wait3A_549, %dma_wait3A_550] : memref<768x256xf32, #tpu.memory_space<hbm>> -> memref<768x256xf32, #tpu.memory_space<hbm>>
        tpu.wait_indirect_dma semaphore(%arg16 : memref<!tpu.dma_semaphore, #tpu.memory_space<semaphore_mem>>) src(%dma_wait3A_551 : memref<768x256xf32, #tpu.memory_space<hbm>>) dst(%dma_wait3A_545 : memref<16x256xf32, #tpu.memory_space<vmem>>)
        %dma_wait3A_552 = arith.constant 0 : i32
        %dma_wait3A_553 = arith.constant 512 : i32
        %dma_wait3A_554 = tpu.memref_slice %arg10[%dma_wait3A_552, %dma_wait3A_553] : memref<16x768xf32, #tpu.memory_space<vmem>> -> memref<16x256xf32, #tpu.memory_space<vmem>>
        %dma_wait3A_555 = arith.constant 32 : i32
        %dma_wait3A_556 = tpu.memref_slice %arg5[%add3A_525, %dma_wait3A_555] : memref<56x48xi32, #tpu.memory_space<vmem>> -> memref<1x16xi32, #tpu.memory_space<vmem>>
        %dma_wait3A_557 = tpu.memref_squeeze %dma_wait3A_556 : memref<1x16xi32, #tpu.memory_space<vmem>> -> memref<16xi32, #tpu.memory_space<vmem>>
        %dma_wait3A_558 = arith.constant 0 : i32
        %dma_wait3A_559 = arith.constant 0 : i32
        %dma_wait3A_560 = tpu.memref_slice %arg3[%dma_wait3A_558, %dma_wait3A_559] : memref<768x256xf32, #tpu.memory_space<hbm>> -> memref<768x256xf32, #tpu.memory_space<hbm>>
        tpu.wait_indirect_dma semaphore(%arg16 : memref<!tpu.dma_semaphore, #tpu.memory_space<semaphore_mem>>) src(%dma_wait3A_560 : memref<768x256xf32, #tpu.memory_space<hbm>>) dst(%dma_wait3A_554 : memref<16x256xf32, #tpu.memory_space<vmem>>)
        %jit3A_561 = arith.constant 14 : i32
        %div3A_562 = arith.divsi %add3A_526, %jit3A_561 : i32
        %sign3A_563 = arith.constant 0 : i32
        %sign3A_564 = arith.cmpi sgt, %add3A_526, %sign3A_563 : i32
        %sign3A_565 = arith.extui %sign3A_564 : i1 to i32
        %sign3A_566 = arith.constant 0 : i32
        %sign3A_567 = arith.cmpi slt, %add3A_526, %sign3A_566 : i32
        %sign3A_568 = arith.extui %sign3A_567 : i1 to i32
        %sign3A_569 = arith.subi %sign3A_565, %sign3A_568 : i32
        %sign3A_570 = arith.constant 0 : i32
        %sign3A_571 = arith.cmpi sgt, %jit3A_561, %sign3A_570 : i32
        %sign3A_572 = arith.extui %sign3A_571 : i1 to i32
        %sign3A_573 = arith.constant 0 : i32
        %sign3A_574 = arith.cmpi slt, %jit3A_561, %sign3A_573 : i32
        %sign3A_575 = arith.extui %sign3A_574 : i1 to i32
        %sign3A_576 = arith.subi %sign3A_572, %sign3A_575 : i32
        %ne3A_577 = arith.cmpi ne, %sign3A_569, %sign3A_576 : i32
        %rem3A_578 = arith.remsi %add3A_526, %jit3A_561 : i32
        %ne3A_579 = arith.constant 0 : i32
        %ne3A_580 = arith.cmpi ne, %rem3A_578, %ne3A_579 : i32
        %and3A_581 = arith.andi %ne3A_577, %ne3A_580 : i1
        %sub3A_582 = arith.constant 1 : i32
        %sub3A_583 = arith.subi %div3A_562, %sub3A_582 : i32
        %select_n3A_584 = arith.select %and3A_581, %sub3A_583, %div3A_562 : i32
        %add3A_585 = arith.addi %mul3A_2, %select_n3A_584 : i32
        %jit3A_586 = arith.constant 14 : i32
        %eq3A_587 = arith.constant 0 : i32
        %eq3A_588 = arith.cmpi eq, %jit3A_586, %eq3A_587 : i32
        %jit3A_589 = arith.constant 1 : i32
        %select_n3A_590 = arith.select %eq3A_588, %jit3A_589, %jit3A_586 : i32
        %rem3A_591 = arith.remsi %add3A_526, %select_n3A_590 : i32
        %ne3A_592 = arith.constant 0 : i32
        %ne3A_593 = arith.cmpi ne, %rem3A_591, %ne3A_592 : i32
        %lt3A_594 = arith.constant 0 : i32
        %lt3A_595 = arith.cmpi slt, %rem3A_591, %lt3A_594 : i32
        %lt3A_596 = arith.constant 0 : i32
        %lt3A_597 = arith.cmpi slt, %select_n3A_590, %lt3A_596 : i32
        %ne3A_598 = arith.xori %lt3A_595, %lt3A_597 : i1
        %and3A_599 = arith.andi %ne3A_598, %ne3A_593 : i1
        %add3A_600 = arith.addi %rem3A_591, %select_n3A_590 : i32
        %select_n3A_601 = arith.select %and3A_599, %add3A_600, %rem3A_591 : i32
        %mul3A_602 = arith.constant 16 : i32
        %mul3A_603 = arith.muli %select_n3A_601, %mul3A_602 : i32
        %dma_start3A_604 = arith.constant 0 : i32
        %dma_start3A_605 = tpu.memref_slice %arg4[%add3A_585, %mul3A_603, %dma_start3A_604] : memref<1792x224x768xf32, #tpu.memory_space<hbm>> -> memref<1x16x768xf32, #tpu.memory_space<hbm>>
        %dma_start3A_606 = tpu.memref_squeeze %dma_start3A_605 : memref<1x16x768xf32, #tpu.memory_space<hbm>> -> memref<16x768xf32, #tpu.memory_space<hbm>>
        %dma_start3A_607 = arith.constant 0 : i32
        %dma_start3A_608 = tpu.memref_slice %arg4[%add3A_585, %mul3A_603, %dma_start3A_607] : memref<1792x224x768xf32, #tpu.memory_space<hbm>> -> memref<1x16x768xf32, #tpu.memory_space<hbm>>
        %dma_start3A_609 = tpu.memref_squeeze %dma_start3A_608 : memref<1x16x768xf32, #tpu.memory_space<hbm>> -> memref<16x768xf32, #tpu.memory_space<hbm>>
        tpu.enqueue_dma source(%arg10 : memref<16x768xf32, #tpu.memory_space<vmem>>) target(%dma_start3A_609 : memref<16x768xf32, #tpu.memory_space<hbm>>) target_semaphore(%arg20 : memref<!tpu.dma_semaphore, #tpu.memory_space<semaphore_mem>>)
      }
      %scan3A_160 = arith.constant 14 : i32
      %add3A_161 = arith.constant 2 : i32
      %add3A_162 = arith.addi %add3A_69, %add3A_161 : i32
      %lt3A = arith.constant 14 : i32
      %lt3A_163 = arith.cmpi slt, %add3A_162, %lt3A : i32
      %convert_element_type3A_164 = arith.extui %lt3A_163 : i1 to i32
      %cond3A_165 = arith.constant 0 : i32
      %cond3A_166 = arith.cmpi ne, %convert_element_type3A_164, %cond3A_165 : i32
      scf.if %cond3A_166 {
        %add3A_270 = arith.constant 2 : i32
        %add3A_271 = arith.addi %add3A_69, %add3A_270 : i32
        %dma_start3A_272 = arith.constant 0 : i32
        %dma_start3A_273 = arith.constant 0 : i32
        %dma_start3A_274 = tpu.memref_slice %arg2[%add3A, %add3A_271, %dma_start3A_272, %dma_start3A_273] : memref<32x14x56x48xi32, #tpu.memory_space<hbm>> -> memref<1x1x56x48xi32, #tpu.memory_space<hbm>>
        %dma_start3A_275 = tpu.memref_squeeze %dma_start3A_274 : memref<1x1x56x48xi32, #tpu.memory_space<hbm>> -> memref<56x48xi32, #tpu.memory_space<hbm>>
        %dma_start3A_276 = arith.constant 0 : i32
        %dma_start3A_277 = arith.constant 0 : i32
        %dma_start3A_278 = tpu.memref_slice %arg2[%add3A, %add3A_271, %dma_start3A_276, %dma_start3A_277] : memref<32x14x56x48xi32, #tpu.memory_space<hbm>> -> memref<1x1x56x48xi32, #tpu.memory_space<hbm>>
        %dma_start3A_279 = tpu.memref_squeeze %dma_start3A_278 : memref<1x1x56x48xi32, #tpu.memory_space<hbm>> -> memref<56x48xi32, #tpu.memory_space<hbm>>
        tpu.enqueue_dma source(%dma_start3A_279 : memref<56x48xi32, #tpu.memory_space<hbm>>) target(%arg5 : memref<56x48xi32, #tpu.memory_space<vmem>>) target_semaphore(%arg11 : memref<!tpu.dma_semaphore, #tpu.memory_space<semaphore_mem>>)
      } else {
      }
      %add3A_167 = arith.constant 1 : i32
      %add3A_168 = arith.addi %add3A_67, %add3A_167 : i32
      %mul3A_169 = arith.constant 56 : i32
      %mul3A_170 = arith.muli %add3A_168, %mul3A_169 : i32
      %dma_wait3A_171 = arith.constant 0 : i32
      %dma_wait3A_172 = arith.constant 0 : i32
      %dma_wait3A_173 = tpu.memref_slice %arg2[%add3A, %add3A_168, %dma_wait3A_171, %dma_wait3A_172] : memref<32x14x56x48xi32, #tpu.memory_space<hbm>> -> memref<1x1x56x48xi32, #tpu.memory_space<hbm>>
      %dma_wait3A_174 = tpu.memref_squeeze %dma_wait3A_173 : memref<1x1x56x48xi32, #tpu.memory_space<hbm>> -> memref<56x48xi32, #tpu.memory_space<hbm>>
      %dma_wait3A_175 = arith.constant 0 : i32
      %dma_wait3A_176 = arith.constant 0 : i32
      %dma_wait3A_177 = tpu.memref_slice %arg2[%add3A, %add3A_168, %dma_wait3A_175, %dma_wait3A_176] : memref<32x14x56x48xi32, #tpu.memory_space<hbm>> -> memref<1x1x56x48xi32, #tpu.memory_space<hbm>>
      %dma_wait3A_178 = tpu.memref_squeeze %dma_wait3A_177 : memref<1x1x56x48xi32, #tpu.memory_space<hbm>> -> memref<56x48xi32, #tpu.memory_space<hbm>>
      tpu.wait_dma2 semaphore(%arg12 : memref<!tpu.dma_semaphore, #tpu.memory_space<semaphore_mem>>) src(%dma_wait3A_178 : memref<56x48xi32, #tpu.memory_space<hbm>>) dst(%arg6 : memref<56x48xi32, #tpu.memory_space<vmem>>)
      %scan3A_179 = arith.constant 0 : i32
      %scan3A_180 = arith.constant 56 : i32
      %scan3A_181 = arith.addi %scan3A_179, %scan3A_180 : i32
      %scan3A_182 = arith.constant 1 : i32
      scf.for %scan3A_270 = %scan3A_179 to %scan3A_181 step %scan3A_182  : i32 {
        %mul3A_271 = arith.constant 1 : i32
        %mul3A_272 = arith.muli %scan3A_270, %mul3A_271 : i32
        %add3A_273 = arith.constant 0 : i32
        %add3A_274 = arith.addi %add3A_273, %mul3A_272 : i32
        %get3A = arith.index_cast %add3A_274 : i32 to index
        %get3A_275 = arith.constant 16 : index
        %get3A_276 = tpu.vector_load %arg6[%get3A, %get3A_275] {strides = array<i32>} : memref<56x48xi32, #tpu.memory_space<vmem>>, vector<1x16xi32>,
        %get3A_277 = vector.shape_cast %get3A_276 : vector<1x16xi32> to vector<16xi32>
        %add3A_278 = arith.constant 256 : i32
        %add3A_279 = vector.broadcast %add3A_278 : i32 to vector<16xi32>
        %add3A_280 = arith.addi %get3A_277, %add3A_279 : vector<16xi32>
        %swap3A = arith.index_cast %add3A_274 : i32 to index
        %swap3A_281 = arith.constant 16 : index
        %swap3A_282 = tpu.vector_load %arg6[%swap3A, %swap3A_281] {strides = array<i32>} : memref<56x48xi32, #tpu.memory_space<vmem>>, vector<1x16xi32>,
        %swap3A_283 = vector.shape_cast %swap3A_282 : vector<1x16xi32> to vector<16xi32>
        %swap3A_284 = vector.shape_cast %add3A_280 : vector<16xi32> to vector<1x16xi32>
        tpu.vector_store %arg6[%swap3A, %swap3A_281], %swap3A_284 {strides = array<i32>} : memref<56x48xi32, #tpu.memory_space<vmem>>, vector<1x16xi32>,
        %get3A_285 = arith.index_cast %add3A_274 : i32 to index
        %get3A_286 = arith.constant 32 : index
        %get3A_287 = tpu.vector_load %arg6[%get3A_285, %get3A_286] {strides = array<i32>} : memref<56x48xi32, #tpu.memory_space<vmem>>, vector<1x16xi32>,
        %get3A_288 = vector.shape_cast %get3A_287 : vector<1x16xi32> to vector<16xi32>
        %add3A_289 = arith.constant 512 : i32
        %add3A_290 = vector.broadcast %add3A_289 : i32 to vector<16xi32>
        %add3A_291 = arith.addi %get3A_288, %add3A_290 : vector<16xi32>
        %swap3A_292 = arith.index_cast %add3A_274 : i32 to index
        %swap3A_293 = arith.constant 32 : index
        %swap3A_294 = tpu.vector_load %arg6[%swap3A_292, %swap3A_293] {strides = array<i32>} : memref<56x48xi32, #tpu.memory_space<vmem>>, vector<1x16xi32>,
        %swap3A_295 = vector.shape_cast %swap3A_294 : vector<1x16xi32> to vector<16xi32>
        %swap3A_296 = vector.shape_cast %add3A_291 : vector<16xi32> to vector<1x16xi32>
        tpu.vector_store %arg6[%swap3A_292, %swap3A_293], %swap3A_296 {strides = array<i32>} : memref<56x48xi32, #tpu.memory_space<vmem>>, vector<1x16xi32>,
      }
      %scan3A_183 = arith.constant 56 : i32
      %add3A_184 = arith.constant 0 : i32
      %add3A_185 = arith.addi %mul3A_170, %add3A_184 : i32
      %ge3A_186 = arith.constant 4 : i32
      %ge3A_187 = arith.cmpi sge, %add3A_185, %ge3A_186 : i32
      %convert_element_type3A_188 = arith.extui %ge3A_187 : i1 to i32
      %cond3A_189 = arith.constant 0 : i32
      %cond3A_190 = arith.cmpi ne, %convert_element_type3A_188, %cond3A_189 : i32
      scf.if %cond3A_190 {
        %sub3A = arith.constant 4 : i32
        %sub3A_270 = arith.subi %add3A_185, %sub3A : i32
        %jit3A = arith.constant 14 : i32
        %div3A = arith.divsi %sub3A_270, %jit3A : i32
        %sign3A = arith.constant 0 : i32
        %sign3A_271 = arith.cmpi sgt, %sub3A_270, %sign3A : i32
        %sign3A_272 = arith.extui %sign3A_271 : i1 to i32
        %sign3A_273 = arith.constant 0 : i32
        %sign3A_274 = arith.cmpi slt, %sub3A_270, %sign3A_273 : i32
        %sign3A_275 = arith.extui %sign3A_274 : i1 to i32
        %sign3A_276 = arith.subi %sign3A_272, %sign3A_275 : i32
        %sign3A_277 = arith.constant 0 : i32
        %sign3A_278 = arith.cmpi sgt, %jit3A, %sign3A_277 : i32
        %sign3A_279 = arith.extui %sign3A_278 : i1 to i32
        %sign3A_280 = arith.constant 0 : i32
        %sign3A_281 = arith.cmpi slt, %jit3A, %sign3A_280 : i32
        %sign3A_282 = arith.extui %sign3A_281 : i1 to i32
        %sign3A_283 = arith.subi %sign3A_279, %sign3A_282 : i32
        %ne3A = arith.cmpi ne, %sign3A_276, %sign3A_283 : i32
        %rem3A = arith.remsi %sub3A_270, %jit3A : i32
        %ne3A_284 = arith.constant 0 : i32
        %ne3A_285 = arith.cmpi ne, %rem3A, %ne3A_284 : i32
        %and3A = arith.andi %ne3A, %ne3A_285 : i1
        %sub3A_286 = arith.constant 1 : i32
        %sub3A_287 = arith.subi %div3A, %sub3A_286 : i32
        %select_n3A = arith.select %and3A, %sub3A_287, %div3A : i32
        %add3A_288 = arith.addi %mul3A_2, %select_n3A : i32
        %jit3A_289 = arith.constant 14 : i32
        %eq3A = arith.constant 0 : i32
        %eq3A_290 = arith.cmpi eq, %jit3A_289, %eq3A : i32
        %jit3A_291 = arith.constant 1 : i32
        %select_n3A_292 = arith.select %eq3A_290, %jit3A_291, %jit3A_289 : i32
        %rem3A_293 = arith.remsi %sub3A_270, %select_n3A_292 : i32
        %ne3A_294 = arith.constant 0 : i32
        %ne3A_295 = arith.cmpi ne, %rem3A_293, %ne3A_294 : i32
        %lt3A_296 = arith.constant 0 : i32
        %lt3A_297 = arith.cmpi slt, %rem3A_293, %lt3A_296 : i32
        %lt3A_298 = arith.constant 0 : i32
        %lt3A_299 = arith.cmpi slt, %select_n3A_292, %lt3A_298 : i32
        %ne3A_300 = arith.xori %lt3A_297, %lt3A_299 : i1
        %and3A_301 = arith.andi %ne3A_300, %ne3A_295 : i1
        %add3A_302 = arith.addi %rem3A_293, %select_n3A_292 : i32
        %select_n3A_303 = arith.select %and3A_301, %add3A_302, %rem3A_293 : i32
        %mul3A_304 = arith.constant 16 : i32
        %mul3A_305 = arith.muli %select_n3A_303, %mul3A_304 : i32
        %dma_wait3A_306 = arith.constant 0 : i32
        %dma_wait3A_307 = tpu.memref_slice %arg4[%add3A_288, %mul3A_305, %dma_wait3A_306] : memref<1792x224x768xf32, #tpu.memory_space<hbm>> -> memref<1x16x768xf32, #tpu.memory_space<hbm>>
        %dma_wait3A_308 = tpu.memref_squeeze %dma_wait3A_307 : memref<1x16x768xf32, #tpu.memory_space<hbm>> -> memref<16x768xf32, #tpu.memory_space<hbm>>
        %dma_wait3A_309 = arith.constant 0 : i32
        %dma_wait3A_310 = tpu.memref_slice %arg4[%add3A_288, %mul3A_305, %dma_wait3A_309] : memref<1792x224x768xf32, #tpu.memory_space<hbm>> -> memref<1x16x768xf32, #tpu.memory_space<hbm>>
        %dma_wait3A_311 = tpu.memref_squeeze %dma_wait3A_310 : memref<1x16x768xf32, #tpu.memory_space<hbm>> -> memref<16x768xf32, #tpu.memory_space<hbm>>
        tpu.wait_dma2 semaphore(%arg17 : memref<!tpu.dma_semaphore, #tpu.memory_space<semaphore_mem>>) src(%arg7 : memref<16x768xf32, #tpu.memory_space<vmem>>) dst(%dma_wait3A_311 : memref<16x768xf32, #tpu.memory_space<hbm>>)
      } else {
      }
      %dma_start3A_191 = arith.constant 0 : i32
      %dma_start3A_192 = arith.constant 0 : i32
      %dma_start3A_193 = arith.constant 0 : i32
      %dma_start3A_194 = tpu.memref_slice %arg7[%dma_start3A_192, %dma_start3A_193] : memref<16x768xf32, #tpu.memory_space<vmem>> -> memref<16x256xf32, #tpu.memory_space<vmem>>
      %dma_start3A_195 = arith.constant 0 : i32
      %dma_start3A_196 = tpu.memref_slice %arg6[%dma_start3A_191, %dma_start3A_195] : memref<56x48xi32, #tpu.memory_space<vmem>> -> memref<1x16xi32, #tpu.memory_space<vmem>>
      %dma_start3A_197 = tpu.memref_squeeze %dma_start3A_196 : memref<1x16xi32, #tpu.memory_space<vmem>> -> memref<16xi32, #tpu.memory_space<vmem>>
      %dma_start3A_198 = arith.constant 0 : i32
      %dma_start3A_199 = arith.constant 0 : i32
      %dma_start3A_200 = tpu.memref_slice %arg3[%dma_start3A_198, %dma_start3A_199] : memref<768x256xf32, #tpu.memory_space<hbm>> -> memref<768x256xf32, #tpu.memory_space<hbm>>
      tpu.enqueue_indirect_dma source(%dma_start3A_200 : memref<768x256xf32, #tpu.memory_space<hbm>>) target(%dma_start3A_194 : memref<16x256xf32, #tpu.memory_space<vmem>>) offsets(%dma_start3A_197 : memref<16xi32, #tpu.memory_space<vmem>>) semaphore(%arg13 : memref<!tpu.dma_semaphore, #tpu.memory_space<semaphore_mem>>)
      %dma_start3A_201 = arith.constant 0 : i32
      %dma_start3A_202 = arith.constant 0 : i32
      %dma_start3A_203 = arith.constant 256 : i32
      %dma_start3A_204 = tpu.memref_slice %arg7[%dma_start3A_202, %dma_start3A_203] : memref<16x768xf32, #tpu.memory_space<vmem>> -> memref<16x256xf32, #tpu.memory_space<vmem>>
      %dma_start3A_205 = arith.constant 16 : i32
      %dma_start3A_206 = tpu.memref_slice %arg6[%dma_start3A_201, %dma_start3A_205] : memref<56x48xi32, #tpu.memory_space<vmem>> -> memref<1x16xi32, #tpu.memory_space<vmem>>
      %dma_start3A_207 = tpu.memref_squeeze %dma_start3A_206 : memref<1x16xi32, #tpu.memory_space<vmem>> -> memref<16xi32, #tpu.memory_space<vmem>>
      %dma_start3A_208 = arith.constant 0 : i32
      %dma_start3A_209 = arith.constant 0 : i32
      %dma_start3A_210 = tpu.memref_slice %arg3[%dma_start3A_208, %dma_start3A_209] : memref<768x256xf32, #tpu.memory_space<hbm>> -> memref<768x256xf32, #tpu.memory_space<hbm>>
      tpu.enqueue_indirect_dma source(%dma_start3A_210 : memref<768x256xf32, #tpu.memory_space<hbm>>) target(%dma_start3A_204 : memref<16x256xf32, #tpu.memory_space<vmem>>) offsets(%dma_start3A_207 : memref<16xi32, #tpu.memory_space<vmem>>) semaphore(%arg13 : memref<!tpu.dma_semaphore, #tpu.memory_space<semaphore_mem>>)
      %dma_start3A_211 = arith.constant 0 : i32
      %dma_start3A_212 = arith.constant 0 : i32
      %dma_start3A_213 = arith.constant 512 : i32
      %dma_start3A_214 = tpu.memref_slice %arg7[%dma_start3A_212, %dma_start3A_213] : memref<16x768xf32, #tpu.memory_space<vmem>> -> memref<16x256xf32, #tpu.memory_space<vmem>>
      %dma_start3A_215 = arith.constant 32 : i32
      %dma_start3A_216 = tpu.memref_slice %arg6[%dma_start3A_211, %dma_start3A_215] : memref<56x48xi32, #tpu.memory_space<vmem>> -> memref<1x16xi32, #tpu.memory_space<vmem>>
      %dma_start3A_217 = tpu.memref_squeeze %dma_start3A_216 : memref<1x16xi32, #tpu.memory_space<vmem>> -> memref<16xi32, #tpu.memory_space<vmem>>
      %dma_start3A_218 = arith.constant 0 : i32
      %dma_start3A_219 = arith.constant 0 : i32
      %dma_start3A_220 = tpu.memref_slice %arg3[%dma_start3A_218, %dma_start3A_219] : memref<768x256xf32, #tpu.memory_space<hbm>> -> memref<768x256xf32, #tpu.memory_space<hbm>>
      tpu.enqueue_indirect_dma source(%dma_start3A_220 : memref<768x256xf32, #tpu.memory_space<hbm>>) target(%dma_start3A_214 : memref<16x256xf32, #tpu.memory_space<vmem>>) offsets(%dma_start3A_217 : memref<16xi32, #tpu.memory_space<vmem>>) semaphore(%arg13 : memref<!tpu.dma_semaphore, #tpu.memory_space<semaphore_mem>>)
      %add3A_221 = arith.constant 1 : i32
      %add3A_222 = arith.addi %mul3A_170, %add3A_221 : i32
      %ge3A_223 = arith.constant 4 : i32
      %ge3A_224 = arith.cmpi sge, %add3A_222, %ge3A_223 : i32
      %convert_element_type3A_225 = arith.extui %ge3A_224 : i1 to i32
      %cond3A_226 = arith.constant 0 : i32
      %cond3A_227 = arith.cmpi ne, %convert_element_type3A_225, %cond3A_226 : i32
      scf.if %cond3A_227 {
        %sub3A = arith.constant 4 : i32
        %sub3A_270 = arith.subi %add3A_222, %sub3A : i32
        %jit3A = arith.constant 14 : i32
        %div3A = arith.divsi %sub3A_270, %jit3A : i32
        %sign3A = arith.constant 0 : i32
        %sign3A_271 = arith.cmpi sgt, %sub3A_270, %sign3A : i32
        %sign3A_272 = arith.extui %sign3A_271 : i1 to i32
        %sign3A_273 = arith.constant 0 : i32
        %sign3A_274 = arith.cmpi slt, %sub3A_270, %sign3A_273 : i32
        %sign3A_275 = arith.extui %sign3A_274 : i1 to i32
        %sign3A_276 = arith.subi %sign3A_272, %sign3A_275 : i32
        %sign3A_277 = arith.constant 0 : i32
        %sign3A_278 = arith.cmpi sgt, %jit3A, %sign3A_277 : i32
        %sign3A_279 = arith.extui %sign3A_278 : i1 to i32
        %sign3A_280 = arith.constant 0 : i32
        %sign3A_281 = arith.cmpi slt, %jit3A, %sign3A_280 : i32
        %sign3A_282 = arith.extui %sign3A_281 : i1 to i32
        %sign3A_283 = arith.subi %sign3A_279, %sign3A_282 : i32
        %ne3A = arith.cmpi ne, %sign3A_276, %sign3A_283 : i32
        %rem3A = arith.remsi %sub3A_270, %jit3A : i32
        %ne3A_284 = arith.constant 0 : i32
        %ne3A_285 = arith.cmpi ne, %rem3A, %ne3A_284 : i32
        %and3A = arith.andi %ne3A, %ne3A_285 : i1
        %sub3A_286 = arith.constant 1 : i32
        %sub3A_287 = arith.subi %div3A, %sub3A_286 : i32
        %select_n3A = arith.select %and3A, %sub3A_287, %div3A : i32
        %add3A_288 = arith.addi %mul3A_2, %select_n3A : i32
        %jit3A_289 = arith.constant 14 : i32
        %eq3A = arith.constant 0 : i32
        %eq3A_290 = arith.cmpi eq, %jit3A_289, %eq3A : i32
        %jit3A_291 = arith.constant 1 : i32
        %select_n3A_292 = arith.select %eq3A_290, %jit3A_291, %jit3A_289 : i32
        %rem3A_293 = arith.remsi %sub3A_270, %select_n3A_292 : i32
        %ne3A_294 = arith.constant 0 : i32
        %ne3A_295 = arith.cmpi ne, %rem3A_293, %ne3A_294 : i32
        %lt3A_296 = arith.constant 0 : i32
        %lt3A_297 = arith.cmpi slt, %rem3A_293, %lt3A_296 : i32
        %lt3A_298 = arith.constant 0 : i32
        %lt3A_299 = arith.cmpi slt, %select_n3A_292, %lt3A_298 : i32
        %ne3A_300 = arith.xori %lt3A_297, %lt3A_299 : i1
        %and3A_301 = arith.andi %ne3A_300, %ne3A_295 : i1
        %add3A_302 = arith.addi %rem3A_293, %select_n3A_292 : i32
        %select_n3A_303 = arith.select %and3A_301, %add3A_302, %rem3A_293 : i32
        %mul3A_304 = arith.constant 16 : i32
        %mul3A_305 = arith.muli %select_n3A_303, %mul3A_304 : i32
        %dma_wait3A_306 = arith.constant 0 : i32
        %dma_wait3A_307 = tpu.memref_slice %arg4[%add3A_288, %mul3A_305, %dma_wait3A_306] : memref<1792x224x768xf32, #tpu.memory_space<hbm>> -> memref<1x16x768xf32, #tpu.memory_space<hbm>>
        %dma_wait3A_308 = tpu.memref_squeeze %dma_wait3A_307 : memref<1x16x768xf32, #tpu.memory_space<hbm>> -> memref<16x768xf32, #tpu.memory_space<hbm>>
        %dma_wait3A_309 = arith.constant 0 : i32
        %dma_wait3A_310 = tpu.memref_slice %arg4[%add3A_288, %mul3A_305, %dma_wait3A_309] : memref<1792x224x768xf32, #tpu.memory_space<hbm>> -> memref<1x16x768xf32, #tpu.memory_space<hbm>>
        %dma_wait3A_311 = tpu.memref_squeeze %dma_wait3A_310 : memref<1x16x768xf32, #tpu.memory_space<hbm>> -> memref<16x768xf32, #tpu.memory_space<hbm>>
        tpu.wait_dma2 semaphore(%arg18 : memref<!tpu.dma_semaphore, #tpu.memory_space<semaphore_mem>>) src(%arg8 : memref<16x768xf32, #tpu.memory_space<vmem>>) dst(%dma_wait3A_311 : memref<16x768xf32, #tpu.memory_space<hbm>>)
      } else {
      }
      %dma_start3A_228 = arith.constant 1 : i32
      %dma_start3A_229 = arith.constant 0 : i32
      %dma_start3A_230 = arith.constant 0 : i32
      %dma_start3A_231 = tpu.memref_slice %arg8[%dma_start3A_229, %dma_start3A_230] : memref<16x768xf32, #tpu.memory_space<vmem>> -> memref<16x256xf32, #tpu.memory_space<vmem>>
      %dma_start3A_232 = arith.constant 0 : i32
      %dma_start3A_233 = tpu.memref_slice %arg6[%dma_start3A_228, %dma_start3A_232] : memref<56x48xi32, #tpu.memory_space<vmem>> -> memref<1x16xi32, #tpu.memory_space<vmem>>
      %dma_start3A_234 = tpu.memref_squeeze %dma_start3A_233 : memref<1x16xi32, #tpu.memory_space<vmem>> -> memref<16xi32, #tpu.memory_space<vmem>>
      %dma_start3A_235 = arith.constant 0 : i32
      %dma_start3A_236 = arith.constant 0 : i32
      %dma_start3A_237 = tpu.memref_slice %arg3[%dma_start3A_235, %dma_start3A_236] : memref<768x256xf32, #tpu.memory_space<hbm>> -> memref<768x256xf32, #tpu.memory_space<hbm>>
      tpu.enqueue_indirect_dma source(%dma_start3A_237 : memref<768x256xf32, #tpu.memory_space<hbm>>) target(%dma_start3A_231 : memref<16x256xf32, #tpu.memory_space<vmem>>) offsets(%dma_start3A_234 : memref<16xi32, #tpu.memory_space<vmem>>) semaphore(%arg14 : memref<!tpu.dma_semaphore, #tpu.memory_space<semaphore_mem>>)
      %dma_start3A_238 = arith.constant 1 : i32
      %dma_start3A_239 = arith.constant 0 : i32
      %dma_start3A_240 = arith.constant 256 : i32
      %dma_start3A_241 = tpu.memref_slice %arg8[%dma_start3A_239, %dma_start3A_240] : memref<16x768xf32, #tpu.memory_space<vmem>> -> memref<16x256xf32, #tpu.memory_space<vmem>>
      %dma_start3A_242 = arith.constant 16 : i32
      %dma_start3A_243 = tpu.memref_slice %arg6[%dma_start3A_238, %dma_start3A_242] : memref<56x48xi32, #tpu.memory_space<vmem>> -> memref<1x16xi32, #tpu.memory_space<vmem>>
      %dma_start3A_244 = tpu.memref_squeeze %dma_start3A_243 : memref<1x16xi32, #tpu.memory_space<vmem>> -> memref<16xi32, #tpu.memory_space<vmem>>
      %dma_start3A_245 = arith.constant 0 : i32
      %dma_start3A_246 = arith.constant 0 : i32
      %dma_start3A_247 = tpu.memref_slice %arg3[%dma_start3A_245, %dma_start3A_246] : memref<768x256xf32, #tpu.memory_space<hbm>> -> memref<768x256xf32, #tpu.memory_space<hbm>>
      tpu.enqueue_indirect_dma source(%dma_start3A_247 : memref<768x256xf32, #tpu.memory_space<hbm>>) target(%dma_start3A_241 : memref<16x256xf32, #tpu.memory_space<vmem>>) offsets(%dma_start3A_244 : memref<16xi32, #tpu.memory_space<vmem>>) semaphore(%arg14 : memref<!tpu.dma_semaphore, #tpu.memory_space<semaphore_mem>>)
      %dma_start3A_248 = arith.constant 1 : i32
      %dma_start3A_249 = arith.constant 0 : i32
      %dma_start3A_250 = arith.constant 512 : i32
      %dma_start3A_251 = tpu.memref_slice %arg8[%dma_start3A_249, %dma_start3A_250] : memref<16x768xf32, #tpu.memory_space<vmem>> -> memref<16x256xf32, #tpu.memory_space<vmem>>
      %dma_start3A_252 = arith.constant 32 : i32
      %dma_start3A_253 = tpu.memref_slice %arg6[%dma_start3A_248, %dma_start3A_252] : memref<56x48xi32, #tpu.memory_space<vmem>> -> memref<1x16xi32, #tpu.memory_space<vmem>>
      %dma_start3A_254 = tpu.memref_squeeze %dma_start3A_253 : memref<1x16xi32, #tpu.memory_space<vmem>> -> memref<16xi32, #tpu.memory_space<vmem>>
      %dma_start3A_255 = arith.constant 0 : i32
      %dma_start3A_256 = arith.constant 0 : i32
      %dma_start3A_257 = tpu.memref_slice %arg3[%dma_start3A_255, %dma_start3A_256] : memref<768x256xf32, #tpu.memory_space<hbm>> -> memref<768x256xf32, #tpu.memory_space<hbm>>
      tpu.enqueue_indirect_dma source(%dma_start3A_257 : memref<768x256xf32, #tpu.memory_space<hbm>>) target(%dma_start3A_251 : memref<16x256xf32, #tpu.memory_space<vmem>>) offsets(%dma_start3A_254 : memref<16xi32, #tpu.memory_space<vmem>>) semaphore(%arg14 : memref<!tpu.dma_semaphore, #tpu.memory_space<semaphore_mem>>)
      %scan3A_258 = arith.constant 0 : i32
      %scan3A_259 = arith.constant 14 : i32
      %scan3A_260 = arith.addi %scan3A_258, %scan3A_259 : i32
      %scan3A_261 = arith.constant 1 : i32
      scf.for %scan3A_270 = %scan3A_258 to %scan3A_260 step %scan3A_261  : i32 {
        %mul3A_271 = arith.constant 4 : i32
        %mul3A_272 = arith.muli %scan3A_270, %mul3A_271 : i32
        %add3A_273 = arith.constant 0 : i32
        %add3A_274 = arith.addi %add3A_273, %mul3A_272 : i32
        %add3A_275 = arith.constant 0 : i32
        %add3A_276 = arith.addi %add3A_274, %add3A_275 : i32
        %add3A_277 = arith.addi %mul3A_170, %add3A_276 : i32
        %add3A_278 = arith.constant 2 : i32
        %add3A_279 = arith.addi %add3A_276, %add3A_278 : i32
        %lt3A_280 = arith.constant 56 : i32
        %lt3A_281 = arith.cmpi slt, %add3A_279, %lt3A_280 : i32
        %convert_element_type3A_282 = arith.extui %lt3A_281 : i1 to i32
        %cond3A_283 = arith.constant 0 : i32
        %cond3A_284 = arith.cmpi ne, %convert_element_type3A_282, %cond3A_283 : i32
        scf.if %cond3A_284 {
          %ge3A_610 = arith.constant 2 : i32
          %ge3A_611 = arith.cmpi sge, %add3A_277, %ge3A_610 : i32
          %convert_element_type3A_612 = arith.extui %ge3A_611 : i1 to i32
          %cond3A_613 = arith.constant 0 : i32
          %cond3A_614 = arith.cmpi ne, %convert_element_type3A_612, %cond3A_613 : i32
          scf.if %cond3A_614 {
            %sub3A_646 = arith.constant 2 : i32
            %sub3A_647 = arith.subi %add3A_277, %sub3A_646 : i32
            %jit3A_648 = arith.constant 14 : i32
            %div3A_649 = arith.divsi %sub3A_647, %jit3A_648 : i32
            %sign3A_650 = arith.constant 0 : i32
            %sign3A_651 = arith.cmpi sgt, %sub3A_647, %sign3A_650 : i32
            %sign3A_652 = arith.extui %sign3A_651 : i1 to i32
            %sign3A_653 = arith.constant 0 : i32
            %sign3A_654 = arith.cmpi slt, %sub3A_647, %sign3A_653 : i32
            %sign3A_655 = arith.extui %sign3A_654 : i1 to i32
            %sign3A_656 = arith.subi %sign3A_652, %sign3A_655 : i32
            %sign3A_657 = arith.constant 0 : i32
            %sign3A_658 = arith.cmpi sgt, %jit3A_648, %sign3A_657 : i32
            %sign3A_659 = arith.extui %sign3A_658 : i1 to i32
            %sign3A_660 = arith.constant 0 : i32
            %sign3A_661 = arith.cmpi slt, %jit3A_648, %sign3A_660 : i32
            %sign3A_662 = arith.extui %sign3A_661 : i1 to i32
            %sign3A_663 = arith.subi %sign3A_659, %sign3A_662 : i32
            %ne3A_664 = arith.cmpi ne, %sign3A_656, %sign3A_663 : i32
            %rem3A_665 = arith.remsi %sub3A_647, %jit3A_648 : i32
            %ne3A_666 = arith.constant 0 : i32
            %ne3A_667 = arith.cmpi ne, %rem3A_665, %ne3A_666 : i32
            %and3A_668 = arith.andi %ne3A_664, %ne3A_667 : i1
            %sub3A_669 = arith.constant 1 : i32
            %sub3A_670 = arith.subi %div3A_649, %sub3A_669 : i32
            %select_n3A_671 = arith.select %and3A_668, %sub3A_670, %div3A_649 : i32
            %add3A_672 = arith.addi %mul3A_2, %select_n3A_671 : i32
            %jit3A_673 = arith.constant 14 : i32
            %eq3A_674 = arith.constant 0 : i32
            %eq3A_675 = arith.cmpi eq, %jit3A_673, %eq3A_674 : i32
            %jit3A_676 = arith.constant 1 : i32
            %select_n3A_677 = arith.select %eq3A_675, %jit3A_676, %jit3A_673 : i32
            %rem3A_678 = arith.remsi %sub3A_647, %select_n3A_677 : i32
            %ne3A_679 = arith.constant 0 : i32
            %ne3A_680 = arith.cmpi ne, %rem3A_678, %ne3A_679 : i32
            %lt3A_681 = arith.constant 0 : i32
            %lt3A_682 = arith.cmpi slt, %rem3A_678, %lt3A_681 : i32
            %lt3A_683 = arith.constant 0 : i32
            %lt3A_684 = arith.cmpi slt, %select_n3A_677, %lt3A_683 : i32
            %ne3A_685 = arith.xori %lt3A_682, %lt3A_684 : i1
            %and3A_686 = arith.andi %ne3A_685, %ne3A_680 : i1
            %add3A_687 = arith.addi %rem3A_678, %select_n3A_677 : i32
            %select_n3A_688 = arith.select %and3A_686, %add3A_687, %rem3A_678 : i32
            %mul3A_689 = arith.constant 16 : i32
            %mul3A_690 = arith.muli %select_n3A_688, %mul3A_689 : i32
            %dma_wait3A_691 = arith.constant 0 : i32
            %dma_wait3A_692 = tpu.memref_slice %arg4[%add3A_672, %mul3A_690, %dma_wait3A_691] : memref<1792x224x768xf32, #tpu.memory_space<hbm>> -> memref<1x16x768xf32, #tpu.memory_space<hbm>>
            %dma_wait3A_693 = tpu.memref_squeeze %dma_wait3A_692 : memref<1x16x768xf32, #tpu.memory_space<hbm>> -> memref<16x768xf32, #tpu.memory_space<hbm>>
            %dma_wait3A_694 = arith.constant 0 : i32
            %dma_wait3A_695 = tpu.memref_slice %arg4[%add3A_672, %mul3A_690, %dma_wait3A_694] : memref<1792x224x768xf32, #tpu.memory_space<hbm>> -> memref<1x16x768xf32, #tpu.memory_space<hbm>>
            %dma_wait3A_696 = tpu.memref_squeeze %dma_wait3A_695 : memref<1x16x768xf32, #tpu.memory_space<hbm>> -> memref<16x768xf32, #tpu.memory_space<hbm>>
            tpu.wait_dma2 semaphore(%arg19 : memref<!tpu.dma_semaphore, #tpu.memory_space<semaphore_mem>>) src(%arg9 : memref<16x768xf32, #tpu.memory_space<vmem>>) dst(%dma_wait3A_696 : memref<16x768xf32, #tpu.memory_space<hbm>>)
          } else {
          }
          %add3A_615 = arith.constant 2 : i32
          %add3A_616 = arith.addi %add3A_277, %add3A_615 : i32
          %add3A_617 = arith.constant 2 : i32
          %add3A_618 = arith.addi %add3A_276, %add3A_617 : i32
          %dma_start3A_619 = arith.constant 0 : i32
          %dma_start3A_620 = arith.constant 0 : i32
          %dma_start3A_621 = tpu.memref_slice %arg9[%dma_start3A_619, %dma_start3A_620] : memref<16x768xf32, #tpu.memory_space<vmem>> -> memref<16x256xf32, #tpu.memory_space<vmem>>
          %dma_start3A_622 = arith.constant 0 : i32
          %dma_start3A_623 = tpu.memref_slice %arg6[%add3A_618, %dma_start3A_622] : memref<56x48xi32, #tpu.memory_space<vmem>> -> memref<1x16xi32, #tpu.memory_space<vmem>>
          %dma_start3A_624 = tpu.memref_squeeze %dma_start3A_623 : memref<1x16xi32, #tpu.memory_space<vmem>> -> memref<16xi32, #tpu.memory_space<vmem>>
          %dma_start3A_625 = arith.constant 0 : i32
          %dma_start3A_626 = arith.constant 0 : i32
          %dma_start3A_627 = tpu.memref_slice %arg3[%dma_start3A_625, %dma_start3A_626] : memref<768x256xf32, #tpu.memory_space<hbm>> -> memref<768x256xf32, #tpu.memory_space<hbm>>
          tpu.enqueue_indirect_dma source(%dma_start3A_627 : memref<768x256xf32, #tpu.memory_space<hbm>>) target(%dma_start3A_621 : memref<16x256xf32, #tpu.memory_space<vmem>>) offsets(%dma_start3A_624 : memref<16xi32, #tpu.memory_space<vmem>>) semaphore(%arg15 : memref<!tpu.dma_semaphore, #tpu.memory_space<semaphore_mem>>)
          %dma_start3A_628 = arith.constant 0 : i32
          %dma_start3A_629 = arith.constant 256 : i32
          %dma_start3A_630 = tpu.memref_slice %arg9[%dma_start3A_628, %dma_start3A_629] : memref<16x768xf32, #tpu.memory_space<vmem>> -> memref<16x256xf32, #tpu.memory_space<vmem>>
          %dma_start3A_631 = arith.constant 16 : i32
          %dma_start3A_632 = tpu.memref_slice %arg6[%add3A_618, %dma_start3A_631] : memref<56x48xi32, #tpu.memory_space<vmem>> -> memref<1x16xi32, #tpu.memory_space<vmem>>
          %dma_start3A_633 = tpu.memref_squeeze %dma_start3A_632 : memref<1x16xi32, #tpu.memory_space<vmem>> -> memref<16xi32, #tpu.memory_space<vmem>>
          %dma_start3A_634 = arith.constant 0 : i32
          %dma_start3A_635 = arith.constant 0 : i32
          %dma_start3A_636 = tpu.memref_slice %arg3[%dma_start3A_634, %dma_start3A_635] : memref<768x256xf32, #tpu.memory_space<hbm>> -> memref<768x256xf32, #tpu.memory_space<hbm>>
          tpu.enqueue_indirect_dma source(%dma_start3A_636 : memref<768x256xf32, #tpu.memory_space<hbm>>) target(%dma_start3A_630 : memref<16x256xf32, #tpu.memory_space<vmem>>) offsets(%dma_start3A_633 : memref<16xi32, #tpu.memory_space<vmem>>) semaphore(%arg15 : memref<!tpu.dma_semaphore, #tpu.memory_space<semaphore_mem>>)
          %dma_start3A_637 = arith.constant 0 : i32
          %dma_start3A_638 = arith.constant 512 : i32
          %dma_start3A_639 = tpu.memref_slice %arg9[%dma_start3A_637, %dma_start3A_638] : memref<16x768xf32, #tpu.memory_space<vmem>> -> memref<16x256xf32, #tpu.memory_space<vmem>>
          %dma_start3A_640 = arith.constant 32 : i32
          %dma_start3A_641 = tpu.memref_slice %arg6[%add3A_618, %dma_start3A_640] : memref<56x48xi32, #tpu.memory_space<vmem>> -> memref<1x16xi32, #tpu.memory_space<vmem>>
          %dma_start3A_642 = tpu.memref_squeeze %dma_start3A_641 : memref<1x16xi32, #tpu.memory_space<vmem>> -> memref<16xi32, #tpu.memory_space<vmem>>
          %dma_start3A_643 = arith.constant 0 : i32
          %dma_start3A_644 = arith.constant 0 : i32
          %dma_start3A_645 = tpu.memref_slice %arg3[%dma_start3A_643, %dma_start3A_644] : memref<768x256xf32, #tpu.memory_space<hbm>> -> memref<768x256xf32, #tpu.memory_space<hbm>>
          tpu.enqueue_indirect_dma source(%dma_start3A_645 : memref<768x256xf32, #tpu.memory_space<hbm>>) target(%dma_start3A_639 : memref<16x256xf32, #tpu.memory_space<vmem>>) offsets(%dma_start3A_642 : memref<16xi32, #tpu.memory_space<vmem>>) semaphore(%arg15 : memref<!tpu.dma_semaphore, #tpu.memory_space<semaphore_mem>>)
        } else {
        }
        %dma_wait3A_285 = arith.constant 0 : i32
        %dma_wait3A_286 = arith.constant 0 : i32
        %dma_wait3A_287 = tpu.memref_slice %arg7[%dma_wait3A_285, %dma_wait3A_286] : memref<16x768xf32, #tpu.memory_space<vmem>> -> memref<16x256xf32, #tpu.memory_space<vmem>>
        %dma_wait3A_288 = arith.constant 0 : i32
        %dma_wait3A_289 = tpu.memref_slice %arg6[%add3A_276, %dma_wait3A_288] : memref<56x48xi32, #tpu.memory_space<vmem>> -> memref<1x16xi32, #tpu.memory_space<vmem>>
        %dma_wait3A_290 = tpu.memref_squeeze %dma_wait3A_289 : memref<1x16xi32, #tpu.memory_space<vmem>> -> memref<16xi32, #tpu.memory_space<vmem>>
        %dma_wait3A_291 = arith.constant 0 : i32
        %dma_wait3A_292 = arith.constant 0 : i32
        %dma_wait3A_293 = tpu.memref_slice %arg3[%dma_wait3A_291, %dma_wait3A_292] : memref<768x256xf32, #tpu.memory_space<hbm>> -> memref<768x256xf32, #tpu.memory_space<hbm>>
        tpu.wait_indirect_dma semaphore(%arg13 : memref<!tpu.dma_semaphore, #tpu.memory_space<semaphore_mem>>) src(%dma_wait3A_293 : memref<768x256xf32, #tpu.memory_space<hbm>>) dst(%dma_wait3A_287 : memref<16x256xf32, #tpu.memory_space<vmem>>)
        %dma_wait3A_294 = arith.constant 0 : i32
        %dma_wait3A_295 = arith.constant 256 : i32
        %dma_wait3A_296 = tpu.memref_slice %arg7[%dma_wait3A_294, %dma_wait3A_295] : memref<16x768xf32, #tpu.memory_space<vmem>> -> memref<16x256xf32, #tpu.memory_space<vmem>>
        %dma_wait3A_297 = arith.constant 16 : i32
        %dma_wait3A_298 = tpu.memref_slice %arg6[%add3A_276, %dma_wait3A_297] : memref<56x48xi32, #tpu.memory_space<vmem>> -> memref<1x16xi32, #tpu.memory_space<vmem>>
        %dma_wait3A_299 = tpu.memref_squeeze %dma_wait3A_298 : memref<1x16xi32, #tpu.memory_space<vmem>> -> memref<16xi32, #tpu.memory_space<vmem>>
        %dma_wait3A_300 = arith.constant 0 : i32
        %dma_wait3A_301 = arith.constant 0 : i32
        %dma_wait3A_302 = tpu.memref_slice %arg3[%dma_wait3A_300, %dma_wait3A_301] : memref<768x256xf32, #tpu.memory_space<hbm>> -> memref<768x256xf32, #tpu.memory_space<hbm>>
        tpu.wait_indirect_dma semaphore(%arg13 : memref<!tpu.dma_semaphore, #tpu.memory_space<semaphore_mem>>) src(%dma_wait3A_302 : memref<768x256xf32, #tpu.memory_space<hbm>>) dst(%dma_wait3A_296 : memref<16x256xf32, #tpu.memory_space<vmem>>)
        %dma_wait3A_303 = arith.constant 0 : i32
        %dma_wait3A_304 = arith.constant 512 : i32
        %dma_wait3A_305 = tpu.memref_slice %arg7[%dma_wait3A_303, %dma_wait3A_304] : memref<16x768xf32, #tpu.memory_space<vmem>> -> memref<16x256xf32, #tpu.memory_space<vmem>>
        %dma_wait3A_306 = arith.constant 32 : i32
        %dma_wait3A_307 = tpu.memref_slice %arg6[%add3A_276, %dma_wait3A_306] : memref<56x48xi32, #tpu.memory_space<vmem>> -> memref<1x16xi32, #tpu.memory_space<vmem>>
        %dma_wait3A_308 = tpu.memref_squeeze %dma_wait3A_307 : memref<1x16xi32, #tpu.memory_space<vmem>> -> memref<16xi32, #tpu.memory_space<vmem>>
        %dma_wait3A_309 = arith.constant 0 : i32
        %dma_wait3A_310 = arith.constant 0 : i32
        %dma_wait3A_311 = tpu.memref_slice %arg3[%dma_wait3A_309, %dma_wait3A_310] : memref<768x256xf32, #tpu.memory_space<hbm>> -> memref<768x256xf32, #tpu.memory_space<hbm>>
        tpu.wait_indirect_dma semaphore(%arg13 : memref<!tpu.dma_semaphore, #tpu.memory_space<semaphore_mem>>) src(%dma_wait3A_311 : memref<768x256xf32, #tpu.memory_space<hbm>>) dst(%dma_wait3A_305 : memref<16x256xf32, #tpu.memory_space<vmem>>)
        %jit3A = arith.constant 14 : i32
        %div3A = arith.divsi %add3A_277, %jit3A : i32
        %sign3A = arith.constant 0 : i32
        %sign3A_312 = arith.cmpi sgt, %add3A_277, %sign3A : i32
        %sign3A_313 = arith.extui %sign3A_312 : i1 to i32
        %sign3A_314 = arith.constant 0 : i32
        %sign3A_315 = arith.cmpi slt, %add3A_277, %sign3A_314 : i32
        %sign3A_316 = arith.extui %sign3A_315 : i1 to i32
        %sign3A_317 = arith.subi %sign3A_313, %sign3A_316 : i32
        %sign3A_318 = arith.constant 0 : i32
        %sign3A_319 = arith.cmpi sgt, %jit3A, %sign3A_318 : i32
        %sign3A_320 = arith.extui %sign3A_319 : i1 to i32
        %sign3A_321 = arith.constant 0 : i32
        %sign3A_322 = arith.cmpi slt, %jit3A, %sign3A_321 : i32
        %sign3A_323 = arith.extui %sign3A_322 : i1 to i32
        %sign3A_324 = arith.subi %sign3A_320, %sign3A_323 : i32
        %ne3A = arith.cmpi ne, %sign3A_317, %sign3A_324 : i32
        %rem3A = arith.remsi %add3A_277, %jit3A : i32
        %ne3A_325 = arith.constant 0 : i32
        %ne3A_326 = arith.cmpi ne, %rem3A, %ne3A_325 : i32
        %and3A = arith.andi %ne3A, %ne3A_326 : i1
        %sub3A = arith.constant 1 : i32
        %sub3A_327 = arith.subi %div3A, %sub3A : i32
        %select_n3A = arith.select %and3A, %sub3A_327, %div3A : i32
        %add3A_328 = arith.addi %mul3A_2, %select_n3A : i32
        %jit3A_329 = arith.constant 14 : i32
        %eq3A = arith.constant 0 : i32
        %eq3A_330 = arith.cmpi eq, %jit3A_329, %eq3A : i32
        %jit3A_331 = arith.constant 1 : i32
        %select_n3A_332 = arith.select %eq3A_330, %jit3A_331, %jit3A_329 : i32
        %rem3A_333 = arith.remsi %add3A_277, %select_n3A_332 : i32
        %ne3A_334 = arith.constant 0 : i32
        %ne3A_335 = arith.cmpi ne, %rem3A_333, %ne3A_334 : i32
        %lt3A_336 = arith.constant 0 : i32
        %lt3A_337 = arith.cmpi slt, %rem3A_333, %lt3A_336 : i32
        %lt3A_338 = arith.constant 0 : i32
        %lt3A_339 = arith.cmpi slt, %select_n3A_332, %lt3A_338 : i32
        %ne3A_340 = arith.xori %lt3A_337, %lt3A_339 : i1
        %and3A_341 = arith.andi %ne3A_340, %ne3A_335 : i1
        %add3A_342 = arith.addi %rem3A_333, %select_n3A_332 : i32
        %select_n3A_343 = arith.select %and3A_341, %add3A_342, %rem3A_333 : i32
        %mul3A_344 = arith.constant 16 : i32
        %mul3A_345 = arith.muli %select_n3A_343, %mul3A_344 : i32
        %dma_start3A_346 = arith.constant 0 : i32
        %dma_start3A_347 = tpu.memref_slice %arg4[%add3A_328, %mul3A_345, %dma_start3A_346] : memref<1792x224x768xf32, #tpu.memory_space<hbm>> -> memref<1x16x768xf32, #tpu.memory_space<hbm>>
        %dma_start3A_348 = tpu.memref_squeeze %dma_start3A_347 : memref<1x16x768xf32, #tpu.memory_space<hbm>> -> memref<16x768xf32, #tpu.memory_space<hbm>>
        %dma_start3A_349 = arith.constant 0 : i32
        %dma_start3A_350 = tpu.memref_slice %arg4[%add3A_328, %mul3A_345, %dma_start3A_349] : memref<1792x224x768xf32, #tpu.memory_space<hbm>> -> memref<1x16x768xf32, #tpu.memory_space<hbm>>
        %dma_start3A_351 = tpu.memref_squeeze %dma_start3A_350 : memref<1x16x768xf32, #tpu.memory_space<hbm>> -> memref<16x768xf32, #tpu.memory_space<hbm>>
        tpu.enqueue_dma source(%arg7 : memref<16x768xf32, #tpu.memory_space<vmem>>) target(%dma_start3A_351 : memref<16x768xf32, #tpu.memory_space<hbm>>) target_semaphore(%arg17 : memref<!tpu.dma_semaphore, #tpu.memory_space<semaphore_mem>>)
        %add3A_352 = arith.constant 1 : i32
        %add3A_353 = arith.addi %add3A_274, %add3A_352 : i32
        %add3A_354 = arith.addi %mul3A_170, %add3A_353 : i32
        %add3A_355 = arith.constant 2 : i32
        %add3A_356 = arith.addi %add3A_353, %add3A_355 : i32
        %lt3A_357 = arith.constant 56 : i32
        %lt3A_358 = arith.cmpi slt, %add3A_356, %lt3A_357 : i32
        %convert_element_type3A_359 = arith.extui %lt3A_358 : i1 to i32
        %cond3A_360 = arith.constant 0 : i32
        %cond3A_361 = arith.cmpi ne, %convert_element_type3A_359, %cond3A_360 : i32
        scf.if %cond3A_361 {
          %ge3A_610 = arith.constant 2 : i32
          %ge3A_611 = arith.cmpi sge, %add3A_354, %ge3A_610 : i32
          %convert_element_type3A_612 = arith.extui %ge3A_611 : i1 to i32
          %cond3A_613 = arith.constant 0 : i32
          %cond3A_614 = arith.cmpi ne, %convert_element_type3A_612, %cond3A_613 : i32
          scf.if %cond3A_614 {
            %sub3A_646 = arith.constant 2 : i32
            %sub3A_647 = arith.subi %add3A_354, %sub3A_646 : i32
            %jit3A_648 = arith.constant 14 : i32
            %div3A_649 = arith.divsi %sub3A_647, %jit3A_648 : i32
            %sign3A_650 = arith.constant 0 : i32
            %sign3A_651 = arith.cmpi sgt, %sub3A_647, %sign3A_650 : i32
            %sign3A_652 = arith.extui %sign3A_651 : i1 to i32
            %sign3A_653 = arith.constant 0 : i32
            %sign3A_654 = arith.cmpi slt, %sub3A_647, %sign3A_653 : i32
            %sign3A_655 = arith.extui %sign3A_654 : i1 to i32
            %sign3A_656 = arith.subi %sign3A_652, %sign3A_655 : i32
            %sign3A_657 = arith.constant 0 : i32
            %sign3A_658 = arith.cmpi sgt, %jit3A_648, %sign3A_657 : i32
            %sign3A_659 = arith.extui %sign3A_658 : i1 to i32
            %sign3A_660 = arith.constant 0 : i32
            %sign3A_661 = arith.cmpi slt, %jit3A_648, %sign3A_660 : i32
            %sign3A_662 = arith.extui %sign3A_661 : i1 to i32
            %sign3A_663 = arith.subi %sign3A_659, %sign3A_662 : i32
            %ne3A_664 = arith.cmpi ne, %sign3A_656, %sign3A_663 : i32
            %rem3A_665 = arith.remsi %sub3A_647, %jit3A_648 : i32
            %ne3A_666 = arith.constant 0 : i32
            %ne3A_667 = arith.cmpi ne, %rem3A_665, %ne3A_666 : i32
            %and3A_668 = arith.andi %ne3A_664, %ne3A_667 : i1
            %sub3A_669 = arith.constant 1 : i32
            %sub3A_670 = arith.subi %div3A_649, %sub3A_669 : i32
            %select_n3A_671 = arith.select %and3A_668, %sub3A_670, %div3A_649 : i32
            %add3A_672 = arith.addi %mul3A_2, %select_n3A_671 : i32
            %jit3A_673 = arith.constant 14 : i32
            %eq3A_674 = arith.constant 0 : i32
            %eq3A_675 = arith.cmpi eq, %jit3A_673, %eq3A_674 : i32
            %jit3A_676 = arith.constant 1 : i32
            %select_n3A_677 = arith.select %eq3A_675, %jit3A_676, %jit3A_673 : i32
            %rem3A_678 = arith.remsi %sub3A_647, %select_n3A_677 : i32
            %ne3A_679 = arith.constant 0 : i32
            %ne3A_680 = arith.cmpi ne, %rem3A_678, %ne3A_679 : i32
            %lt3A_681 = arith.constant 0 : i32
            %lt3A_682 = arith.cmpi slt, %rem3A_678, %lt3A_681 : i32
            %lt3A_683 = arith.constant 0 : i32
            %lt3A_684 = arith.cmpi slt, %select_n3A_677, %lt3A_683 : i32
            %ne3A_685 = arith.xori %lt3A_682, %lt3A_684 : i1
            %and3A_686 = arith.andi %ne3A_685, %ne3A_680 : i1
            %add3A_687 = arith.addi %rem3A_678, %select_n3A_677 : i32
            %select_n3A_688 = arith.select %and3A_686, %add3A_687, %rem3A_678 : i32
            %mul3A_689 = arith.constant 16 : i32
            %mul3A_690 = arith.muli %select_n3A_688, %mul3A_689 : i32
            %dma_wait3A_691 = arith.constant 0 : i32
            %dma_wait3A_692 = tpu.memref_slice %arg4[%add3A_672, %mul3A_690, %dma_wait3A_691] : memref<1792x224x768xf32, #tpu.memory_space<hbm>> -> memref<1x16x768xf32, #tpu.memory_space<hbm>>
            %dma_wait3A_693 = tpu.memref_squeeze %dma_wait3A_692 : memref<1x16x768xf32, #tpu.memory_space<hbm>> -> memref<16x768xf32, #tpu.memory_space<hbm>>
            %dma_wait3A_694 = arith.constant 0 : i32
            %dma_wait3A_695 = tpu.memref_slice %arg4[%add3A_672, %mul3A_690, %dma_wait3A_694] : memref<1792x224x768xf32, #tpu.memory_space<hbm>> -> memref<1x16x768xf32, #tpu.memory_space<hbm>>
            %dma_wait3A_696 = tpu.memref_squeeze %dma_wait3A_695 : memref<1x16x768xf32, #tpu.memory_space<hbm>> -> memref<16x768xf32, #tpu.memory_space<hbm>>
            tpu.wait_dma2 semaphore(%arg20 : memref<!tpu.dma_semaphore, #tpu.memory_space<semaphore_mem>>) src(%arg10 : memref<16x768xf32, #tpu.memory_space<vmem>>) dst(%dma_wait3A_696 : memref<16x768xf32, #tpu.memory_space<hbm>>)
          } else {
          }
          %add3A_615 = arith.constant 2 : i32
          %add3A_616 = arith.addi %add3A_354, %add3A_615 : i32
          %add3A_617 = arith.constant 2 : i32
          %add3A_618 = arith.addi %add3A_353, %add3A_617 : i32
          %dma_start3A_619 = arith.constant 0 : i32
          %dma_start3A_620 = arith.constant 0 : i32
          %dma_start3A_621 = tpu.memref_slice %arg10[%dma_start3A_619, %dma_start3A_620] : memref<16x768xf32, #tpu.memory_space<vmem>> -> memref<16x256xf32, #tpu.memory_space<vmem>>
          %dma_start3A_622 = arith.constant 0 : i32
          %dma_start3A_623 = tpu.memref_slice %arg6[%add3A_618, %dma_start3A_622] : memref<56x48xi32, #tpu.memory_space<vmem>> -> memref<1x16xi32, #tpu.memory_space<vmem>>
          %dma_start3A_624 = tpu.memref_squeeze %dma_start3A_623 : memref<1x16xi32, #tpu.memory_space<vmem>> -> memref<16xi32, #tpu.memory_space<vmem>>
          %dma_start3A_625 = arith.constant 0 : i32
          %dma_start3A_626 = arith.constant 0 : i32
          %dma_start3A_627 = tpu.memref_slice %arg3[%dma_start3A_625, %dma_start3A_626] : memref<768x256xf32, #tpu.memory_space<hbm>> -> memref<768x256xf32, #tpu.memory_space<hbm>>
          tpu.enqueue_indirect_dma source(%dma_start3A_627 : memref<768x256xf32, #tpu.memory_space<hbm>>) target(%dma_start3A_621 : memref<16x256xf32, #tpu.memory_space<vmem>>) offsets(%dma_start3A_624 : memref<16xi32, #tpu.memory_space<vmem>>) semaphore(%arg16 : memref<!tpu.dma_semaphore, #tpu.memory_space<semaphore_mem>>)
          %dma_start3A_628 = arith.constant 0 : i32
          %dma_start3A_629 = arith.constant 256 : i32
          %dma_start3A_630 = tpu.memref_slice %arg10[%dma_start3A_628, %dma_start3A_629] : memref<16x768xf32, #tpu.memory_space<vmem>> -> memref<16x256xf32, #tpu.memory_space<vmem>>
          %dma_start3A_631 = arith.constant 16 : i32
          %dma_start3A_632 = tpu.memref_slice %arg6[%add3A_618, %dma_start3A_631] : memref<56x48xi32, #tpu.memory_space<vmem>> -> memref<1x16xi32, #tpu.memory_space<vmem>>
          %dma_start3A_633 = tpu.memref_squeeze %dma_start3A_632 : memref<1x16xi32, #tpu.memory_space<vmem>> -> memref<16xi32, #tpu.memory_space<vmem>>
          %dma_start3A_634 = arith.constant 0 : i32
          %dma_start3A_635 = arith.constant 0 : i32
          %dma_start3A_636 = tpu.memref_slice %arg3[%dma_start3A_634, %dma_start3A_635] : memref<768x256xf32, #tpu.memory_space<hbm>> -> memref<768x256xf32, #tpu.memory_space<hbm>>
          tpu.enqueue_indirect_dma source(%dma_start3A_636 : memref<768x256xf32, #tpu.memory_space<hbm>>) target(%dma_start3A_630 : memref<16x256xf32, #tpu.memory_space<vmem>>) offsets(%dma_start3A_633 : memref<16xi32, #tpu.memory_space<vmem>>) semaphore(%arg16 : memref<!tpu.dma_semaphore, #tpu.memory_space<semaphore_mem>>)
          %dma_start3A_637 = arith.constant 0 : i32
          %dma_start3A_638 = arith.constant 512 : i32
          %dma_start3A_639 = tpu.memref_slice %arg10[%dma_start3A_637, %dma_start3A_638] : memref<16x768xf32, #tpu.memory_space<vmem>> -> memref<16x256xf32, #tpu.memory_space<vmem>>
          %dma_start3A_640 = arith.constant 32 : i32
          %dma_start3A_641 = tpu.memref_slice %arg6[%add3A_618, %dma_start3A_640] : memref<56x48xi32, #tpu.memory_space<vmem>> -> memref<1x16xi32, #tpu.memory_space<vmem>>
          %dma_start3A_642 = tpu.memref_squeeze %dma_start3A_641 : memref<1x16xi32, #tpu.memory_space<vmem>> -> memref<16xi32, #tpu.memory_space<vmem>>
          %dma_start3A_643 = arith.constant 0 : i32
          %dma_start3A_644 = arith.constant 0 : i32
          %dma_start3A_645 = tpu.memref_slice %arg3[%dma_start3A_643, %dma_start3A_644] : memref<768x256xf32, #tpu.memory_space<hbm>> -> memref<768x256xf32, #tpu.memory_space<hbm>>
          tpu.enqueue_indirect_dma source(%dma_start3A_645 : memref<768x256xf32, #tpu.memory_space<hbm>>) target(%dma_start3A_639 : memref<16x256xf32, #tpu.memory_space<vmem>>) offsets(%dma_start3A_642 : memref<16xi32, #tpu.memory_space<vmem>>) semaphore(%arg16 : memref<!tpu.dma_semaphore, #tpu.memory_space<semaphore_mem>>)
        } else {
        }
        %dma_wait3A_362 = arith.constant 0 : i32
        %dma_wait3A_363 = arith.constant 0 : i32
        %dma_wait3A_364 = tpu.memref_slice %arg8[%dma_wait3A_362, %dma_wait3A_363] : memref<16x768xf32, #tpu.memory_space<vmem>> -> memref<16x256xf32, #tpu.memory_space<vmem>>
        %dma_wait3A_365 = arith.constant 0 : i32
        %dma_wait3A_366 = tpu.memref_slice %arg6[%add3A_353, %dma_wait3A_365] : memref<56x48xi32, #tpu.memory_space<vmem>> -> memref<1x16xi32, #tpu.memory_space<vmem>>
        %dma_wait3A_367 = tpu.memref_squeeze %dma_wait3A_366 : memref<1x16xi32, #tpu.memory_space<vmem>> -> memref<16xi32, #tpu.memory_space<vmem>>
        %dma_wait3A_368 = arith.constant 0 : i32
        %dma_wait3A_369 = arith.constant 0 : i32
        %dma_wait3A_370 = tpu.memref_slice %arg3[%dma_wait3A_368, %dma_wait3A_369] : memref<768x256xf32, #tpu.memory_space<hbm>> -> memref<768x256xf32, #tpu.memory_space<hbm>>
        tpu.wait_indirect_dma semaphore(%arg14 : memref<!tpu.dma_semaphore, #tpu.memory_space<semaphore_mem>>) src(%dma_wait3A_370 : memref<768x256xf32, #tpu.memory_space<hbm>>) dst(%dma_wait3A_364 : memref<16x256xf32, #tpu.memory_space<vmem>>)
        %dma_wait3A_371 = arith.constant 0 : i32
        %dma_wait3A_372 = arith.constant 256 : i32
        %dma_wait3A_373 = tpu.memref_slice %arg8[%dma_wait3A_371, %dma_wait3A_372] : memref<16x768xf32, #tpu.memory_space<vmem>> -> memref<16x256xf32, #tpu.memory_space<vmem>>
        %dma_wait3A_374 = arith.constant 16 : i32
        %dma_wait3A_375 = tpu.memref_slice %arg6[%add3A_353, %dma_wait3A_374] : memref<56x48xi32, #tpu.memory_space<vmem>> -> memref<1x16xi32, #tpu.memory_space<vmem>>
        %dma_wait3A_376 = tpu.memref_squeeze %dma_wait3A_375 : memref<1x16xi32, #tpu.memory_space<vmem>> -> memref<16xi32, #tpu.memory_space<vmem>>
        %dma_wait3A_377 = arith.constant 0 : i32
        %dma_wait3A_378 = arith.constant 0 : i32
        %dma_wait3A_379 = tpu.memref_slice %arg3[%dma_wait3A_377, %dma_wait3A_378] : memref<768x256xf32, #tpu.memory_space<hbm>> -> memref<768x256xf32, #tpu.memory_space<hbm>>
        tpu.wait_indirect_dma semaphore(%arg14 : memref<!tpu.dma_semaphore, #tpu.memory_space<semaphore_mem>>) src(%dma_wait3A_379 : memref<768x256xf32, #tpu.memory_space<hbm>>) dst(%dma_wait3A_373 : memref<16x256xf32, #tpu.memory_space<vmem>>)
        %dma_wait3A_380 = arith.constant 0 : i32
        %dma_wait3A_381 = arith.constant 512 : i32
        %dma_wait3A_382 = tpu.memref_slice %arg8[%dma_wait3A_380, %dma_wait3A_381] : memref<16x768xf32, #tpu.memory_space<vmem>> -> memref<16x256xf32, #tpu.memory_space<vmem>>
        %dma_wait3A_383 = arith.constant 32 : i32
        %dma_wait3A_384 = tpu.memref_slice %arg6[%add3A_353, %dma_wait3A_383] : memref<56x48xi32, #tpu.memory_space<vmem>> -> memref<1x16xi32, #tpu.memory_space<vmem>>
        %dma_wait3A_385 = tpu.memref_squeeze %dma_wait3A_384 : memref<1x16xi32, #tpu.memory_space<vmem>> -> memref<16xi32, #tpu.memory_space<vmem>>
        %dma_wait3A_386 = arith.constant 0 : i32
        %dma_wait3A_387 = arith.constant 0 : i32
        %dma_wait3A_388 = tpu.memref_slice %arg3[%dma_wait3A_386, %dma_wait3A_387] : memref<768x256xf32, #tpu.memory_space<hbm>> -> memref<768x256xf32, #tpu.memory_space<hbm>>
        tpu.wait_indirect_dma semaphore(%arg14 : memref<!tpu.dma_semaphore, #tpu.memory_space<semaphore_mem>>) src(%dma_wait3A_388 : memref<768x256xf32, #tpu.memory_space<hbm>>) dst(%dma_wait3A_382 : memref<16x256xf32, #tpu.memory_space<vmem>>)
        %jit3A_389 = arith.constant 14 : i32
        %div3A_390 = arith.divsi %add3A_354, %jit3A_389 : i32
        %sign3A_391 = arith.constant 0 : i32
        %sign3A_392 = arith.cmpi sgt, %add3A_354, %sign3A_391 : i32
        %sign3A_393 = arith.extui %sign3A_392 : i1 to i32
        %sign3A_394 = arith.constant 0 : i32
        %sign3A_395 = arith.cmpi slt, %add3A_354, %sign3A_394 : i32
        %sign3A_396 = arith.extui %sign3A_395 : i1 to i32
        %sign3A_397 = arith.subi %sign3A_393, %sign3A_396 : i32
        %sign3A_398 = arith.constant 0 : i32
        %sign3A_399 = arith.cmpi sgt, %jit3A_389, %sign3A_398 : i32
        %sign3A_400 = arith.extui %sign3A_399 : i1 to i32
        %sign3A_401 = arith.constant 0 : i32
        %sign3A_402 = arith.cmpi slt, %jit3A_389, %sign3A_401 : i32
        %sign3A_403 = arith.extui %sign3A_402 : i1 to i32
        %sign3A_404 = arith.subi %sign3A_400, %sign3A_403 : i32
        %ne3A_405 = arith.cmpi ne, %sign3A_397, %sign3A_404 : i32
        %rem3A_406 = arith.remsi %add3A_354, %jit3A_389 : i32
        %ne3A_407 = arith.constant 0 : i32
        %ne3A_408 = arith.cmpi ne, %rem3A_406, %ne3A_407 : i32
        %and3A_409 = arith.andi %ne3A_405, %ne3A_408 : i1
        %sub3A_410 = arith.constant 1 : i32
        %sub3A_411 = arith.subi %div3A_390, %sub3A_410 : i32
        %select_n3A_412 = arith.select %and3A_409, %sub3A_411, %div3A_390 : i32
        %add3A_413 = arith.addi %mul3A_2, %select_n3A_412 : i32
        %jit3A_414 = arith.constant 14 : i32
        %eq3A_415 = arith.constant 0 : i32
        %eq3A_416 = arith.cmpi eq, %jit3A_414, %eq3A_415 : i32
        %jit3A_417 = arith.constant 1 : i32
        %select_n3A_418 = arith.select %eq3A_416, %jit3A_417, %jit3A_414 : i32
        %rem3A_419 = arith.remsi %add3A_354, %select_n3A_418 : i32
        %ne3A_420 = arith.constant 0 : i32
        %ne3A_421 = arith.cmpi ne, %rem3A_419, %ne3A_420 : i32
        %lt3A_422 = arith.constant 0 : i32
        %lt3A_423 = arith.cmpi slt, %rem3A_419, %lt3A_422 : i32
        %lt3A_424 = arith.constant 0 : i32
        %lt3A_425 = arith.cmpi slt, %select_n3A_418, %lt3A_424 : i32
        %ne3A_426 = arith.xori %lt3A_423, %lt3A_425 : i1
        %and3A_427 = arith.andi %ne3A_426, %ne3A_421 : i1
        %add3A_428 = arith.addi %rem3A_419, %select_n3A_418 : i32
        %select_n3A_429 = arith.select %and3A_427, %add3A_428, %rem3A_419 : i32
        %mul3A_430 = arith.constant 16 : i32
        %mul3A_431 = arith.muli %select_n3A_429, %mul3A_430 : i32
        %dma_start3A_432 = arith.constant 0 : i32
        %dma_start3A_433 = tpu.memref_slice %arg4[%add3A_413, %mul3A_431, %dma_start3A_432] : memref<1792x224x768xf32, #tpu.memory_space<hbm>> -> memref<1x16x768xf32, #tpu.memory_space<hbm>>
        %dma_start3A_434 = tpu.memref_squeeze %dma_start3A_433 : memref<1x16x768xf32, #tpu.memory_space<hbm>> -> memref<16x768xf32, #tpu.memory_space<hbm>>
        %dma_start3A_435 = arith.constant 0 : i32
        %dma_start3A_436 = tpu.memref_slice %arg4[%add3A_413, %mul3A_431, %dma_start3A_435] : memref<1792x224x768xf32, #tpu.memory_space<hbm>> -> memref<1x16x768xf32, #tpu.memory_space<hbm>>
        %dma_start3A_437 = tpu.memref_squeeze %dma_start3A_436 : memref<1x16x768xf32, #tpu.memory_space<hbm>> -> memref<16x768xf32, #tpu.memory_space<hbm>>
        tpu.enqueue_dma source(%arg8 : memref<16x768xf32, #tpu.memory_space<vmem>>) target(%dma_start3A_437 : memref<16x768xf32, #tpu.memory_space<hbm>>) target_semaphore(%arg18 : memref<!tpu.dma_semaphore, #tpu.memory_space<semaphore_mem>>)
        %add3A_438 = arith.constant 2 : i32
        %add3A_439 = arith.addi %add3A_274, %add3A_438 : i32
        %add3A_440 = arith.addi %mul3A_170, %add3A_439 : i32
        %add3A_441 = arith.constant 2 : i32
        %add3A_442 = arith.addi %add3A_439, %add3A_441 : i32
        %lt3A_443 = arith.constant 56 : i32
        %lt3A_444 = arith.cmpi slt, %add3A_442, %lt3A_443 : i32
        %convert_element_type3A_445 = arith.extui %lt3A_444 : i1 to i32
        %cond3A_446 = arith.constant 0 : i32
        %cond3A_447 = arith.cmpi ne, %convert_element_type3A_445, %cond3A_446 : i32
        scf.if %cond3A_447 {
          %ge3A_610 = arith.constant 2 : i32
          %ge3A_611 = arith.cmpi sge, %add3A_440, %ge3A_610 : i32
          %convert_element_type3A_612 = arith.extui %ge3A_611 : i1 to i32
          %cond3A_613 = arith.constant 0 : i32
          %cond3A_614 = arith.cmpi ne, %convert_element_type3A_612, %cond3A_613 : i32
          scf.if %cond3A_614 {
            %sub3A_646 = arith.constant 2 : i32
            %sub3A_647 = arith.subi %add3A_440, %sub3A_646 : i32
            %jit3A_648 = arith.constant 14 : i32
            %div3A_649 = arith.divsi %sub3A_647, %jit3A_648 : i32
            %sign3A_650 = arith.constant 0 : i32
            %sign3A_651 = arith.cmpi sgt, %sub3A_647, %sign3A_650 : i32
            %sign3A_652 = arith.extui %sign3A_651 : i1 to i32
            %sign3A_653 = arith.constant 0 : i32
            %sign3A_654 = arith.cmpi slt, %sub3A_647, %sign3A_653 : i32
            %sign3A_655 = arith.extui %sign3A_654 : i1 to i32
            %sign3A_656 = arith.subi %sign3A_652, %sign3A_655 : i32
            %sign3A_657 = arith.constant 0 : i32
            %sign3A_658 = arith.cmpi sgt, %jit3A_648, %sign3A_657 : i32
            %sign3A_659 = arith.extui %sign3A_658 : i1 to i32
            %sign3A_660 = arith.constant 0 : i32
            %sign3A_661 = arith.cmpi slt, %jit3A_648, %sign3A_660 : i32
            %sign3A_662 = arith.extui %sign3A_661 : i1 to i32
            %sign3A_663 = arith.subi %sign3A_659, %sign3A_662 : i32
            %ne3A_664 = arith.cmpi ne, %sign3A_656, %sign3A_663 : i32
            %rem3A_665 = arith.remsi %sub3A_647, %jit3A_648 : i32
            %ne3A_666 = arith.constant 0 : i32
            %ne3A_667 = arith.cmpi ne, %rem3A_665, %ne3A_666 : i32
            %and3A_668 = arith.andi %ne3A_664, %ne3A_667 : i1
            %sub3A_669 = arith.constant 1 : i32
            %sub3A_670 = arith.subi %div3A_649, %sub3A_669 : i32
            %select_n3A_671 = arith.select %and3A_668, %sub3A_670, %div3A_649 : i32
            %add3A_672 = arith.addi %mul3A_2, %select_n3A_671 : i32
            %jit3A_673 = arith.constant 14 : i32
            %eq3A_674 = arith.constant 0 : i32
            %eq3A_675 = arith.cmpi eq, %jit3A_673, %eq3A_674 : i32
            %jit3A_676 = arith.constant 1 : i32
            %select_n3A_677 = arith.select %eq3A_675, %jit3A_676, %jit3A_673 : i32
            %rem3A_678 = arith.remsi %sub3A_647, %select_n3A_677 : i32
            %ne3A_679 = arith.constant 0 : i32
            %ne3A_680 = arith.cmpi ne, %rem3A_678, %ne3A_679 : i32
            %lt3A_681 = arith.constant 0 : i32
            %lt3A_682 = arith.cmpi slt, %rem3A_678, %lt3A_681 : i32
            %lt3A_683 = arith.constant 0 : i32
            %lt3A_684 = arith.cmpi slt, %select_n3A_677, %lt3A_683 : i32
            %ne3A_685 = arith.xori %lt3A_682, %lt3A_684 : i1
            %and3A_686 = arith.andi %ne3A_685, %ne3A_680 : i1
            %add3A_687 = arith.addi %rem3A_678, %select_n3A_677 : i32
            %select_n3A_688 = arith.select %and3A_686, %add3A_687, %rem3A_678 : i32
            %mul3A_689 = arith.constant 16 : i32
            %mul3A_690 = arith.muli %select_n3A_688, %mul3A_689 : i32
            %dma_wait3A_691 = arith.constant 0 : i32
            %dma_wait3A_692 = tpu.memref_slice %arg4[%add3A_672, %mul3A_690, %dma_wait3A_691] : memref<1792x224x768xf32, #tpu.memory_space<hbm>> -> memref<1x16x768xf32, #tpu.memory_space<hbm>>
            %dma_wait3A_693 = tpu.memref_squeeze %dma_wait3A_692 : memref<1x16x768xf32, #tpu.memory_space<hbm>> -> memref<16x768xf32, #tpu.memory_space<hbm>>
            %dma_wait3A_694 = arith.constant 0 : i32
            %dma_wait3A_695 = tpu.memref_slice %arg4[%add3A_672, %mul3A_690, %dma_wait3A_694] : memref<1792x224x768xf32, #tpu.memory_space<hbm>> -> memref<1x16x768xf32, #tpu.memory_space<hbm>>
            %dma_wait3A_696 = tpu.memref_squeeze %dma_wait3A_695 : memref<1x16x768xf32, #tpu.memory_space<hbm>> -> memref<16x768xf32, #tpu.memory_space<hbm>>
            tpu.wait_dma2 semaphore(%arg17 : memref<!tpu.dma_semaphore, #tpu.memory_space<semaphore_mem>>) src(%arg7 : memref<16x768xf32, #tpu.memory_space<vmem>>) dst(%dma_wait3A_696 : memref<16x768xf32, #tpu.memory_space<hbm>>)
          } else {
          }
          %add3A_615 = arith.constant 2 : i32
          %add3A_616 = arith.addi %add3A_440, %add3A_615 : i32
          %add3A_617 = arith.constant 2 : i32
          %add3A_618 = arith.addi %add3A_439, %add3A_617 : i32
          %dma_start3A_619 = arith.constant 0 : i32
          %dma_start3A_620 = arith.constant 0 : i32
          %dma_start3A_621 = tpu.memref_slice %arg7[%dma_start3A_619, %dma_start3A_620] : memref<16x768xf32, #tpu.memory_space<vmem>> -> memref<16x256xf32, #tpu.memory_space<vmem>>
          %dma_start3A_622 = arith.constant 0 : i32
          %dma_start3A_623 = tpu.memref_slice %arg6[%add3A_618, %dma_start3A_622] : memref<56x48xi32, #tpu.memory_space<vmem>> -> memref<1x16xi32, #tpu.memory_space<vmem>>
          %dma_start3A_624 = tpu.memref_squeeze %dma_start3A_623 : memref<1x16xi32, #tpu.memory_space<vmem>> -> memref<16xi32, #tpu.memory_space<vmem>>
          %dma_start3A_625 = arith.constant 0 : i32
          %dma_start3A_626 = arith.constant 0 : i32
          %dma_start3A_627 = tpu.memref_slice %arg3[%dma_start3A_625, %dma_start3A_626] : memref<768x256xf32, #tpu.memory_space<hbm>> -> memref<768x256xf32, #tpu.memory_space<hbm>>
          tpu.enqueue_indirect_dma source(%dma_start3A_627 : memref<768x256xf32, #tpu.memory_space<hbm>>) target(%dma_start3A_621 : memref<16x256xf32, #tpu.memory_space<vmem>>) offsets(%dma_start3A_624 : memref<16xi32, #tpu.memory_space<vmem>>) semaphore(%arg13 : memref<!tpu.dma_semaphore, #tpu.memory_space<semaphore_mem>>)
          %dma_start3A_628 = arith.constant 0 : i32
          %dma_start3A_629 = arith.constant 256 : i32
          %dma_start3A_630 = tpu.memref_slice %arg7[%dma_start3A_628, %dma_start3A_629] : memref<16x768xf32, #tpu.memory_space<vmem>> -> memref<16x256xf32, #tpu.memory_space<vmem>>
          %dma_start3A_631 = arith.constant 16 : i32
          %dma_start3A_632 = tpu.memref_slice %arg6[%add3A_618, %dma_start3A_631] : memref<56x48xi32, #tpu.memory_space<vmem>> -> memref<1x16xi32, #tpu.memory_space<vmem>>
          %dma_start3A_633 = tpu.memref_squeeze %dma_start3A_632 : memref<1x16xi32, #tpu.memory_space<vmem>> -> memref<16xi32, #tpu.memory_space<vmem>>
          %dma_start3A_634 = arith.constant 0 : i32
          %dma_start3A_635 = arith.constant 0 : i32
          %dma_start3A_636 = tpu.memref_slice %arg3[%dma_start3A_634, %dma_start3A_635] : memref<768x256xf32, #tpu.memory_space<hbm>> -> memref<768x256xf32, #tpu.memory_space<hbm>>
          tpu.enqueue_indirect_dma source(%dma_start3A_636 : memref<768x256xf32, #tpu.memory_space<hbm>>) target(%dma_start3A_630 : memref<16x256xf32, #tpu.memory_space<vmem>>) offsets(%dma_start3A_633 : memref<16xi32, #tpu.memory_space<vmem>>) semaphore(%arg13 : memref<!tpu.dma_semaphore, #tpu.memory_space<semaphore_mem>>)
          %dma_start3A_637 = arith.constant 0 : i32
          %dma_start3A_638 = arith.constant 512 : i32
          %dma_start3A_639 = tpu.memref_slice %arg7[%dma_start3A_637, %dma_start3A_638] : memref<16x768xf32, #tpu.memory_space<vmem>> -> memref<16x256xf32, #tpu.memory_space<vmem>>
          %dma_start3A_640 = arith.constant 32 : i32
          %dma_start3A_641 = tpu.memref_slice %arg6[%add3A_618, %dma_start3A_640] : memref<56x48xi32, #tpu.memory_space<vmem>> -> memref<1x16xi32, #tpu.memory_space<vmem>>
          %dma_start3A_642 = tpu.memref_squeeze %dma_start3A_641 : memref<1x16xi32, #tpu.memory_space<vmem>> -> memref<16xi32, #tpu.memory_space<vmem>>
          %dma_start3A_643 = arith.constant 0 : i32
          %dma_start3A_644 = arith.constant 0 : i32
          %dma_start3A_645 = tpu.memref_slice %arg3[%dma_start3A_643, %dma_start3A_644] : memref<768x256xf32, #tpu.memory_space<hbm>> -> memref<768x256xf32, #tpu.memory_space<hbm>>
          tpu.enqueue_indirect_dma source(%dma_start3A_645 : memref<768x256xf32, #tpu.memory_space<hbm>>) target(%dma_start3A_639 : memref<16x256xf32, #tpu.memory_space<vmem>>) offsets(%dma_start3A_642 : memref<16xi32, #tpu.memory_space<vmem>>) semaphore(%arg13 : memref<!tpu.dma_semaphore, #tpu.memory_space<semaphore_mem>>)
        } else {
        }
        %dma_wait3A_448 = arith.constant 0 : i32
        %dma_wait3A_449 = arith.constant 0 : i32
        %dma_wait3A_450 = tpu.memref_slice %arg9[%dma_wait3A_448, %dma_wait3A_449] : memref<16x768xf32, #tpu.memory_space<vmem>> -> memref<16x256xf32, #tpu.memory_space<vmem>>
        %dma_wait3A_451 = arith.constant 0 : i32
        %dma_wait3A_452 = tpu.memref_slice %arg6[%add3A_439, %dma_wait3A_451] : memref<56x48xi32, #tpu.memory_space<vmem>> -> memref<1x16xi32, #tpu.memory_space<vmem>>
        %dma_wait3A_453 = tpu.memref_squeeze %dma_wait3A_452 : memref<1x16xi32, #tpu.memory_space<vmem>> -> memref<16xi32, #tpu.memory_space<vmem>>
        %dma_wait3A_454 = arith.constant 0 : i32
        %dma_wait3A_455 = arith.constant 0 : i32
        %dma_wait3A_456 = tpu.memref_slice %arg3[%dma_wait3A_454, %dma_wait3A_455] : memref<768x256xf32, #tpu.memory_space<hbm>> -> memref<768x256xf32, #tpu.memory_space<hbm>>
        tpu.wait_indirect_dma semaphore(%arg15 : memref<!tpu.dma_semaphore, #tpu.memory_space<semaphore_mem>>) src(%dma_wait3A_456 : memref<768x256xf32, #tpu.memory_space<hbm>>) dst(%dma_wait3A_450 : memref<16x256xf32, #tpu.memory_space<vmem>>)
        %dma_wait3A_457 = arith.constant 0 : i32
        %dma_wait3A_458 = arith.constant 256 : i32
        %dma_wait3A_459 = tpu.memref_slice %arg9[%dma_wait3A_457, %dma_wait3A_458] : memref<16x768xf32, #tpu.memory_space<vmem>> -> memref<16x256xf32, #tpu.memory_space<vmem>>
        %dma_wait3A_460 = arith.constant 16 : i32
        %dma_wait3A_461 = tpu.memref_slice %arg6[%add3A_439, %dma_wait3A_460] : memref<56x48xi32, #tpu.memory_space<vmem>> -> memref<1x16xi32, #tpu.memory_space<vmem>>
        %dma_wait3A_462 = tpu.memref_squeeze %dma_wait3A_461 : memref<1x16xi32, #tpu.memory_space<vmem>> -> memref<16xi32, #tpu.memory_space<vmem>>
        %dma_wait3A_463 = arith.constant 0 : i32
        %dma_wait3A_464 = arith.constant 0 : i32
        %dma_wait3A_465 = tpu.memref_slice %arg3[%dma_wait3A_463, %dma_wait3A_464] : memref<768x256xf32, #tpu.memory_space<hbm>> -> memref<768x256xf32, #tpu.memory_space<hbm>>
        tpu.wait_indirect_dma semaphore(%arg15 : memref<!tpu.dma_semaphore, #tpu.memory_space<semaphore_mem>>) src(%dma_wait3A_465 : memref<768x256xf32, #tpu.memory_space<hbm>>) dst(%dma_wait3A_459 : memref<16x256xf32, #tpu.memory_space<vmem>>)
        %dma_wait3A_466 = arith.constant 0 : i32
        %dma_wait3A_467 = arith.constant 512 : i32
        %dma_wait3A_468 = tpu.memref_slice %arg9[%dma_wait3A_466, %dma_wait3A_467] : memref<16x768xf32, #tpu.memory_space<vmem>> -> memref<16x256xf32, #tpu.memory_space<vmem>>
        %dma_wait3A_469 = arith.constant 32 : i32
        %dma_wait3A_470 = tpu.memref_slice %arg6[%add3A_439, %dma_wait3A_469] : memref<56x48xi32, #tpu.memory_space<vmem>> -> memref<1x16xi32, #tpu.memory_space<vmem>>
        %dma_wait3A_471 = tpu.memref_squeeze %dma_wait3A_470 : memref<1x16xi32, #tpu.memory_space<vmem>> -> memref<16xi32, #tpu.memory_space<vmem>>
        %dma_wait3A_472 = arith.constant 0 : i32
        %dma_wait3A_473 = arith.constant 0 : i32
        %dma_wait3A_474 = tpu.memref_slice %arg3[%dma_wait3A_472, %dma_wait3A_473] : memref<768x256xf32, #tpu.memory_space<hbm>> -> memref<768x256xf32, #tpu.memory_space<hbm>>
        tpu.wait_indirect_dma semaphore(%arg15 : memref<!tpu.dma_semaphore, #tpu.memory_space<semaphore_mem>>) src(%dma_wait3A_474 : memref<768x256xf32, #tpu.memory_space<hbm>>) dst(%dma_wait3A_468 : memref<16x256xf32, #tpu.memory_space<vmem>>)
        %jit3A_475 = arith.constant 14 : i32
        %div3A_476 = arith.divsi %add3A_440, %jit3A_475 : i32
        %sign3A_477 = arith.constant 0 : i32
        %sign3A_478 = arith.cmpi sgt, %add3A_440, %sign3A_477 : i32
        %sign3A_479 = arith.extui %sign3A_478 : i1 to i32
        %sign3A_480 = arith.constant 0 : i32
        %sign3A_481 = arith.cmpi slt, %add3A_440, %sign3A_480 : i32
        %sign3A_482 = arith.extui %sign3A_481 : i1 to i32
        %sign3A_483 = arith.subi %sign3A_479, %sign3A_482 : i32
        %sign3A_484 = arith.constant 0 : i32
        %sign3A_485 = arith.cmpi sgt, %jit3A_475, %sign3A_484 : i32
        %sign3A_486 = arith.extui %sign3A_485 : i1 to i32
        %sign3A_487 = arith.constant 0 : i32
        %sign3A_488 = arith.cmpi slt, %jit3A_475, %sign3A_487 : i32
        %sign3A_489 = arith.extui %sign3A_488 : i1 to i32
        %sign3A_490 = arith.subi %sign3A_486, %sign3A_489 : i32
        %ne3A_491 = arith.cmpi ne, %sign3A_483, %sign3A_490 : i32
        %rem3A_492 = arith.remsi %add3A_440, %jit3A_475 : i32
        %ne3A_493 = arith.constant 0 : i32
        %ne3A_494 = arith.cmpi ne, %rem3A_492, %ne3A_493 : i32
        %and3A_495 = arith.andi %ne3A_491, %ne3A_494 : i1
        %sub3A_496 = arith.constant 1 : i32
        %sub3A_497 = arith.subi %div3A_476, %sub3A_496 : i32
        %select_n3A_498 = arith.select %and3A_495, %sub3A_497, %div3A_476 : i32
        %add3A_499 = arith.addi %mul3A_2, %select_n3A_498 : i32
        %jit3A_500 = arith.constant 14 : i32
        %eq3A_501 = arith.constant 0 : i32
        %eq3A_502 = arith.cmpi eq, %jit3A_500, %eq3A_501 : i32
        %jit3A_503 = arith.constant 1 : i32
        %select_n3A_504 = arith.select %eq3A_502, %jit3A_503, %jit3A_500 : i32
        %rem3A_505 = arith.remsi %add3A_440, %select_n3A_504 : i32
        %ne3A_506 = arith.constant 0 : i32
        %ne3A_507 = arith.cmpi ne, %rem3A_505, %ne3A_506 : i32
        %lt3A_508 = arith.constant 0 : i32
        %lt3A_509 = arith.cmpi slt, %rem3A_505, %lt3A_508 : i32
        %lt3A_510 = arith.constant 0 : i32
        %lt3A_511 = arith.cmpi slt, %select_n3A_504, %lt3A_510 : i32
        %ne3A_512 = arith.xori %lt3A_509, %lt3A_511 : i1
        %and3A_513 = arith.andi %ne3A_512, %ne3A_507 : i1
        %add3A_514 = arith.addi %rem3A_505, %select_n3A_504 : i32
        %select_n3A_515 = arith.select %and3A_513, %add3A_514, %rem3A_505 : i32
        %mul3A_516 = arith.constant 16 : i32
        %mul3A_517 = arith.muli %select_n3A_515, %mul3A_516 : i32
        %dma_start3A_518 = arith.constant 0 : i32
        %dma_start3A_519 = tpu.memref_slice %arg4[%add3A_499, %mul3A_517, %dma_start3A_518] : memref<1792x224x768xf32, #tpu.memory_space<hbm>> -> memref<1x16x768xf32, #tpu.memory_space<hbm>>
        %dma_start3A_520 = tpu.memref_squeeze %dma_start3A_519 : memref<1x16x768xf32, #tpu.memory_space<hbm>> -> memref<16x768xf32, #tpu.memory_space<hbm>>
        %dma_start3A_521 = arith.constant 0 : i32
        %dma_start3A_522 = tpu.memref_slice %arg4[%add3A_499, %mul3A_517, %dma_start3A_521] : memref<1792x224x768xf32, #tpu.memory_space<hbm>> -> memref<1x16x768xf32, #tpu.memory_space<hbm>>
        %dma_start3A_523 = tpu.memref_squeeze %dma_start3A_522 : memref<1x16x768xf32, #tpu.memory_space<hbm>> -> memref<16x768xf32, #tpu.memory_space<hbm>>
        tpu.enqueue_dma source(%arg9 : memref<16x768xf32, #tpu.memory_space<vmem>>) target(%dma_start3A_523 : memref<16x768xf32, #tpu.memory_space<hbm>>) target_semaphore(%arg19 : memref<!tpu.dma_semaphore, #tpu.memory_space<semaphore_mem>>)
        %add3A_524 = arith.constant 3 : i32
        %add3A_525 = arith.addi %add3A_274, %add3A_524 : i32
        %add3A_526 = arith.addi %mul3A_170, %add3A_525 : i32
        %add3A_527 = arith.constant 2 : i32
        %add3A_528 = arith.addi %add3A_525, %add3A_527 : i32
        %lt3A_529 = arith.constant 56 : i32
        %lt3A_530 = arith.cmpi slt, %add3A_528, %lt3A_529 : i32
        %convert_element_type3A_531 = arith.extui %lt3A_530 : i1 to i32
        %cond3A_532 = arith.constant 0 : i32
        %cond3A_533 = arith.cmpi ne, %convert_element_type3A_531, %cond3A_532 : i32
        scf.if %cond3A_533 {
          %ge3A_610 = arith.constant 2 : i32
          %ge3A_611 = arith.cmpi sge, %add3A_526, %ge3A_610 : i32
          %convert_element_type3A_612 = arith.extui %ge3A_611 : i1 to i32
          %cond3A_613 = arith.constant 0 : i32
          %cond3A_614 = arith.cmpi ne, %convert_element_type3A_612, %cond3A_613 : i32
          scf.if %cond3A_614 {
            %sub3A_646 = arith.constant 2 : i32
            %sub3A_647 = arith.subi %add3A_526, %sub3A_646 : i32
            %jit3A_648 = arith.constant 14 : i32
            %div3A_649 = arith.divsi %sub3A_647, %jit3A_648 : i32
            %sign3A_650 = arith.constant 0 : i32
            %sign3A_651 = arith.cmpi sgt, %sub3A_647, %sign3A_650 : i32
            %sign3A_652 = arith.extui %sign3A_651 : i1 to i32
            %sign3A_653 = arith.constant 0 : i32
            %sign3A_654 = arith.cmpi slt, %sub3A_647, %sign3A_653 : i32
            %sign3A_655 = arith.extui %sign3A_654 : i1 to i32
            %sign3A_656 = arith.subi %sign3A_652, %sign3A_655 : i32
            %sign3A_657 = arith.constant 0 : i32
            %sign3A_658 = arith.cmpi sgt, %jit3A_648, %sign3A_657 : i32
            %sign3A_659 = arith.extui %sign3A_658 : i1 to i32
            %sign3A_660 = arith.constant 0 : i32
            %sign3A_661 = arith.cmpi slt, %jit3A_648, %sign3A_660 : i32
            %sign3A_662 = arith.extui %sign3A_661 : i1 to i32
            %sign3A_663 = arith.subi %sign3A_659, %sign3A_662 : i32
            %ne3A_664 = arith.cmpi ne, %sign3A_656, %sign3A_663 : i32
            %rem3A_665 = arith.remsi %sub3A_647, %jit3A_648 : i32
            %ne3A_666 = arith.constant 0 : i32
            %ne3A_667 = arith.cmpi ne, %rem3A_665, %ne3A_666 : i32
            %and3A_668 = arith.andi %ne3A_664, %ne3A_667 : i1
            %sub3A_669 = arith.constant 1 : i32
            %sub3A_670 = arith.subi %div3A_649, %sub3A_669 : i32
            %select_n3A_671 = arith.select %and3A_668, %sub3A_670, %div3A_649 : i32
            %add3A_672 = arith.addi %mul3A_2, %select_n3A_671 : i32
            %jit3A_673 = arith.constant 14 : i32
            %eq3A_674 = arith.constant 0 : i32
            %eq3A_675 = arith.cmpi eq, %jit3A_673, %eq3A_674 : i32
            %jit3A_676 = arith.constant 1 : i32
            %select_n3A_677 = arith.select %eq3A_675, %jit3A_676, %jit3A_673 : i32
            %rem3A_678 = arith.remsi %sub3A_647, %select_n3A_677 : i32
            %ne3A_679 = arith.constant 0 : i32
            %ne3A_680 = arith.cmpi ne, %rem3A_678, %ne3A_679 : i32
            %lt3A_681 = arith.constant 0 : i32
            %lt3A_682 = arith.cmpi slt, %rem3A_678, %lt3A_681 : i32
            %lt3A_683 = arith.constant 0 : i32
            %lt3A_684 = arith.cmpi slt, %select_n3A_677, %lt3A_683 : i32
            %ne3A_685 = arith.xori %lt3A_682, %lt3A_684 : i1
            %and3A_686 = arith.andi %ne3A_685, %ne3A_680 : i1
            %add3A_687 = arith.addi %rem3A_678, %select_n3A_677 : i32
            %select_n3A_688 = arith.select %and3A_686, %add3A_687, %rem3A_678 : i32
            %mul3A_689 = arith.constant 16 : i32
            %mul3A_690 = arith.muli %select_n3A_688, %mul3A_689 : i32
            %dma_wait3A_691 = arith.constant 0 : i32
            %dma_wait3A_692 = tpu.memref_slice %arg4[%add3A_672, %mul3A_690, %dma_wait3A_691] : memref<1792x224x768xf32, #tpu.memory_space<hbm>> -> memref<1x16x768xf32, #tpu.memory_space<hbm>>
            %dma_wait3A_693 = tpu.memref_squeeze %dma_wait3A_692 : memref<1x16x768xf32, #tpu.memory_space<hbm>> -> memref<16x768xf32, #tpu.memory_space<hbm>>
            %dma_wait3A_694 = arith.constant 0 : i32
            %dma_wait3A_695 = tpu.memref_slice %arg4[%add3A_672, %mul3A_690, %dma_wait3A_694] : memref<1792x224x768xf32, #tpu.memory_space<hbm>> -> memref<1x16x768xf32, #tpu.memory_space<hbm>>
            %dma_wait3A_696 = tpu.memref_squeeze %dma_wait3A_695 : memref<1x16x768xf32, #tpu.memory_space<hbm>> -> memref<16x768xf32, #tpu.memory_space<hbm>>
            tpu.wait_dma2 semaphore(%arg18 : memref<!tpu.dma_semaphore, #tpu.memory_space<semaphore_mem>>) src(%arg8 : memref<16x768xf32, #tpu.memory_space<vmem>>) dst(%dma_wait3A_696 : memref<16x768xf32, #tpu.memory_space<hbm>>)
          } else {
          }
          %add3A_615 = arith.constant 2 : i32
          %add3A_616 = arith.addi %add3A_526, %add3A_615 : i32
          %add3A_617 = arith.constant 2 : i32
          %add3A_618 = arith.addi %add3A_525, %add3A_617 : i32
          %dma_start3A_619 = arith.constant 0 : i32
          %dma_start3A_620 = arith.constant 0 : i32
          %dma_start3A_621 = tpu.memref_slice %arg8[%dma_start3A_619, %dma_start3A_620] : memref<16x768xf32, #tpu.memory_space<vmem>> -> memref<16x256xf32, #tpu.memory_space<vmem>>
          %dma_start3A_622 = arith.constant 0 : i32
          %dma_start3A_623 = tpu.memref_slice %arg6[%add3A_618, %dma_start3A_622] : memref<56x48xi32, #tpu.memory_space<vmem>> -> memref<1x16xi32, #tpu.memory_space<vmem>>
          %dma_start3A_624 = tpu.memref_squeeze %dma_start3A_623 : memref<1x16xi32, #tpu.memory_space<vmem>> -> memref<16xi32, #tpu.memory_space<vmem>>
          %dma_start3A_625 = arith.constant 0 : i32
          %dma_start3A_626 = arith.constant 0 : i32
          %dma_start3A_627 = tpu.memref_slice %arg3[%dma_start3A_625, %dma_start3A_626] : memref<768x256xf32, #tpu.memory_space<hbm>> -> memref<768x256xf32, #tpu.memory_space<hbm>>
          tpu.enqueue_indirect_dma source(%dma_start3A_627 : memref<768x256xf32, #tpu.memory_space<hbm>>) target(%dma_start3A_621 : memref<16x256xf32, #tpu.memory_space<vmem>>) offsets(%dma_start3A_624 : memref<16xi32, #tpu.memory_space<vmem>>) semaphore(%arg14 : memref<!tpu.dma_semaphore, #tpu.memory_space<semaphore_mem>>)
          %dma_start3A_628 = arith.constant 0 : i32
          %dma_start3A_629 = arith.constant 256 : i32
          %dma_start3A_630 = tpu.memref_slice %arg8[%dma_start3A_628, %dma_start3A_629] : memref<16x768xf32, #tpu.memory_space<vmem>> -> memref<16x256xf32, #tpu.memory_space<vmem>>
          %dma_start3A_631 = arith.constant 16 : i32
          %dma_start3A_632 = tpu.memref_slice %arg6[%add3A_618, %dma_start3A_631] : memref<56x48xi32, #tpu.memory_space<vmem>> -> memref<1x16xi32, #tpu.memory_space<vmem>>
          %dma_start3A_633 = tpu.memref_squeeze %dma_start3A_632 : memref<1x16xi32, #tpu.memory_space<vmem>> -> memref<16xi32, #tpu.memory_space<vmem>>
          %dma_start3A_634 = arith.constant 0 : i32
          %dma_start3A_635 = arith.constant 0 : i32
          %dma_start3A_636 = tpu.memref_slice %arg3[%dma_start3A_634, %dma_start3A_635] : memref<768x256xf32, #tpu.memory_space<hbm>> -> memref<768x256xf32, #tpu.memory_space<hbm>>
          tpu.enqueue_indirect_dma source(%dma_start3A_636 : memref<768x256xf32, #tpu.memory_space<hbm>>) target(%dma_start3A_630 : memref<16x256xf32, #tpu.memory_space<vmem>>) offsets(%dma_start3A_633 : memref<16xi32, #tpu.memory_space<vmem>>) semaphore(%arg14 : memref<!tpu.dma_semaphore, #tpu.memory_space<semaphore_mem>>)
          %dma_start3A_637 = arith.constant 0 : i32
          %dma_start3A_638 = arith.constant 512 : i32
          %dma_start3A_639 = tpu.memref_slice %arg8[%dma_start3A_637, %dma_start3A_638] : memref<16x768xf32, #tpu.memory_space<vmem>> -> memref<16x256xf32, #tpu.memory_space<vmem>>
          %dma_start3A_640 = arith.constant 32 : i32
          %dma_start3A_641 = tpu.memref_slice %arg6[%add3A_618, %dma_start3A_640] : memref<56x48xi32, #tpu.memory_space<vmem>> -> memref<1x16xi32, #tpu.memory_space<vmem>>
          %dma_start3A_642 = tpu.memref_squeeze %dma_start3A_641 : memref<1x16xi32, #tpu.memory_space<vmem>> -> memref<16xi32, #tpu.memory_space<vmem>>
          %dma_start3A_643 = arith.constant 0 : i32
          %dma_start3A_644 = arith.constant 0 : i32
          %dma_start3A_645 = tpu.memref_slice %arg3[%dma_start3A_643, %dma_start3A_644] : memref<768x256xf32, #tpu.memory_space<hbm>> -> memref<768x256xf32, #tpu.memory_space<hbm>>
          tpu.enqueue_indirect_dma source(%dma_start3A_645 : memref<768x256xf32, #tpu.memory_space<hbm>>) target(%dma_start3A_639 : memref<16x256xf32, #tpu.memory_space<vmem>>) offsets(%dma_start3A_642 : memref<16xi32, #tpu.memory_space<vmem>>) semaphore(%arg14 : memref<!tpu.dma_semaphore, #tpu.memory_space<semaphore_mem>>)
        } else {
        }
        %dma_wait3A_534 = arith.constant 0 : i32
        %dma_wait3A_535 = arith.constant 0 : i32
        %dma_wait3A_536 = tpu.memref_slice %arg10[%dma_wait3A_534, %dma_wait3A_535] : memref<16x768xf32, #tpu.memory_space<vmem>> -> memref<16x256xf32, #tpu.memory_space<vmem>>
        %dma_wait3A_537 = arith.constant 0 : i32
        %dma_wait3A_538 = tpu.memref_slice %arg6[%add3A_525, %dma_wait3A_537] : memref<56x48xi32, #tpu.memory_space<vmem>> -> memref<1x16xi32, #tpu.memory_space<vmem>>
        %dma_wait3A_539 = tpu.memref_squeeze %dma_wait3A_538 : memref<1x16xi32, #tpu.memory_space<vmem>> -> memref<16xi32, #tpu.memory_space<vmem>>
        %dma_wait3A_540 = arith.constant 0 : i32
        %dma_wait3A_541 = arith.constant 0 : i32
        %dma_wait3A_542 = tpu.memref_slice %arg3[%dma_wait3A_540, %dma_wait3A_541] : memref<768x256xf32, #tpu.memory_space<hbm>> -> memref<768x256xf32, #tpu.memory_space<hbm>>
        tpu.wait_indirect_dma semaphore(%arg16 : memref<!tpu.dma_semaphore, #tpu.memory_space<semaphore_mem>>) src(%dma_wait3A_542 : memref<768x256xf32, #tpu.memory_space<hbm>>) dst(%dma_wait3A_536 : memref<16x256xf32, #tpu.memory_space<vmem>>)
        %dma_wait3A_543 = arith.constant 0 : i32
        %dma_wait3A_544 = arith.constant 256 : i32
        %dma_wait3A_545 = tpu.memref_slice %arg10[%dma_wait3A_543, %dma_wait3A_544] : memref<16x768xf32, #tpu.memory_space<vmem>> -> memref<16x256xf32, #tpu.memory_space<vmem>>
        %dma_wait3A_546 = arith.constant 16 : i32
        %dma_wait3A_547 = tpu.memref_slice %arg6[%add3A_525, %dma_wait3A_546] : memref<56x48xi32, #tpu.memory_space<vmem>> -> memref<1x16xi32, #tpu.memory_space<vmem>>
        %dma_wait3A_548 = tpu.memref_squeeze %dma_wait3A_547 : memref<1x16xi32, #tpu.memory_space<vmem>> -> memref<16xi32, #tpu.memory_space<vmem>>
        %dma_wait3A_549 = arith.constant 0 : i32
        %dma_wait3A_550 = arith.constant 0 : i32
        %dma_wait3A_551 = tpu.memref_slice %arg3[%dma_wait3A_549, %dma_wait3A_550] : memref<768x256xf32, #tpu.memory_space<hbm>> -> memref<768x256xf32, #tpu.memory_space<hbm>>
        tpu.wait_indirect_dma semaphore(%arg16 : memref<!tpu.dma_semaphore, #tpu.memory_space<semaphore_mem>>) src(%dma_wait3A_551 : memref<768x256xf32, #tpu.memory_space<hbm>>) dst(%dma_wait3A_545 : memref<16x256xf32, #tpu.memory_space<vmem>>)
        %dma_wait3A_552 = arith.constant 0 : i32
        %dma_wait3A_553 = arith.constant 512 : i32
        %dma_wait3A_554 = tpu.memref_slice %arg10[%dma_wait3A_552, %dma_wait3A_553] : memref<16x768xf32, #tpu.memory_space<vmem>> -> memref<16x256xf32, #tpu.memory_space<vmem>>
        %dma_wait3A_555 = arith.constant 32 : i32
        %dma_wait3A_556 = tpu.memref_slice %arg6[%add3A_525, %dma_wait3A_555] : memref<56x48xi32, #tpu.memory_space<vmem>> -> memref<1x16xi32, #tpu.memory_space<vmem>>
        %dma_wait3A_557 = tpu.memref_squeeze %dma_wait3A_556 : memref<1x16xi32, #tpu.memory_space<vmem>> -> memref<16xi32, #tpu.memory_space<vmem>>
        %dma_wait3A_558 = arith.constant 0 : i32
        %dma_wait3A_559 = arith.constant 0 : i32
        %dma_wait3A_560 = tpu.memref_slice %arg3[%dma_wait3A_558, %dma_wait3A_559] : memref<768x256xf32, #tpu.memory_space<hbm>> -> memref<768x256xf32, #tpu.memory_space<hbm>>
        tpu.wait_indirect_dma semaphore(%arg16 : memref<!tpu.dma_semaphore, #tpu.memory_space<semaphore_mem>>) src(%dma_wait3A_560 : memref<768x256xf32, #tpu.memory_space<hbm>>) dst(%dma_wait3A_554 : memref<16x256xf32, #tpu.memory_space<vmem>>)
        %jit3A_561 = arith.constant 14 : i32
        %div3A_562 = arith.divsi %add3A_526, %jit3A_561 : i32
        %sign3A_563 = arith.constant 0 : i32
        %sign3A_564 = arith.cmpi sgt, %add3A_526, %sign3A_563 : i32
        %sign3A_565 = arith.extui %sign3A_564 : i1 to i32
        %sign3A_566 = arith.constant 0 : i32
        %sign3A_567 = arith.cmpi slt, %add3A_526, %sign3A_566 : i32
        %sign3A_568 = arith.extui %sign3A_567 : i1 to i32
        %sign3A_569 = arith.subi %sign3A_565, %sign3A_568 : i32
        %sign3A_570 = arith.constant 0 : i32
        %sign3A_571 = arith.cmpi sgt, %jit3A_561, %sign3A_570 : i32
        %sign3A_572 = arith.extui %sign3A_571 : i1 to i32
        %sign3A_573 = arith.constant 0 : i32
        %sign3A_574 = arith.cmpi slt, %jit3A_561, %sign3A_573 : i32
        %sign3A_575 = arith.extui %sign3A_574 : i1 to i32
        %sign3A_576 = arith.subi %sign3A_572, %sign3A_575 : i32
        %ne3A_577 = arith.cmpi ne, %sign3A_569, %sign3A_576 : i32
        %rem3A_578 = arith.remsi %add3A_526, %jit3A_561 : i32
        %ne3A_579 = arith.constant 0 : i32
        %ne3A_580 = arith.cmpi ne, %rem3A_578, %ne3A_579 : i32
        %and3A_581 = arith.andi %ne3A_577, %ne3A_580 : i1
        %sub3A_582 = arith.constant 1 : i32
        %sub3A_583 = arith.subi %div3A_562, %sub3A_582 : i32
        %select_n3A_584 = arith.select %and3A_581, %sub3A_583, %div3A_562 : i32
        %add3A_585 = arith.addi %mul3A_2, %select_n3A_584 : i32
        %jit3A_586 = arith.constant 14 : i32
        %eq3A_587 = arith.constant 0 : i32
        %eq3A_588 = arith.cmpi eq, %jit3A_586, %eq3A_587 : i32
        %jit3A_589 = arith.constant 1 : i32
        %select_n3A_590 = arith.select %eq3A_588, %jit3A_589, %jit3A_586 : i32
        %rem3A_591 = arith.remsi %add3A_526, %select_n3A_590 : i32
        %ne3A_592 = arith.constant 0 : i32
        %ne3A_593 = arith.cmpi ne, %rem3A_591, %ne3A_592 : i32
        %lt3A_594 = arith.constant 0 : i32
        %lt3A_595 = arith.cmpi slt, %rem3A_591, %lt3A_594 : i32
        %lt3A_596 = arith.constant 0 : i32
        %lt3A_597 = arith.cmpi slt, %select_n3A_590, %lt3A_596 : i32
        %ne3A_598 = arith.xori %lt3A_595, %lt3A_597 : i1
        %and3A_599 = arith.andi %ne3A_598, %ne3A_593 : i1
        %add3A_600 = arith.addi %rem3A_591, %select_n3A_590 : i32
        %select_n3A_601 = arith.select %and3A_599, %add3A_600, %rem3A_591 : i32
        %mul3A_602 = arith.constant 16 : i32
        %mul3A_603 = arith.muli %select_n3A_601, %mul3A_602 : i32
        %dma_start3A_604 = arith.constant 0 : i32
        %dma_start3A_605 = tpu.memref_slice %arg4[%add3A_585, %mul3A_603, %dma_start3A_604] : memref<1792x224x768xf32, #tpu.memory_space<hbm>> -> memref<1x16x768xf32, #tpu.memory_space<hbm>>
        %dma_start3A_606 = tpu.memref_squeeze %dma_start3A_605 : memref<1x16x768xf32, #tpu.memory_space<hbm>> -> memref<16x768xf32, #tpu.memory_space<hbm>>
        %dma_start3A_607 = arith.constant 0 : i32
        %dma_start3A_608 = tpu.memref_slice %arg4[%add3A_585, %mul3A_603, %dma_start3A_607] : memref<1792x224x768xf32, #tpu.memory_space<hbm>> -> memref<1x16x768xf32, #tpu.memory_space<hbm>>
        %dma_start3A_609 = tpu.memref_squeeze %dma_start3A_608 : memref<1x16x768xf32, #tpu.memory_space<hbm>> -> memref<16x768xf32, #tpu.memory_space<hbm>>
        tpu.enqueue_dma source(%arg10 : memref<16x768xf32, #tpu.memory_space<vmem>>) target(%dma_start3A_609 : memref<16x768xf32, #tpu.memory_space<hbm>>) target_semaphore(%arg20 : memref<!tpu.dma_semaphore, #tpu.memory_space<semaphore_mem>>)
      }
      %scan3A_262 = arith.constant 14 : i32
      %add3A_263 = arith.constant 2 : i32
      %add3A_264 = arith.addi %add3A_168, %add3A_263 : i32
      %lt3A_265 = arith.constant 14 : i32
      %lt3A_266 = arith.cmpi slt, %add3A_264, %lt3A_265 : i32
      %convert_element_type3A_267 = arith.extui %lt3A_266 : i1 to i32
      %cond3A_268 = arith.constant 0 : i32
      %cond3A_269 = arith.cmpi ne, %convert_element_type3A_267, %cond3A_268 : i32
      scf.if %cond3A_269 {
        %add3A_270 = arith.constant 2 : i32
        %add3A_271 = arith.addi %add3A_168, %add3A_270 : i32
        %dma_start3A_272 = arith.constant 0 : i32
        %dma_start3A_273 = arith.constant 0 : i32
        %dma_start3A_274 = tpu.memref_slice %arg2[%add3A, %add3A_271, %dma_start3A_272, %dma_start3A_273] : memref<32x14x56x48xi32, #tpu.memory_space<hbm>> -> memref<1x1x56x48xi32, #tpu.memory_space<hbm>>
        %dma_start3A_275 = tpu.memref_squeeze %dma_start3A_274 : memref<1x1x56x48xi32, #tpu.memory_space<hbm>> -> memref<56x48xi32, #tpu.memory_space<hbm>>
        %dma_start3A_276 = arith.constant 0 : i32
        %dma_start3A_277 = arith.constant 0 : i32
        %dma_start3A_278 = tpu.memref_slice %arg2[%add3A, %add3A_271, %dma_start3A_276, %dma_start3A_277] : memref<32x14x56x48xi32, #tpu.memory_space<hbm>> -> memref<1x1x56x48xi32, #tpu.memory_space<hbm>>
        %dma_start3A_279 = tpu.memref_squeeze %dma_start3A_278 : memref<1x1x56x48xi32, #tpu.memory_space<hbm>> -> memref<56x48xi32, #tpu.memory_space<hbm>>
        tpu.enqueue_dma source(%dma_start3A_279 : memref<56x48xi32, #tpu.memory_space<hbm>>) target(%arg6 : memref<56x48xi32, #tpu.memory_space<vmem>>) target_semaphore(%arg12 : memref<!tpu.dma_semaphore, #tpu.memory_space<semaphore_mem>>)
      } else {
      }
    }
    %scan3A_23 = arith.constant 7 : i32
    %add3A_24 = arith.constant 55 : i32
    %add3A_25 = arith.addi %mul3A_2, %add3A_24 : i32
    %dma_wait3A = arith.constant 160 : i32
    %dma_wait3A_26 = arith.constant 0 : i32
    %dma_wait3A_27 = tpu.memref_slice %arg4[%add3A_25, %dma_wait3A, %dma_wait3A_26] : memref<1792x224x768xf32, #tpu.memory_space<hbm>> -> memref<1x16x768xf32, #tpu.memory_space<hbm>>
    %dma_wait3A_28 = tpu.memref_squeeze %dma_wait3A_27 : memref<1x16x768xf32, #tpu.memory_space<hbm>> -> memref<16x768xf32, #tpu.memory_space<hbm>>
    %dma_wait3A_29 = arith.constant 160 : i32
    %dma_wait3A_30 = arith.constant 0 : i32
    %dma_wait3A_31 = tpu.memref_slice %arg4[%add3A_25, %dma_wait3A_29, %dma_wait3A_30] : memref<1792x224x768xf32, #tpu.memory_space<hbm>> -> memref<1x16x768xf32, #tpu.memory_space<hbm>>
    %dma_wait3A_32 = tpu.memref_squeeze %dma_wait3A_31 : memref<1x16x768xf32, #tpu.memory_space<hbm>> -> memref<16x768xf32, #tpu.memory_space<hbm>>
    tpu.wait_dma2 semaphore(%arg17 : memref<!tpu.dma_semaphore, #tpu.memory_space<semaphore_mem>>) src(%arg7 : memref<16x768xf32, #tpu.memory_space<vmem>>) dst(%dma_wait3A_32 : memref<16x768xf32, #tpu.memory_space<hbm>>)
    %add3A_33 = arith.constant 55 : i32
    %add3A_34 = arith.addi %mul3A_2, %add3A_33 : i32
    %dma_wait3A_35 = arith.constant 176 : i32
    %dma_wait3A_36 = arith.constant 0 : i32
    %dma_wait3A_37 = tpu.memref_slice %arg4[%add3A_34, %dma_wait3A_35, %dma_wait3A_36] : memref<1792x224x768xf32, #tpu.memory_space<hbm>> -> memref<1x16x768xf32, #tpu.memory_space<hbm>>
    %dma_wait3A_38 = tpu.memref_squeeze %dma_wait3A_37 : memref<1x16x768xf32, #tpu.memory_space<hbm>> -> memref<16x768xf32, #tpu.memory_space<hbm>>
    %dma_wait3A_39 = arith.constant 176 : i32
    %dma_wait3A_40 = arith.constant 0 : i32
    %dma_wait3A_41 = tpu.memref_slice %arg4[%add3A_34, %dma_wait3A_39, %dma_wait3A_40] : memref<1792x224x768xf32, #tpu.memory_space<hbm>> -> memref<1x16x768xf32, #tpu.memory_space<hbm>>
    %dma_wait3A_42 = tpu.memref_squeeze %dma_wait3A_41 : memref<1x16x768xf32, #tpu.memory_space<hbm>> -> memref<16x768xf32, #tpu.memory_space<hbm>>
    tpu.wait_dma2 semaphore(%arg18 : memref<!tpu.dma_semaphore, #tpu.memory_space<semaphore_mem>>) src(%arg8 : memref<16x768xf32, #tpu.memory_space<vmem>>) dst(%dma_wait3A_42 : memref<16x768xf32, #tpu.memory_space<hbm>>)
    %add3A_43 = arith.constant 55 : i32
    %add3A_44 = arith.addi %mul3A_2, %add3A_43 : i32
    %dma_wait3A_45 = arith.constant 192 : i32
    %dma_wait3A_46 = arith.constant 0 : i32
    %dma_wait3A_47 = tpu.memref_slice %arg4[%add3A_44, %dma_wait3A_45, %dma_wait3A_46] : memref<1792x224x768xf32, #tpu.memory_space<hbm>> -> memref<1x16x768xf32, #tpu.memory_space<hbm>>
    %dma_wait3A_48 = tpu.memref_squeeze %dma_wait3A_47 : memref<1x16x768xf32, #tpu.memory_space<hbm>> -> memref<16x768xf32, #tpu.memory_space<hbm>>
    %dma_wait3A_49 = arith.constant 192 : i32
    %dma_wait3A_50 = arith.constant 0 : i32
    %dma_wait3A_51 = tpu.memref_slice %arg4[%add3A_44, %dma_wait3A_49, %dma_wait3A_50] : memref<1792x224x768xf32, #tpu.memory_space<hbm>> -> memref<1x16x768xf32, #tpu.memory_space<hbm>>
    %dma_wait3A_52 = tpu.memref_squeeze %dma_wait3A_51 : memref<1x16x768xf32, #tpu.memory_space<hbm>> -> memref<16x768xf32, #tpu.memory_space<hbm>>
    tpu.wait_dma2 semaphore(%arg19 : memref<!tpu.dma_semaphore, #tpu.memory_space<semaphore_mem>>) src(%arg9 : memref<16x768xf32, #tpu.memory_space<vmem>>) dst(%dma_wait3A_52 : memref<16x768xf32, #tpu.memory_space<hbm>>)
    %add3A_53 = arith.constant 55 : i32
    %add3A_54 = arith.addi %mul3A_2, %add3A_53 : i32
    %dma_wait3A_55 = arith.constant 208 : i32
    %dma_wait3A_56 = arith.constant 0 : i32
    %dma_wait3A_57 = tpu.memref_slice %arg4[%add3A_54, %dma_wait3A_55, %dma_wait3A_56] : memref<1792x224x768xf32, #tpu.memory_space<hbm>> -> memref<1x16x768xf32, #tpu.memory_space<hbm>>
    %dma_wait3A_58 = tpu.memref_squeeze %dma_wait3A_57 : memref<1x16x768xf32, #tpu.memory_space<hbm>> -> memref<16x768xf32, #tpu.memory_space<hbm>>
    %dma_wait3A_59 = arith.constant 208 : i32
    %dma_wait3A_60 = arith.constant 0 : i32
    %dma_wait3A_61 = tpu.memref_slice %arg4[%add3A_54, %dma_wait3A_59, %dma_wait3A_60] : memref<1792x224x768xf32, #tpu.memory_space<hbm>> -> memref<1x16x768xf32, #tpu.memory_space<hbm>>
    %dma_wait3A_62 = tpu.memref_squeeze %dma_wait3A_61 : memref<1x16x768xf32, #tpu.memory_space<hbm>> -> memref<16x768xf32, #tpu.memory_space<hbm>>
    tpu.wait_dma2 semaphore(%arg20 : memref<!tpu.dma_semaphore, #tpu.memory_space<semaphore_mem>>) src(%arg10 : memref<16x768xf32, #tpu.memory_space<vmem>>) dst(%dma_wait3A_62 : memref<16x768xf32, #tpu.memory_space<hbm>>)
    return
  }
}

</mosaic_0001>

<sc_bundles>
// kernel: kernel.3.cloned.1.call-start
scs
__scs_entry_jumppad:
0x0: {  	(pc) =	sbr.rel $0x88, $3  }
0x1: {  	(tag) =	ssettag $0x0;
	lr =	simm.s32 $0x1  }
0x2: {  	[smem:$0x3F9F] =	sst lr;
	_ =	strace $0xD0000000  }
0x3: {  	_ = 	snop  }
0x4: {  	_ = 	snop  }
0x5: {  	_ = 	snop  }
0x6: {  	_ = 	snop  }
0x7: {  	_ = 	snop  }
__scs_overlays_trampoline_lowered:
0x8: {  	[smem:$0x3FAE] =	sst s0  }
0x9: {  	[smem:$0x3FAF] =	sst s1  }
0xa: {  	[smem:$0x3FB0] =	sst s2  }
0xb: {  	[smem:$0x3FB1] =	sst s3  }
0xc: {  	[smem:$0x3FB2] =	sst s4  }
0xd: {  	[smem:$0x3FB3] =	sst s5  }
0xe: {  	[smem:$0x3FB4] =	sst s6  }
0xf: {  	[smem:$0x3FB5] =	sst s7  }
0x10: {  	[smem:$0x3FB6] =	sst s8  }
0x11: {  	[smem:$0x3FB7] =	sst s9;
	s0 =	simm.s32 @!p0 $0x0  }
0x12: {  	s1 =	sld [smem:$0x3F9D];
	s0 =	simm.s32 @p0 $0x1  }
0x13: {  	[smem:$0x3FB8] =	sst s0;
	s0 =	simm.s32 @!p1 $0x0  }
0x14: {  	s2 =	sld [smem:$0x3F9C];
	s0 =	simm.s32 @p1 $0x1  }
0x15: {  	[smem:$0x3FB9] =	sst s0;
	s0 =	simm.s32 @!p2 $0x0  }
0x16: {  	s3 =	sld [smem:$0x3FDB];
	s0 =	simm.s32 @p2 $0x1  }
0x17: {  	s4 =	simm.s32 $0x1BF5;
	[smem:$0x3FBB] =	sst s0  }
0x18: {  	s0 =	sld [smem:$0x3F9E];
	_ =	swait.ge [sflag:s4], $0x0  }
0x19: {  	s7 =	sld [smem:$0x3F9F]  }
0x1a: {  	s8 =	sadd.s32 $0xFFFFE003, lr  }
0x1b: {  	s9 =	sadd.s32 $0xFFFFFEF7, lr;
	s5 =	simm.s32 $0xFFFFFFFF;
	p2 =	slt.u32 s8, $0xFFFFF086  }
0x1c: {  	p1 =	slt.u32 s9, $0xF7A;
	s5 =	simm.s32 @!p2 $0x0  }
0x1d: {  	s5 =	simm.s32 @p1 $0x1;
	p0 =	seq.s32 s7, s2  }
0x1e: {  	s7 =	smul.u32 @!p0 $0xF7A, s2;
	p2 =	seq.s32 @!p0 s5, $0x0  }
0x1f: {  	s9 =	smul.u32 $0xF7A, s1;
	s8 =	simm.s32 @!p0 $0x1BF5;
	p2 =	por !p2, p0  }
0x20: {  	[sflag:s8] =	ssyncset.s32 @!p0 $0xFFFFF086;
	s6 =	sadd.s32 @!p0 s3, s7;
	s7 =	simm.s32 @!p0 $0x108  }
0x21: {  	s3 =	sadd.s32 s3, s9;
	s6 =	sadd.s32 @!p0 $0x88, s6;
	s7 =	simm.s32 @p2 $0x1082  }
0x22: {  	[simem:s7], [sflag:s8] =	dma.local @!p0 [hbm:s6], $0xF7A  }
0x23: {  	s9 =	sor.u32 $0xD0000000, s2;
	s6 =	simm.s32 $0x108;
	_ =	swait.ge @!p0 [sflag:s8], $0x0  }
0x24: {  	s3 =	sadd.s32 $0x88, s3;
	s6 =	simm.s32 @!p1 $0x1082;
	[sflag:s4] =	ssyncset.s32 $0xFFFFF086  }
0x25: {  	[simem:s6], [sflag:s4] =	dma.local [hbm:s3], $0xF7A  }
0x26: {  	[smem:$0x3F9F] =	sst s1;
	(tag) =	ssettag s2;
	_ =	strace s9  }
0x27: {  	s1 =	sld [smem:$0x3FAF]  }
0x28: {  	s2 =	sld [smem:$0x3FB0]  }
0x29: {  	s4 =	sld [smem:$0x3FB2]  }
0x2a: {  	p0 =	seq.s32 s5, $0x0;
	s5 =	sld [smem:$0x3FB3]  }
0x2b: {  	s6 =	sld [smem:$0x3FB4]  }
0x2c: {  	s7 =	sld [smem:$0x3FB5]  }
0x2d: {  	s3 =	simm.s32 $0x108;
	s8 =	sld [smem:$0x3FB6]  }
0x2e: {  	s3 =	simm.s32 @!p0 $0x1082;
	s9 =	sld [smem:$0x3FB7]  }
0x2f: {  	lr =	sadd.s32 s0, s3;
	s0 =	sld [smem:$0x3FAE]  }
0x30: {  	s3 =	sld [smem:$0x3FB1]  }
0x31: {  	[smem:$0x3FBA] =	sst s10  }
0x32: {  	s10 =	sld [smem:$0x3FB8];
	_ =	sdelay $0x3  }
0x33: {  	p0 =	seq.s32 s10, $0x1;
	s10 =	sld [smem:$0x3FBA];
	_ =	sdelay $0x3  }
0x34: {  	[smem:$0x3FBA] =	sst s10  }
0x35: {  	s10 =	sld [smem:$0x3FB9];
	_ =	sdelay $0x3  }
0x36: {  	p1 =	seq.s32 s10, $0x1;
	s10 =	sld [smem:$0x3FBA];
	_ =	sdelay $0x3  }
0x37: {  	[smem:$0x3FBA] =	sst s10  }
0x38: {  	s10 =	sld [smem:$0x3FBB]  }
0x39: {  	_ = 	snop;
	(pc) =	sbr.ind lr, $3  }
0x3a: {  	_ = 	snop  }
0x3b: {  	_ = 	snop  }
0x3c: {  	p2 =	seq.s32 s10, $0x1;
	s10 =	sld [smem:$0x3FBA]  }
0x3d: {  	_ =	shalt  }
0x3e: {  	_ =	shalt  }
0x3f: {  	_ =	shalt  }
0x40: {  	_ =	shalt  }
0x41: {  	_ =	shalt  }
0x42: {  	_ =	shalt  }
0x43: {  	_ =	shalt  }
0x44: {  	_ =	shalt  }
0x45: {  	_ =	shalt  }
0x46: {  	_ =	shalt  }
0x47: {  	_ =	shalt  }
0x48: {  	_ =	shalt  }
0x49: {  	_ =	shalt  }
0x4a: {  	_ =	shalt  }
0x4b: {  	_ =	shalt  }
0x4c: {  	_ =	shalt  }
0x4d: {  	_ =	shalt  }
0x4e: {  	_ =	shalt  }
0x4f: {  	_ =	shalt  }
0x50: {  	_ =	shalt  }
0x51: {  	_ =	shalt  }
0x52: {  	_ =	shalt  }
0x53: {  	_ =	shalt  }
0x54: {  	_ =	shalt  }
0x55: {  	_ =	shalt  }
0x56: {  	_ =	shalt  }
0x57: {  	_ =	shalt  }
0x58: {  	_ =	shalt  }
0x59: {  	_ =	shalt  }
0x5a: {  	_ =	shalt  }
0x5b: {  	_ =	shalt  }
0x5c: {  	_ =	shalt  }
0x5d: {  	_ =	shalt  }
0x5e: {  	_ =	shalt  }
0x5f: {  	_ =	shalt  }
0x60: {  	_ =	shalt  }
0x61: {  	_ =	shalt  }
0x62: {  	_ =	shalt  }
0x63: {  	_ =	shalt  }
0x64: {  	_ =	shalt  }
0x65: {  	_ =	shalt  }
0x66: {  	_ =	shalt  }
0x67: {  	_ =	shalt  }
0x68: {  	_ =	shalt  }
0x69: {  	_ =	shalt  }
0x6a: {  	_ =	shalt  }
0x6b: {  	_ =	shalt  }
0x6c: {  	_ =	shalt  }
0x6d: {  	_ =	shalt  }
0x6e: {  	_ =	shalt  }
0x6f: {  	_ =	shalt  }
0x70: {  	_ =	shalt  }
0x71: {  	_ =	shalt  }
0x72: {  	_ =	shalt  }
0x73: {  	_ =	shalt  }
0x74: {  	_ =	shalt  }
0x75: {  	_ =	shalt  }
0x76: {  	_ =	shalt  }
0x77: {  	_ =	shalt  }
0x78: {  	_ =	shalt  }
0x79: {  	_ =	shalt  }
0x7a: {  	_ =	shalt  }
0x7b: {  	_ =	shalt  }
0x7c: {  	_ =	shalt  }
0x7d: {  	_ =	shalt  }
0x7e: {  	_ =	shalt  }
0x7f: {  	_ =	shalt  }
0x80: {  	_ =	shalt  }
0x81: {  	_ =	shalt  }
0x82: {  	_ =	shalt  }
0x83: {  	_ =	shalt  }
0x84: {  	_ =	shalt  }
0x85: {  	_ =	shalt  }
0x86: {  	_ =	shalt  }
0x87: {  	_ =	shalt  }
.Lfunc_end0:
.L_simem_size_0:
called_computation_lowered:
.L_overlay_start_0:
0x88: {  	s2 =	sld [smem:$0x3FD9]  }
0x89: {  	s3 =	sld [smem:$0x3FFE];
	_ =	sdelay $0x1  }
0x8a: {  	s1 =	srdreg.scid  }
0x8b: {  	s0 =	sand.u32 $0x1, s1  }
0x8c: {  	s17 =	sshll.u32 s0, $0xA;
	s2 =	sadd.s32 s3, s2  }
0x8d: {  	s2 =	sadd.s32 s2, s17  }
0x8e: {  	[smem:$0x3FC6] =	sst s2  }
0x8f: {  	_ = 	snop  }
0x90: {  	s2 =	sld [smem:$0x3FC8]  }
0x91: {  	s18 =	sld [smem:$0x3FD0];
	(tm) =	ssettm $0x1  }
0x92: {  	s4 =	sld [smem:$0x3FFB];
	_ =	sdelay $0x3  }
0x93: {  	_ =	strace s4  }
0x94: {  	s4 =	sld [smem:$0x3FFC];
	_ =	sdelay $0x3  }
0x95: {  	_ =	strace s4  }
0x96: {  	s4 =	sld [smem:$0x3FFD];
	_ =	sdelay $0x3  }
0x97: {  	_ =	strace s4  }
0x98: {  	_ =	strace $0x8FFFFFFF  }
0x99: {  	s19 =	sld [smem:$0x3FDB];
	_ =	sdelay $0x1  }
0x9a: {  	s5 =	simm.s32 $_scs_section_size  }
0x9b: {  	s6 =	simm.s32 $_size__tile_overlayer_lowered;
	s7 =	simm.s32 $_tile_overlayer_lowered  }
0x9c: {  	s22 =	simm.s32 $0x1BFF;
	s21 =	sshll.u32 s7, $0x1;
	s4 =	sadd.s32 s5, s19  }
0x9d: {  	s8 =	simm.s32 $0x0;
	s20 =	sshll.u32 s6, $0x1;
	s6 =	sadd.s32 s21, s4  }
0x9e: {  	[timem:s8], [sflag:s22] =	dma.local [hbm:s6], s20  }
0x9f: {  	_ =	swait.ge [sflag:s22], s20  }
0xa0: {  	s5 =	ssub.s32 $0x0, s20;
	[sflag:s22] =	ssyncset.done $0x0  }
0xa1: {  	[sflag:s22] =	ssyncadd.s32 s5;
	_ =	sdelay $0x1  }
0xa2: {  	s23 =	simm.s32 $0x1B8B  }
0xa3: {  	_ =	swait.ge [sflag:s23], $0x1  }
0xa4: {  	[sflag:s23] =	ssyncset.done $0x0  }
0xa5: {  	s25 =	simm.s32 $0x1B8E;
	s24 =	sld [smem:$0x3FFE];
	[sflag:s23] =	ssyncadd.s32 $0xFFFFFFFF  }
0xa6: {  	s26 =	simm.s32 $execute0_lowered;
	[smem:$0x3FD2] =	sst s25  }
0xa7: {  	s6 =	sshll.u32 s26, $0x1;
	_ =	strace $0x80000046;
	[dreg:$0x1] =	wrdreg $0xFFFFFFFF  }
0xa8: {  	s28 =	simm.s32 $_size_execute0_lowered;
	s4 =	sadd.s32 s4, s6;
	[dreg:$0x0] =	wrdreg $0x0  }
0xa9: {  	s6 =	sshll.u32 s28, $0x1;
	[dreg:$0x2] =	wrdreg s4  }
0xaa: {  	[dreg:$0x3] =	wrdreg s6  }
0xab: {  	[dreg:$0x4] =	wrdreg $0xC0  }
0xac: {  	_ =	task [dreg:s8], $0x5FFFF  }
0xad: {  	[dreg:$0x1] =	wrdreg $0xFFFFFFFF  }
0xae: {  	[dreg:$0x0] =	wrdreg $0x60  }
0xaf: {  	[dreg:$0x2] =	wrdreg s24  }
0xb0: {  	[dreg:$0x3] =	wrdreg s2  }
0xb1: {  	[dreg:$0x4] =	wrdreg s18  }
0xb2: {  	[dreg:$0x5] =	wrdreg $0x9  }
0xb3: {  	_ =	task.clear_ibuf [dreg:s8], $0x6FFFF;
	_ =	strace $0x90000046  }
0xb4: {  	s29 =	simm.s32 $0x9;
	_ =	strace $0x80000048  }
0xb5: {  	_ =	swait.ge [sflag:s29], $0x1  }
0xb6: {  	[sflag:s29] =	ssyncadd.s32 $0xFFFFFFFF  }
0xb7: {  	_ =	strace $0x90000048  }
0xb8: {  	_ =	sfence  }
0xb9: {  	s30 =	sld [smem:$0x0];
	_ =	sdelay $0x2  }
0xba: {  	s31 =	sshll.u32 s1, $0xD;
	s1 =	sshrl.u32 s1, $0x2  }
0xbb: {  	s3 =	sand.u32 $0x4000, s31;
	s1 =	sadd.s32 s1, s30  }
0xbc: {  	s0 =	sor.u32 s3, s0;
	s1 =	sshll.u32 s1, $0x11  }
0xbd: {  	s0 =	sor.u32 s1, s0  }
0xbe: {  	s0 =	sadd.s32 $0x8F2B, s0  }
0xbf: {  	[sflag:s0] =	ssyncadd.remote.s32 $0x1  }
0xc0: {  	_ =	sfence.sel $0xFFFF  }
0xc1: {  	[dreg:$0x0] =	wrdreg $0xFFFFFFFF;
	(pc) =	sbr.abs _section_cstart, $3  }
0xc2: {  	[dreg:$0x1] =	wrdreg $0xFFFFFFFF  }
0xc3: {  	_ =	task.clear_ibuf [dreg:s8], $0x2FFFF;
	_ =	strace $0x9FFFFFFF  }
0xc4: {  	(tm) =	ssettm $0x7FFFFFFF  }
0xc5: {  	_ =	shalt  }
tec
execute0_lowered:
.L_overlay_start_1:
0x0: {  	(tag) =	ssettag $0x1  }
0x1: {  	s0 =	rddreg [dreg:$0x0]  }
0x2: {  	s1 =	srdreg.scid;
	s2 =	rddreg [dreg:$0x1]  }
0x3: {  	s6 =	stileid.u32;
	s4 =	rddreg [dreg:$0x2];
	s11 =	simm.s32 $0xB000  }
0x4: {  	s12 =	simm.s32 $0x3;
	s28 =	simm.s32 $0xA;
	s1 =	sand.u32 $0x1, s1  }
0x5: {  	s3 =	sshll.u32 s6, $0x1;
	s6 =	smul.u32 $0x1260000, s6;
	s9 =	sadd.s32 $0x400, s0  }
0x6: {  	s5 =	sor.u32 s1, s3;
	s3 =	simm.s32 $0x0;
	s7 =	ssub.s32 $0x2, s1  }
0x7: {  	s1 =	smul.u32 $0x930000, s1;
	[smem:$0x7FF] =	sst s3;
	s13 =	sshrl.u32 s7, $0x1  }
0x8: {  	s5 =	smul.u32 $0x18800, s5;
	_ =	strace $0x80000047;
	s0 =	ssub.s32 s7, s13  }
0x9: {  	[dreg:$0x4] =	wrdreg s9;
	s1 =	sadd.s32 s1, s6;
	s13 =	simm.s32 $0xC800  }
0xa: {  	s7 =	simm.s32 $0x5;
	s8 =	sshrl.u32 s5, $0x3;
	s16 =	sadd.s32 $0x3800, s5  }
0xb: {  	s17 =	sor.u32 $0x6000, s1;
	s5 =	sadd.s32 $0x5400, s5;
	s18 =	sshrl.u32 s1, $0x3  }
0xc: {  	s0 =	smax.u32 s0, $0x1;
	s21 =	sor.u32 $0x3000, s1;
	s22 =	sor.u32 $0x9000, s1  }
0xd: {  	s23 =	sadd.s32 $0xA8000, s1;
	s26 =	sadd.s32 $0xAE000, s1;
	[dreg:$0x7] =	wrdreg s16  }
0xe: {  	s29 =	sadd.s32 $0xAB000, s1;
	s1 =	sadd.s32 $0xB1000, s1;
	[dreg:$0x8] =	wrdreg s5  }
0xf: {  	s14 =	sadd.s32 s9, s8;
	s6 =	sshrl.u32 s17, $0x3;
	[dreg:$0x9] =	wrdreg s0  }
0x10: {  	s19 =	sadd.s32 s18, s4;
	s0 =	sshrl.u32 s21, $0x3;
	s5 =	sshrl.u32 s22, $0x3  }
0x11: {  	s1 =	sshrl.u32 s1, $0x3;
	s8 =	simm.s32 $0x4;
	[dreg:$0x5] =	wrdreg s14  }
0x12: {  	s21 =	simm.s32 $0x6;
	s15 =	sadd.s32 $0x380, s14;
	[dreg:$0xa] =	wrdreg s19  }
0x13: {  	s20 =	sadd.s32 s6, s4;
	s6 =	sshrl.u32 s23, $0x3;
	[dreg:$0x6] =	wrdreg s15  }
0x14: {  	s0 =	sadd.s32 s0, s4;
	s24 =	sadd.s32 s5, s4;
	[dreg:$0xb] =	wrdreg s20  }
0x15: {  	s5 =	sshrl.u32 s29, $0x3;
	s31 =	sadd.s32 s1, s4;
	[dreg:$0xc] =	wrdreg s0  }
.Ltmp0:
0x16: {  	s14 =	simm.s32 $0x6800;
	[dreg:$0xd] =	wrdreg s24;
	(pc) =	sbr.rel .LBB2_1-.Ltmp0, $4  }
0x17: {  	s25 =	sadd.s32 s6, s4;
	s0 =	sshrl.u32 s26, $0x3;
	[dreg:$0x11] =	wrdreg s31  }
0x18: {  	v2 =	vlaneseq.u32;
	s30 =	sadd.s32 s5, s4;
	s5 =	simm.s32 $0x3800;
	[dreg:$0xe] =	wrdreg s25  }
0x19: {  	vm0 =	vmmov $0xffff;
	v1 =	vshrl.u32 v2, $0x3;
	s0 =	sadd.s32 s0, s4;
	[dreg:$0x10] =	wrdreg s30;
	s25 =	simm.s32 $0x9  }
0x1a: {  	v0 =	vand.u32 $0x7, v2;
	v2 =	vor.u32 $0x8, v2;
	v1 =	vmul.u32 $0x8, v1;
	s4 =	simm.s32 $0x0;
	[dreg:$0xf] =	wrdreg s0;
	s0 =	simm.s32 $0x9800  }
.LBB2_12:
0x1b: {  	s1 =	simm.s32 $0x7  }
0x1c: {  	_ =	swait.ge [sflag:s1], $0x3000  }
0x1d: {  	[sflag:s1] =	ssyncset.done $0x0  }
0x1e: {  	s30 =	simm.s32 $0x8;
	[sflag:s1] =	ssyncadd.s32 $0xFFFFD000  }
0x1f: {  	_ =	swait.ge [sflag:s30], $0x3000  }
0x20: {  	[sflag:s30] =	ssyncset.done $0x0  }
0x21: {  	[sflag:s30] =	ssyncadd.s32 $0xFFFFD000  }
0x22: {  	_ =	swait.ge [sflag:s25], $0x3000  }
0x23: {  	[sflag:s25] =	ssyncset.done $0x0  }
0x24: {  	[sflag:s25] =	ssyncadd.s32 $0xFFFFD000  }
0x25: {  	_ =	swait.ge [sflag:s28], $0x3000  }
0x26: {  	s4 =	rddreg [dreg:$0x12]  }
0x27: {  	s31 =	rddreg [dreg:$0x9];
	s4 =	sadd.s32 $0x1, s4  }
0x28: {  	p0 =	sne.s32 s4, s31  }
.Ltmp1:
0x29: {  	_ = 	snop;
	(pc) =	sbr.rel @!p0 .LBB2_13-.Ltmp1, $3  }
0x2a: {  	_ =	sdelay $0x1  }
0x2b: {  	[sflag:s28] =	ssyncset.done $0x0  }
0x2c: {  	s5 =	simm.s32 $0x3800;
	s14 =	simm.s32 $0x6800;
	[sflag:s28] =	ssyncadd.s32 $0xFFFFD000  }
.LBB2_1:
0x2d: {  	[dreg:$0x12] =	wrdreg s4  }
0x2e: {  	s1 =	rddreg [dreg:$0x5]  }
0x2f: {  	s29 =	rddreg [dreg:$0x6]  }
0x30: {  	s6 =	rddreg [dreg:$0x11]  }
0x31: {  	s10 =	rddreg [dreg:$0xf]  }
0x32: {  	s9 =	rddreg [dreg:$0xe]  }
0x33: {  	s22 =	rddreg [dreg:$0xd]  }
0x34: {  	s19 =	rddreg [dreg:$0xc]  }
0x35: {  	s24 =	rddreg [dreg:$0xb]  }
0x36: {  	s4 =	rddreg [dreg:$0xa]  }
0x37: {  	[tilespmem:s3], [sflag:$0x1] =	stream.linear.gather [hbm4b:s1+s3], $0x1C00, $0x38;
	[tilespmem:$0xF800] =	vst v63  }
0x38: {  	s15 =	simm.s32 $0x0;
	s1 =	rddreg [dreg:$0x10]  }
0x39: {  	s30 =	simm.s32 $0x1C00;
	s31 =	simm.s32 $0x0;
	[dreg:$0x1a] =	wrdreg s15  }
0x3a: {  	[tilespmem:s30], [sflag:$0x2] =	stream.linear.gather [hbm4b:s29+s3], $0x1C00, $0x38;
	[tilespmem:$0xF800] =	vst v63  }
.LBB2_2:
0x3b: {  	[dreg:$0x16] =	wrdreg s10  }
0x3c: {  	[dreg:$0x15] =	wrdreg s9  }
0x3d: {  	[dreg:$0x14] =	wrdreg s1  }
0x3e: {  	[dreg:$0x13] =	wrdreg s6;
	s30 =	simm.s32 $0x1  }
0x3f: {  	_ =	swait.ge [sflag:s30], $0x1C00  }
0x40: {  	[sflag:s30] =	ssyncset.done $0x0  }
0x41: {  	s6 =	simm.s32 $0x0;
	[sflag:s30] =	ssyncadd.s32 $0xFFFFE400  }
0x42: {  	s9 =	simm.s32 $0x200;
	v3 =	vld [tilespmem:s6+$0x10]  }
.LBB2_3:
0x43: {  	p0 =	sne.s32 s9, $0x6E00;
	v4 =	vld [tilespmem:s6+$0x20];
	_ =	sdelay $0x1  }
.Ltmp2:
0x44: {  	(pc) =	sbr.rel @p0 .LBB2_3-.Ltmp2, $4  }
0x45: {  	_ = 	snop  }
0x46: {  	v3 =	vadd.s32 $0x100, v3  }
0x47: {  	s10 =	sshra.s32 s9, $0x2;
	[tilespmem:s6+$0x10] =	vst v3;
	v4 =	vadd.s32 $0x200, v4  }
0x48: {  	s9 =	sadd.s32 $0x200, s9;
	v3 =	vld [tilespmem:s10+$0x10];
	[tilespmem:s6+$0x20] =	vst v4;
	s6 =	smov.u32 s10  }
0x49: {  	v4 =	vld [tilespmem:s6+$0x20];
	_ =	sdelay $0x3  }
0x4a: {  	s1 =	rddreg [dreg:$0x1a];
	v3 =	vadd.s32 $0x100, v3  }
0x4b: {  	p0 =	seq.s32 s1, $0x0;
	[tilespmem:s6+$0x10] =	vst v3;
	v3 =	vadd.s32 $0x200, v4  }
0x4c: {  	[tilespmem:s6+$0x20] =	vst v3;
	s6 =	simm.s32 @!p0 $0x7  }
0x4d: {  	_ =	swait.ge @!p0 [sflag:s6], $0x3000  }
0x4e: {  	[sflag:s6] =	ssyncset.done @!p0 $0x0  }
0x4f: {  	[sflag:s6] =	ssyncadd.s32 @!p0 $0xFFFFD000  }
0x50: {  	v3 =	vld [tilespmem:$0x0];
	_ =	sdelay $0x4  }
0x51: {  	v58 =	vshll.u32 v3, $0x1  }
0x52: {  	v3 =	vand.u32 $0x7, v3;
	v4 =	vand.u32 $0xFFFFFFF0, v58  }
0x53: {  	v3 =	vor.u32 v3, v4  }
0x54: {  	v4 =	vperm.xlane v3, v0;
	_ =	sdelay $0x1  }
0x55: {  	v3 =	vperm.xlane v3, v2;
	v4 =	vadd.s32 v1, v4;
	_ =	sdelay $0x1  }
0x56: {  	v3 =	vadd.s32 v1, v3;
	_ =	sdelay $0x2  }
0x57: {  	[tilespmem:s5], [sflag:$0x3] =	stream.indirect_vreg.gather [hbm4b:s2+s3], $0x80, v4, vm0, $0xb8;
	[tilespmem:$0xF800] =	vst v63  }
0x58: {  	s9 =	simm.s32 $0x5000  }
0x59: {  	[tilespmem:s9], [sflag:$0x3] =	stream.indirect_vreg.gather [hbm4b:s2+s3], $0x80, v3, vm0, $0xb8;
	[tilespmem:$0xF800] =	vst v63  }
0x5a: {  	v3 =	vld [tilespmem:$0x10];
	_ =	sdelay $0x4  }
0x5b: {  	v59 =	vshll.u32 v3, $0x1  }
0x5c: {  	v3 =	vand.u32 $0x7, v3;
	v4 =	vand.u32 $0xFFFFFFF0, v59  }
0x5d: {  	v3 =	vor.u32 v3, v4  }
0x5e: {  	v4 =	vperm.xlane v3, v0;
	_ =	sdelay $0x1  }
0x5f: {  	v3 =	vperm.xlane v3, v2;
	v4 =	vadd.s32 v1, v4;
	_ =	sdelay $0x1  }
0x60: {  	v3 =	vadd.s32 v1, v3;
	_ =	sdelay $0x1  }
0x61: {  	s10 =	simm.s32 $0x4000  }
0x62: {  	[tilespmem:s10], [sflag:$0x3] =	stream.indirect_vreg.gather [hbm4b:s2+s3], $0x80, v4, vm0, $0xb8;
	[tilespmem:$0xF800] =	vst v63  }
0x63: {  	s15 =	simm.s32 $0x5800  }
0x64: {  	[tilespmem:s15], [sflag:$0x3] =	stream.indirect_vreg.gather [hbm4b:s2+s3], $0x80, v3, vm0, $0xb8;
	[tilespmem:$0xF800] =	vst v63  }
0x65: {  	v3 =	vld [tilespmem:$0x20];
	_ =	sdelay $0x4  }
0x66: {  	v60 =	vshll.u32 v3, $0x1  }
0x67: {  	v3 =	vand.u32 $0x7, v3;
	v4 =	vand.u32 $0xFFFFFFF0, v60  }
0x68: {  	v3 =	vor.u32 v3, v4  }
0x69: {  	v4 =	vperm.xlane v3, v0;
	_ =	sdelay $0x1  }
0x6a: {  	v3 =	vperm.xlane v3, v2;
	v4 =	vadd.s32 v1, v4;
	_ =	sdelay $0x1  }
0x6b: {  	v3 =	vadd.s32 v1, v3;
	_ =	sdelay $0x1  }
0x6c: {  	s16 =	simm.s32 $0x4800  }
0x6d: {  	[tilespmem:s16], [sflag:$0x3] =	stream.indirect_vreg.gather [hbm4b:s2+s3], $0x80, v4, vm0, $0xb8;
	[tilespmem:$0xF800] =	vst v63  }
0x6e: {  	s17 =	simm.s32 $0x6000;
	s6 =	simm.s32 @!p0 $0x8  }
0x6f: {  	[tilespmem:s17], [sflag:$0x3] =	stream.indirect_vreg.gather [hbm4b:s2+s3], $0x80, v3, vm0, $0xb8;
	[tilespmem:$0xF800] =	vst v63  }
0x70: {  	_ =	swait.ge @!p0 [sflag:s6], $0x3000  }
0x71: {  	[sflag:s6] =	ssyncset.done @!p0 $0x0  }
0x72: {  	[sflag:s6] =	ssyncadd.s32 @!p0 $0xFFFFD000  }
0x73: {  	v3 =	vld [tilespmem:$0x80];
	_ =	sdelay $0x4  }
0x74: {  	v61 =	vshll.u32 v3, $0x1  }
0x75: {  	v3 =	vand.u32 $0x7, v3;
	v4 =	vand.u32 $0xFFFFFFF0, v61  }
0x76: {  	v3 =	vor.u32 v3, v4  }
0x77: {  	v4 =	vperm.xlane v3, v0;
	_ =	sdelay $0x1  }
0x78: {  	v3 =	vperm.xlane v3, v2;
	v4 =	vadd.s32 v1, v4;
	_ =	sdelay $0x1  }
0x79: {  	v3 =	vadd.s32 v1, v3;
	_ =	sdelay $0x1  }
0x7a: {  	s6 =	simm.s32 $0x0  }
0x7b: {  	[tilespmem:s14], [sflag:$0x4] =	stream.indirect_vreg.gather [hbm4b:s2+s6], $0x80, v4, vm0, $0xb8;
	[tilespmem:$0xF800] =	vst v63  }
0x7c: {  	s9 =	simm.s32 $0x8000  }
0x7d: {  	[tilespmem:s9], [sflag:$0x4] =	stream.indirect_vreg.gather [hbm4b:s2+s6], $0x80, v3, vm0, $0xb8;
	[tilespmem:$0xF800] =	vst v63  }
0x7e: {  	v3 =	vld [tilespmem:$0x90];
	_ =	sdelay $0x4  }
0x7f: {  	v62 =	vshll.u32 v3, $0x1  }
0x80: {  	v3 =	vand.u32 $0x7, v3;
	v4 =	vand.u32 $0xFFFFFFF0, v62  }
0x81: {  	v3 =	vor.u32 v3, v4  }
0x82: {  	v4 =	vperm.xlane v3, v0;
	_ =	sdelay $0x1  }
0x83: {  	v3 =	vperm.xlane v3, v2;
	v4 =	vadd.s32 v1, v4;
	_ =	sdelay $0x1  }
0x84: {  	v3 =	vadd.s32 v1, v3;
	_ =	sdelay $0x1  }
0x85: {  	s18 =	simm.s32 $0x7000  }
0x86: {  	[tilespmem:s18], [sflag:$0x4] =	stream.indirect_vreg.gather [hbm4b:s2+s6], $0x80, v4, vm0, $0xb8;
	[tilespmem:$0xF800] =	vst v63  }
0x87: {  	s20 =	simm.s32 $0x8800  }
0x88: {  	[tilespmem:s20], [sflag:$0x4] =	stream.indirect_vreg.gather [hbm4b:s2+s6], $0x80, v3, vm0, $0xb8;
	[tilespmem:$0xF800] =	vst v63  }
0x89: {  	v3 =	vld [tilespmem:$0xA0];
	_ =	sdelay $0x4  }
0x8a: {  	v63 =	vshll.u32 v3, $0x1  }
0x8b: {  	v3 =	vand.u32 $0x7, v3;
	v4 =	vand.u32 $0xFFFFFFF0, v63  }
0x8c: {  	v3 =	vor.u32 v3, v4  }
0x8d: {  	v4 =	vperm.xlane v3, v0;
	_ =	sdelay $0x1  }
0x8e: {  	v3 =	vperm.xlane v3, v2;
	v4 =	vadd.s32 v1, v4;
	_ =	sdelay $0x1  }
0x8f: {  	s23 =	simm.s32 $0x7800;
	s26 =	simm.s32 $0x9000;
	v3 =	vadd.s32 v1, v3  }
0x90: {  	s29 =	simm.s32 $0xD800;
	s30 =	simm.s32 $0xF000;
	s5 =	simm.s32 $0xA000  }
0x91: {  	s15 =	simm.s32 $0xA800;
	s16 =	simm.s32 $0xC000;
	s17 =	simm.s32 $0xE000  }
0x92: {  	[tilespmem:s23], [sflag:$0x4] =	stream.indirect_vreg.gather [hbm4b:s2+s6], $0x80, v4, vm0, $0xb8;
	[tilespmem:$0xF800] =	vst v63  }
0x93: {  	s14 =	simm.s32 $0xB800;
	s9 =	simm.s32 $0x180;
	s18 =	simm.s32 $0x3800  }
0x94: {  	[tilespmem:s26], [sflag:$0x4] =	stream.indirect_vreg.gather [hbm4b:s2+s6], $0x80, v3, vm0, $0xb8;
	[tilespmem:$0xF800] =	vst v63  }
0x95: {  	s20 =	simm.s32 $0xD000;
	s23 =	simm.s32 $0x6800;
	s26 =	simm.s32 $0xE800  }
.LBB2_5:
0x96: {  	p0 =	seq.s32 s31, s6  }
0x97: {  	s10 =	simm.s32 @!p0 $0x9  }
0x98: {  	_ =	swait.ge @!p0 [sflag:s10], $0x3000  }
0x99: {  	[sflag:s10] =	ssyncset.done @!p0 $0x0  }
0x9a: {  	[sflag:s10] =	ssyncadd.s32 @!p0 $0xFFFFD000  }
0x9b: {  	v3 =	vld [tilespmem:s9+$0xFFFFFF80];
	_ =	sdelay $0x4  }
0x9c: {  	v4 =	vshll.u32 v3, $0x1  }
0x9d: {  	v3 =	vand.u32 $0x7, v3;
	v4 =	vand.u32 $0xFFFFFFF0, v4  }
0x9e: {  	v3 =	vor.u32 v3, v4  }
0x9f: {  	v4 =	vperm.xlane v3, v0;
	_ =	sdelay $0x1  }
0xa0: {  	v3 =	vperm.xlane v3, v2;
	v4 =	vadd.s32 v1, v4;
	_ =	sdelay $0x1  }
0xa1: {  	v3 =	vadd.s32 v1, v3;
	_ =	sdelay $0x2  }
0xa2: {  	[tilespmem:s0], [sflag:$0x5] =	stream.indirect_vreg.gather [hbm4b:s2+s3], $0x80, v4, vm0, $0xb8;
	[tilespmem:$0xF800] =	vst v63  }
0xa3: {  	_ = 	snop  }
0xa4: {  	[tilespmem:s11], [sflag:$0x5] =	stream.indirect_vreg.gather [hbm4b:s2+s3], $0x80, v3, vm0, $0xb8;
	[tilespmem:$0xF800] =	vst v63  }
0xa5: {  	v3 =	vld [tilespmem:s9+$0xFFFFFF90];
	_ =	sdelay $0x4  }
0xa6: {  	v59 =	vshll.u32 v3, $0x1  }
0xa7: {  	v3 =	vand.u32 $0x7, v3;
	v4 =	vand.u32 $0xFFFFFFF0, v59  }
0xa8: {  	v3 =	vor.u32 v3, v4  }
0xa9: {  	v4 =	vperm.xlane v3, v0;
	_ =	sdelay $0x1  }
0xaa: {  	v3 =	vperm.xlane v3, v2;
	v4 =	vadd.s32 v1, v4;
	_ =	sdelay $0x1  }
0xab: {  	v3 =	vadd.s32 v1, v3;
	_ =	sdelay $0x2  }
0xac: {  	[tilespmem:s5], [sflag:$0x5] =	stream.indirect_vreg.gather [hbm4b:s2+s3], $0x80, v4, vm0, $0xb8;
	[tilespmem:$0xF800] =	vst v63  }
0xad: {  	_ = 	snop  }
0xae: {  	[tilespmem:s14], [sflag:$0x5] =	stream.indirect_vreg.gather [hbm4b:s2+s3], $0x80, v3, vm0, $0xb8;
	[tilespmem:$0xF800] =	vst v63  }
0xaf: {  	v3 =	vld [tilespmem:s9+$0xFFFFFFA0];
	_ =	sdelay $0x4  }
0xb0: {  	v60 =	vshll.u32 v3, $0x1  }
0xb1: {  	v3 =	vand.u32 $0x7, v3;
	v4 =	vand.u32 $0xFFFFFFF0, v60  }
0xb2: {  	v3 =	vor.u32 v3, v4  }
0xb3: {  	v4 =	vperm.xlane v3, v0;
	_ =	sdelay $0x1  }
0xb4: {  	v3 =	vperm.xlane v3, v2;
	v4 =	vadd.s32 v1, v4;
	_ =	sdelay $0x1  }
0xb5: {  	v3 =	vadd.s32 v1, v3;
	_ =	sdelay $0x2  }
0xb6: {  	[tilespmem:s15], [sflag:$0x5] =	stream.indirect_vreg.gather [hbm4b:s2+s3], $0x80, v4, vm0, $0xb8;
	[tilespmem:$0xF800] =	vst v63  }
0xb7: {  	_ = 	snop  }
0xb8: {  	[tilespmem:s16], [sflag:$0x5] =	stream.indirect_vreg.gather [hbm4b:s2+s3], $0x80, v3, vm0, $0xb8;
	[tilespmem:$0xF800] =	vst v63  }
0xb9: {  	_ =	swait.ge [sflag:s12], $0x1000  }
0xba: {  	[sflag:s12] =	ssyncset.done $0x0  }
0xbb: {  	[sflag:s12] =	ssyncadd.s32 $0xFFFFF000  }
0xbc: {  	_ =	swait.ge [sflag:s12], $0x1000  }
0xbd: {  	[sflag:s12] =	ssyncset.done $0x0  }
0xbe: {  	[sflag:s12] =	ssyncadd.s32 $0xFFFFF000  }
0xbf: {  	_ =	swait.ge [sflag:s12], $0x1000  }
0xc0: {  	[sflag:s12] =	ssyncset.done $0x0  }
0xc1: {  	s1 =	sadd.s32 s6, s4;
	s10 =	simm.s32 @!p0 $0xA;
	[sflag:s12] =	ssyncadd.s32 $0xFFFFF000  }
0xc2: {  	[hbm4b:s1+s3] =	stream.linear.scatter [tilespmem:s18], [sflag:$0x7], $0x3000, $0x38;
	[tilespmem:$0xF800] =	vst v63  }
0xc3: {  	_ =	swait.ge @!p0 [sflag:s10], $0x3000  }
0xc4: {  	[sflag:s10] =	ssyncset.done @!p0 $0x0  }
0xc5: {  	[sflag:s10] =	ssyncadd.s32 @!p0 $0xFFFFD000  }
0xc6: {  	v3 =	vld [tilespmem:s9+$0x0];
	_ =	sdelay $0x4  }
0xc7: {  	v61 =	vshll.u32 v3, $0x1  }
0xc8: {  	v3 =	vand.u32 $0x7, v3;
	v4 =	vand.u32 $0xFFFFFFF0, v61  }
0xc9: {  	v3 =	vor.u32 v3, v4  }
0xca: {  	v4 =	vperm.xlane v3, v0;
	_ =	sdelay $0x1  }
0xcb: {  	v3 =	vperm.xlane v3, v2;
	v4 =	vadd.s32 v1, v4;
	_ =	sdelay $0x1  }
0xcc: {  	v3 =	vadd.s32 v1, v3;
	_ =	sdelay $0x2  }
0xcd: {  	[tilespmem:s13], [sflag:$0x6] =	stream.indirect_vreg.gather [hbm4b:s2+s3], $0x80, v4, vm0, $0xb8;
	[tilespmem:$0xF800] =	vst v63  }
0xce: {  	_ = 	snop  }
0xcf: {  	[tilespmem:s17], [sflag:$0x6] =	stream.indirect_vreg.gather [hbm4b:s2+s3], $0x80, v3, vm0, $0xb8;
	[tilespmem:$0xF800] =	vst v63  }
0xd0: {  	v3 =	vld [tilespmem:s9+$0x10];
	_ =	sdelay $0x4  }
0xd1: {  	v62 =	vshll.u32 v3, $0x1  }
0xd2: {  	v3 =	vand.u32 $0x7, v3;
	v4 =	vand.u32 $0xFFFFFFF0, v62  }
0xd3: {  	v3 =	vor.u32 v3, v4  }
0xd4: {  	v4 =	vperm.xlane v3, v0;
	_ =	sdelay $0x1  }
0xd5: {  	v3 =	vperm.xlane v3, v2;
	v4 =	vadd.s32 v1, v4;
	_ =	sdelay $0x1  }
0xd6: {  	v3 =	vadd.s32 v1, v3;
	_ =	sdelay $0x2  }
0xd7: {  	[tilespmem:s20], [sflag:$0x6] =	stream.indirect_vreg.gather [hbm4b:s2+s3], $0x80, v4, vm0, $0xb8;
	[tilespmem:$0xF800] =	vst v63  }
0xd8: {  	_ = 	snop  }
0xd9: {  	[tilespmem:s26], [sflag:$0x6] =	stream.indirect_vreg.gather [hbm4b:s2+s3], $0x80, v3, vm0, $0xb8;
	[tilespmem:$0xF800] =	vst v63  }
0xda: {  	v3 =	vld [tilespmem:s9+$0x20];
	_ =	sdelay $0x4  }
0xdb: {  	v63 =	vshll.u32 v3, $0x1  }
0xdc: {  	v3 =	vand.u32 $0x7, v3;
	v4 =	vand.u32 $0xFFFFFFF0, v63  }
0xdd: {  	v3 =	vor.u32 v3, v4  }
0xde: {  	v4 =	vperm.xlane v3, v0;
	_ =	sdelay $0x1  }
0xdf: {  	v3 =	vperm.xlane v3, v2;
	v4 =	vadd.s32 v1, v4;
	_ =	sdelay $0x1  }
0xe0: {  	v3 =	vadd.s32 v1, v3;
	_ =	sdelay $0x2  }
0xe1: {  	[tilespmem:s29], [sflag:$0x6] =	stream.indirect_vreg.gather [hbm4b:s2+s3], $0x80, v4, vm0, $0xb8;
	[tilespmem:$0xF800] =	vst v63  }
0xe2: {  	_ = 	snop  }
0xe3: {  	[tilespmem:s30], [sflag:$0x6] =	stream.indirect_vreg.gather [hbm4b:s2+s3], $0x80, v3, vm0, $0xb8;
	[tilespmem:$0xF800] =	vst v63  }
0xe4: {  	_ =	swait.ge [sflag:s8], $0x1000  }
0xe5: {  	[sflag:s8] =	ssyncset.done $0x0  }
0xe6: {  	[sflag:s8] =	ssyncadd.s32 $0xFFFFF000  }
0xe7: {  	_ =	swait.ge [sflag:s8], $0x1000  }
0xe8: {  	[sflag:s8] =	ssyncset.done $0x0  }
0xe9: {  	[sflag:s8] =	ssyncadd.s32 $0xFFFFF000  }
0xea: {  	_ =	swait.ge [sflag:s8], $0x1000  }
0xeb: {  	p0 =	seq.s32 s6, $0x13800;
	[sflag:s8] =	ssyncset.done $0x0  }
0xec: {  	s11 =	sadd.s32 s6, s19;
	s10 =	simm.s32 @!p0 $0x7;
	[sflag:s8] =	ssyncadd.s32 $0xFFFFF000  }
0xed: {  	[hbm4b:s11+s3] =	stream.linear.scatter [tilespmem:s23], [sflag:$0x8], $0x3000, $0x38;
	[tilespmem:$0xF800] =	vst v63  }
0xee: {  	_ =	swait.ge @!p0 [sflag:s10], $0x3000  }
0xef: {  	[sflag:s10] =	ssyncset.done @!p0 $0x0  }
0xf0: {  	[sflag:s10] =	ssyncadd.s32 @!p0 $0xFFFFD000  }
0xf1: {  	v3 =	vld @!p0 [tilespmem:s9+$0x80];
	_ =	sdelay $0x4  }
0xf2: {  	v4 =	vshll.u32 @!p0 v3, $0x1  }
0xf3: {  	v5 =	vlaneseq.u32 @!p0;
	v3 =	vand.u32 @!p0 $0x7, v3;
	v4 =	vand.u32 @!p0 $0xFFFFFFF0, v4  }
0xf4: {  	v6 =	vshrl.u32 @!p0 v5, $0x3;
	v3 =	vor.u32 @!p0 v3, v4;
	v4 =	vand.u32 @!p0 $0x7, v5  }
0xf5: {  	v6 =	vmul.u32 @!p0 $0x8, v6;
	v7 =	vperm.xlane @!p0 v3, v4  }
0xf6: {  	v5 =	vor.u32 @!p0 $0x8, v5  }
0xf7: {  	v3 =	vperm.xlane @!p0 v3, v5;
	v7 =	vadd.s32 @!p0 v6, v7;
	_ =	sdelay $0x1  }
0xf8: {  	v3 =	vadd.s32 @!p0 v6, v3;
	_ =	sdelay $0x1  }
0xf9: {  	vm1 =	vmmov @!p0 $0xffff;
	s11 =	simm.s32 @!p0 $0x3800;
	s10 =	simm.s32 @!p0 $0x0  }
0xfa: {  	[tilespmem:s11], [sflag:$0x3] =	stream.indirect_vreg.gather @!p0 [hbm4b:s2+s10], $0x80, v7, vm1, $0xb8;
	[tilespmem:$0xF800] =	vst v63  }
0xfb: {  	s11 =	simm.s32 @!p0 $0x5000  }
0xfc: {  	[tilespmem:s11], [sflag:$0x3] =	stream.indirect_vreg.gather @!p0 [hbm4b:s2+s10], $0x80, v3, vm1, $0xb8;
	[tilespmem:$0xF800] =	vst v63  }
0xfd: {  	v3 =	vld @!p0 [tilespmem:s9+$0x90];
	_ =	sdelay $0x4  }
0xfe: {  	v7 =	vshll.u32 @!p0 v3, $0x1  }
0xff: {  	v3 =	vand.u32 @!p0 $0x7, v3;
	v7 =	vand.u32 @!p0 $0xFFFFFFF0, v7  }
0x100: {  	v3 =	vor.u32 @!p0 v3, v7  }
0x101: {  	v7 =	vperm.xlane @!p0 v3, v4;
	_ =	sdelay $0x1  }
0x102: {  	v3 =	vperm.xlane @!p0 v3, v5;
	v7 =	vadd.s32 @!p0 v6, v7;
	_ =	sdelay $0x1  }
0x103: {  	v3 =	vadd.s32 @!p0 v6, v3;
	_ =	sdelay $0x1  }
0x104: {  	s11 =	simm.s32 @!p0 $0x4000  }
0x105: {  	[tilespmem:s11], [sflag:$0x3] =	stream.indirect_vreg.gather @!p0 [hbm4b:s2+s10], $0x80, v7, vm1, $0xb8;
	[tilespmem:$0xF800] =	vst v63  }
0x106: {  	s11 =	simm.s32 @!p0 $0x5800  }
0x107: {  	[tilespmem:s11], [sflag:$0x3] =	stream.indirect_vreg.gather @!p0 [hbm4b:s2+s10], $0x80, v3, vm1, $0xb8;
	[tilespmem:$0xF800] =	vst v63  }
0x108: {  	v3 =	vld @!p0 [tilespmem:s9+$0xA0];
	_ =	sdelay $0x4  }
0x109: {  	v7 =	vshll.u32 @!p0 v3, $0x1  }
0x10a: {  	v3 =	vand.u32 @!p0 $0x7, v3;
	v7 =	vand.u32 @!p0 $0xFFFFFFF0, v7  }
0x10b: {  	v3 =	vor.u32 @!p0 v3, v7  }
0x10c: {  	v7 =	vperm.xlane @!p0 v3, v4;
	_ =	sdelay $0x1  }
0x10d: {  	v3 =	vperm.xlane @!p0 v3, v5;
	v7 =	vadd.s32 @!p0 v6, v7;
	_ =	sdelay $0x1  }
0x10e: {  	v3 =	vadd.s32 @!p0 v6, v3;
	_ =	sdelay $0x1  }
0x10f: {  	s11 =	simm.s32 @!p0 $0x4800  }
0x110: {  	[tilespmem:s11], [sflag:$0x3] =	stream.indirect_vreg.gather @!p0 [hbm4b:s2+s10], $0x80, v7, vm1, $0xb8;
	[tilespmem:$0xF800] =	vst v63  }
0x111: {  	s11 =	simm.s32 @!p0 $0x6000  }
0x112: {  	[tilespmem:s11], [sflag:$0x3] =	stream.indirect_vreg.gather @!p0 [hbm4b:s2+s10], $0x80, v3, vm1, $0xb8;
	[tilespmem:$0xF800] =	vst v63  }
0x113: {  	_ =	swait.ge [sflag:s7], $0x1000  }
0x114: {  	[sflag:s7] =	ssyncset.done $0x0  }
0x115: {  	[sflag:s7] =	ssyncadd.s32 $0xFFFFF000  }
0x116: {  	_ =	swait.ge [sflag:s7], $0x1000  }
0x117: {  	[sflag:s7] =	ssyncset.done $0x0  }
0x118: {  	[sflag:s7] =	ssyncadd.s32 $0xFFFFF000  }
0x119: {  	_ =	swait.ge [sflag:s7], $0x1000  }
0x11a: {  	[sflag:s7] =	ssyncset.done $0x0  }
0x11b: {  	s1 =	sadd.s32 s6, s24;
	s11 =	simm.s32 @!p0 $0x8;
	[sflag:s7] =	ssyncadd.s32 $0xFFFFF000  }
0x11c: {  	[hbm4b:s1+s3] =	stream.linear.scatter [tilespmem:s0], [sflag:$0x9], $0x3000, $0x38;
	[tilespmem:$0xF800] =	vst v63  }
0x11d: {  	_ =	swait.ge @!p0 [sflag:s11], $0x3000  }
0x11e: {  	[sflag:s11] =	ssyncset.done @!p0 $0x0  }
0x11f: {  	[sflag:s11] =	ssyncadd.s32 @!p0 $0xFFFFD000  }
0x120: {  	v3 =	vld @!p0 [tilespmem:s9+$0x100];
	_ =	sdelay $0x4  }
0x121: {  	v7 =	vshll.u32 @!p0 v3, $0x1  }
0x122: {  	v3 =	vand.u32 @!p0 $0x7, v3;
	v7 =	vand.u32 @!p0 $0xFFFFFFF0, v7  }
0x123: {  	v3 =	vor.u32 @!p0 v3, v7  }
0x124: {  	v7 =	vperm.xlane @!p0 v3, v4;
	_ =	sdelay $0x1  }
0x125: {  	v3 =	vperm.xlane @!p0 v3, v5;
	v7 =	vadd.s32 @!p0 v6, v7;
	_ =	sdelay $0x1  }
0x126: {  	v3 =	vadd.s32 @!p0 v6, v3;
	_ =	sdelay $0x1  }
0x127: {  	s11 =	simm.s32 @!p0 $0x6800  }
0x128: {  	[tilespmem:s11], [sflag:$0x4] =	stream.indirect_vreg.gather @!p0 [hbm4b:s2+s10], $0x80, v7, vm1, $0xb8;
	[tilespmem:$0xF800] =	vst v63  }
0x129: {  	s11 =	simm.s32 @!p0 $0x8000  }
0x12a: {  	[tilespmem:s11], [sflag:$0x4] =	stream.indirect_vreg.gather @!p0 [hbm4b:s2+s10], $0x80, v3, vm1, $0xb8;
	[tilespmem:$0xF800] =	vst v63  }
0x12b: {  	v3 =	vld @!p0 [tilespmem:s9+$0x110];
	_ =	sdelay $0x4  }
0x12c: {  	v7 =	vshll.u32 @!p0 v3, $0x1  }
0x12d: {  	v3 =	vand.u32 @!p0 $0x7, v3;
	v7 =	vand.u32 @!p0 $0xFFFFFFF0, v7  }
0x12e: {  	v3 =	vor.u32 @!p0 v3, v7  }
0x12f: {  	v7 =	vperm.xlane @!p0 v3, v4;
	_ =	sdelay $0x1  }
0x130: {  	v3 =	vperm.xlane @!p0 v3, v5;
	v7 =	vadd.s32 @!p0 v6, v7;
	_ =	sdelay $0x1  }
0x131: {  	v3 =	vadd.s32 @!p0 v6, v3;
	_ =	sdelay $0x1  }
0x132: {  	s11 =	simm.s32 @!p0 $0x7000  }
0x133: {  	[tilespmem:s11], [sflag:$0x4] =	stream.indirect_vreg.gather @!p0 [hbm4b:s2+s10], $0x80, v7, vm1, $0xb8;
	[tilespmem:$0xF800] =	vst v63  }
0x134: {  	s11 =	simm.s32 @!p0 $0x8800  }
0x135: {  	[tilespmem:s11], [sflag:$0x4] =	stream.indirect_vreg.gather @!p0 [hbm4b:s2+s10], $0x80, v3, vm1, $0xb8;
	[tilespmem:$0xF800] =	vst v63  }
0x136: {  	v3 =	vld @!p0 [tilespmem:s9+$0x120];
	_ =	sdelay $0x4  }
0x137: {  	v7 =	vshll.u32 @!p0 v3, $0x1  }
0x138: {  	v3 =	vand.u32 @!p0 $0x7, v3;
	v7 =	vand.u32 @!p0 $0xFFFFFFF0, v7  }
0x139: {  	v3 =	vor.u32 @!p0 v3, v7  }
0x13a: {  	v4 =	vperm.xlane @!p0 v3, v4;
	_ =	sdelay $0x1  }
0x13b: {  	v3 =	vperm.xlane @!p0 v3, v5;
	v4 =	vadd.s32 @!p0 v6, v4;
	_ =	sdelay $0x1  }
0x13c: {  	v3 =	vadd.s32 @!p0 v6, v3;
	_ =	sdelay $0x1  }
0x13d: {  	s11 =	simm.s32 @!p0 $0x7800  }
0x13e: {  	[tilespmem:s11], [sflag:$0x4] =	stream.indirect_vreg.gather @!p0 [hbm4b:s2+s10], $0x80, v4, vm1, $0xb8;
	[tilespmem:$0xF800] =	vst v63  }
0x13f: {  	s11 =	simm.s32 @!p0 $0x9000  }
0x140: {  	[tilespmem:s11], [sflag:$0x4] =	stream.indirect_vreg.gather @!p0 [hbm4b:s2+s10], $0x80, v3, vm1, $0xb8;
	[tilespmem:$0xF800] =	vst v63  }
0x141: {  	_ =	swait.ge [sflag:s21], $0x1000  }
0x142: {  	[sflag:s21] =	ssyncset.done $0x0  }
0x143: {  	[sflag:s21] =	ssyncadd.s32 $0xFFFFF000  }
0x144: {  	s1 =	sadd.s32 s6, s22;
	s6 =	sadd.s32 $0x1800, s6;
	_ =	swait.ge [sflag:s21], $0x1000  }
0x145: {  	p0 =	sne.s32 s6, $0x15000;
	[sflag:s21] =	ssyncset.done $0x0  }
.Ltmp3:
0x146: {  	[sflag:s21] =	ssyncadd.s32 $0xFFFFF000;
	(pc) =	sbr.rel @p0 .LBB2_5-.Ltmp3, $4  }
0x147: {  	_ =	swait.ge [sflag:s21], $0x1000  }
0x148: {  	[sflag:s21] =	ssyncset.done $0x0  }
0x149: {  	s9 =	sadd.s32 $0x200, s9;
	s11 =	simm.s32 $0xB000;
	[sflag:s21] =	ssyncadd.s32 $0xFFFFF000  }
0x14a: {  	[hbm4b:s1+s3] =	stream.linear.scatter [tilespmem:s13], [sflag:$0xA], $0x3000, $0x38;
	[tilespmem:$0xF800] =	vst v63  }
0x14b: {  	s1 =	rddreg [dreg:$0x1a]  }
0x14c: {  	[dreg:$0x19] =	wrdreg s31;
	p0 =	seq.s32 s1, $0x6  }
0x14d: {  	[dreg:$0x18] =	wrdreg s22;
	s6 =	smul.u32 @!p0 $0x3800, s1  }
0x14e: {  	s9 =	rddreg [dreg:$0x7]  }
0x14f: {  	[dreg:$0x17] =	wrdreg s19;
	s6 =	sadd.s32 @!p0 s6, s9  }
0x150: {  	s9 =	rddreg [dreg:$0x4];
	s6 =	sshrl.u32 @!p0 s6, $0x3  }
0x151: {  	s5 =	simm.s32 $0x2;
	s6 =	sadd.s32 @!p0 s9, s6;
	s9 =	simm.s32 @!p0 $0x0  }
0x152: {  	[tilespmem:s9], [sflag:$0x1] =	stream.linear.gather @!p0 [hbm4b:s6+s9], $0x1C00, $0x38;
	[tilespmem:$0xF800] =	vst v63  }
0x153: {  	_ =	swait.ge [sflag:s5], $0x1C00  }
0x154: {  	[sflag:s5] =	ssyncset.done $0x0  }
0x155: {  	s6 =	simm.s32 $0x0;
	[sflag:s5] =	ssyncadd.s32 $0xFFFFE400  }
0x156: {  	s9 =	simm.s32 $0x200;
	v3 =	vld [tilespmem:s6+$0x1C10]  }
.LBB2_7:
0x157: {  	p1 =	sne.s32 s9, $0x6E00;
	v4 =	vld [tilespmem:s6+$0x1C20];
	_ =	sdelay $0x1  }
.Ltmp4:
0x158: {  	(pc) =	sbr.rel @p1 .LBB2_7-.Ltmp4, $4  }
0x159: {  	_ = 	snop  }
0x15a: {  	v3 =	vadd.s32 $0x100, v3  }
0x15b: {  	s10 =	sshra.s32 s9, $0x2;
	[tilespmem:s6+$0x1C10] =	vst v3;
	v4 =	vadd.s32 $0x200, v4  }
0x15c: {  	s9 =	sadd.s32 $0x200, s9;
	v3 =	vld [tilespmem:s10+$0x1C10];
	[tilespmem:s6+$0x1C20] =	vst v4;
	s6 =	smov.u32 s10  }
0x15d: {  	v4 =	vld [tilespmem:s6+$0x1C20];
	_ =	sdelay $0x3  }
0x15e: {  	v3 =	vadd.s32 $0x100, v3  }
0x15f: {  	[tilespmem:s6+$0x1C10] =	vst v3;
	v3 =	vadd.s32 $0x200, v4  }
0x160: {  	s5 =	simm.s32 $0x7;
	[tilespmem:s6+$0x1C20] =	vst v3  }
0x161: {  	_ =	swait.ge [sflag:s5], $0x3000  }
0x162: {  	[sflag:s5] =	ssyncset.done $0x0  }
0x163: {  	[sflag:s5] =	ssyncadd.s32 $0xFFFFD000  }
0x164: {  	v3 =	vld [tilespmem:$0x1C00];
	_ =	sdelay $0x4  }
0x165: {  	v58 =	vshll.u32 v3, $0x1  }
0x166: {  	v3 =	vand.u32 $0x7, v3;
	v4 =	vand.u32 $0xFFFFFFF0, v58  }
0x167: {  	v3 =	vor.u32 v3, v4  }
0x168: {  	v4 =	vperm.xlane v3, v0;
	_ =	sdelay $0x1  }
0x169: {  	v3 =	vperm.xlane v3, v2;
	v4 =	vadd.s32 v1, v4;
	_ =	sdelay $0x1  }
0x16a: {  	v3 =	vadd.s32 v1, v3;
	_ =	sdelay $0x1  }
0x16b: {  	s18 =	simm.s32 $0x3800;
	s6 =	simm.s32 $0x0  }
0x16c: {  	[tilespmem:s18], [sflag:$0x3] =	stream.indirect_vreg.gather [hbm4b:s2+s6], $0x80, v4, vm0, $0xb8;
	[tilespmem:$0xF800] =	vst v63  }
0x16d: {  	s9 =	simm.s32 $0x5000  }
0x16e: {  	[tilespmem:s9], [sflag:$0x3] =	stream.indirect_vreg.gather [hbm4b:s2+s6], $0x80, v3, vm0, $0xb8;
	[tilespmem:$0xF800] =	vst v63  }
0x16f: {  	v3 =	vld [tilespmem:$0x1C10];
	_ =	sdelay $0x4  }
0x170: {  	v59 =	vshll.u32 v3, $0x1  }
0x171: {  	v3 =	vand.u32 $0x7, v3;
	v4 =	vand.u32 $0xFFFFFFF0, v59  }
0x172: {  	v3 =	vor.u32 v3, v4  }
0x173: {  	v4 =	vperm.xlane v3, v0;
	_ =	sdelay $0x1  }
0x174: {  	v3 =	vperm.xlane v3, v2;
	v4 =	vadd.s32 v1, v4;
	_ =	sdelay $0x1  }
0x175: {  	v3 =	vadd.s32 v1, v3;
	_ =	sdelay $0x1  }
0x176: {  	s5 =	simm.s32 $0x4000  }
0x177: {  	[tilespmem:s5], [sflag:$0x3] =	stream.indirect_vreg.gather [hbm4b:s2+s6], $0x80, v4, vm0, $0xb8;
	[tilespmem:$0xF800] =	vst v63  }
0x178: {  	s10 =	simm.s32 $0x5800  }
0x179: {  	[tilespmem:s10], [sflag:$0x3] =	stream.indirect_vreg.gather [hbm4b:s2+s6], $0x80, v3, vm0, $0xb8;
	[tilespmem:$0xF800] =	vst v63  }
0x17a: {  	v3 =	vld [tilespmem:$0x1C20];
	_ =	sdelay $0x4  }
0x17b: {  	v60 =	vshll.u32 v3, $0x1  }
0x17c: {  	v3 =	vand.u32 $0x7, v3;
	v4 =	vand.u32 $0xFFFFFFF0, v60  }
0x17d: {  	v3 =	vor.u32 v3, v4  }
0x17e: {  	v4 =	vperm.xlane v3, v0;
	_ =	sdelay $0x1  }
0x17f: {  	v3 =	vperm.xlane v3, v2;
	v4 =	vadd.s32 v1, v4;
	_ =	sdelay $0x1  }
0x180: {  	v3 =	vadd.s32 v1, v3;
	_ =	sdelay $0x1  }
0x181: {  	s14 =	simm.s32 $0x4800  }
0x182: {  	[tilespmem:s14], [sflag:$0x3] =	stream.indirect_vreg.gather [hbm4b:s2+s6], $0x80, v4, vm0, $0xb8;
	[tilespmem:$0xF800] =	vst v63  }
0x183: {  	s15 =	simm.s32 $0x6000;
	s16 =	simm.s32 $0x8  }
0x184: {  	[tilespmem:s15], [sflag:$0x3] =	stream.indirect_vreg.gather [hbm4b:s2+s6], $0x80, v3, vm0, $0xb8;
	[tilespmem:$0xF800] =	vst v63  }
0x185: {  	_ =	swait.ge [sflag:s16], $0x3000  }
0x186: {  	[sflag:s16] =	ssyncset.done $0x0  }
0x187: {  	[sflag:s16] =	ssyncadd.s32 $0xFFFFD000  }
0x188: {  	v3 =	vld [tilespmem:$0x1C80];
	_ =	sdelay $0x4  }
0x189: {  	v61 =	vshll.u32 v3, $0x1  }
0x18a: {  	v3 =	vand.u32 $0x7, v3;
	v4 =	vand.u32 $0xFFFFFFF0, v61  }
0x18b: {  	v3 =	vor.u32 v3, v4  }
0x18c: {  	v4 =	vperm.xlane v3, v0;
	_ =	sdelay $0x1  }
0x18d: {  	v3 =	vperm.xlane v3, v2;
	v4 =	vadd.s32 v1, v4;
	_ =	sdelay $0x1  }
0x18e: {  	v3 =	vadd.s32 v1, v3;
	_ =	sdelay $0x1  }
0x18f: {  	s23 =	simm.s32 $0x6800  }
0x190: {  	[tilespmem:s23], [sflag:$0x4] =	stream.indirect_vreg.gather [hbm4b:s2+s6], $0x80, v4, vm0, $0xb8;
	[tilespmem:$0xF800] =	vst v63  }
0x191: {  	s17 =	simm.s32 $0x8000  }
0x192: {  	[tilespmem:s17], [sflag:$0x4] =	stream.indirect_vreg.gather [hbm4b:s2+s6], $0x80, v3, vm0, $0xb8;
	[tilespmem:$0xF800] =	vst v63  }
0x193: {  	v3 =	vld [tilespmem:$0x1C90];
	_ =	sdelay $0x4  }
0x194: {  	v62 =	vshll.u32 v3, $0x1  }
0x195: {  	v3 =	vand.u32 $0x7, v3;
	v4 =	vand.u32 $0xFFFFFFF0, v62  }
0x196: {  	v3 =	vor.u32 v3, v4  }
0x197: {  	v4 =	vperm.xlane v3, v0;
	_ =	sdelay $0x1  }
0x198: {  	v3 =	vperm.xlane v3, v2;
	v4 =	vadd.s32 v1, v4;
	_ =	sdelay $0x1  }
0x199: {  	v3 =	vadd.s32 v1, v3;
	_ =	sdelay $0x1  }
0x19a: {  	s19 =	simm.s32 $0x7000  }
0x19b: {  	[tilespmem:s19], [sflag:$0x4] =	stream.indirect_vreg.gather [hbm4b:s2+s6], $0x80, v4, vm0, $0xb8;
	[tilespmem:$0xF800] =	vst v63  }
0x19c: {  	s20 =	simm.s32 $0x8800  }
0x19d: {  	[tilespmem:s20], [sflag:$0x4] =	stream.indirect_vreg.gather [hbm4b:s2+s6], $0x80, v3, vm0, $0xb8;
	[tilespmem:$0xF800] =	vst v63  }
0x19e: {  	v3 =	vld [tilespmem:$0x1CA0];
	_ =	sdelay $0x4  }
0x19f: {  	v63 =	vshll.u32 v3, $0x1  }
0x1a0: {  	v3 =	vand.u32 $0x7, v3;
	v4 =	vand.u32 $0xFFFFFFF0, v63  }
0x1a1: {  	v3 =	vor.u32 v3, v4  }
0x1a2: {  	v4 =	vperm.xlane v3, v0;
	_ =	sdelay $0x1  }
0x1a3: {  	v3 =	vperm.xlane v3, v2;
	v4 =	vadd.s32 v1, v4  }
0x1a4: {  	s22 =	simm.s32 $0x7800  }
0x1a5: {  	s26 =	simm.s32 $0x9000;
	s29 =	simm.s32 $0xD800;
	s30 =	simm.s32 $0xF000;
	v3 =	vadd.s32 v1, v3  }
0x1a6: {  	s9 =	simm.s32 $0x1D80;
	s5 =	simm.s32 $0xA000;
	s31 =	rddreg [dreg:$0x13]  }
0x1a7: {  	s14 =	simm.s32 $0xB800;
	s15 =	simm.s32 $0xA800;
	s1 =	rddreg [dreg:$0x14]  }
0x1a8: {  	[tilespmem:s22], [sflag:$0x4] =	stream.indirect_vreg.gather [hbm4b:s2+s6], $0x80, v4, vm0, $0xb8;
	[tilespmem:$0xF800] =	vst v63  }
0x1a9: {  	s16 =	simm.s32 $0xC000;
	s17 =	simm.s32 $0xE000;
	s19 =	rddreg [dreg:$0x15]  }
0x1aa: {  	[tilespmem:s26], [sflag:$0x4] =	stream.indirect_vreg.gather [hbm4b:s2+s6], $0x80, v3, vm0, $0xb8;
	[tilespmem:$0xF800] =	vst v63  }
0x1ab: {  	s20 =	simm.s32 $0xD000;
	s22 =	rddreg [dreg:$0x16];
	s26 =	simm.s32 $0xE800  }
.LBB2_9:
0x1ac: {  	_ =	swait.ge [sflag:s25], $0x3000  }
0x1ad: {  	[sflag:s25] =	ssyncset.done $0x0  }
0x1ae: {  	[sflag:s25] =	ssyncadd.s32 $0xFFFFD000  }
0x1af: {  	v3 =	vld [tilespmem:s9+$0xFFFFFF80];
	_ =	sdelay $0x4  }
0x1b0: {  	v4 =	vshll.u32 v3, $0x1  }
0x1b1: {  	v3 =	vand.u32 $0x7, v3;
	v4 =	vand.u32 $0xFFFFFFF0, v4  }
0x1b2: {  	v3 =	vor.u32 v3, v4  }
0x1b3: {  	v4 =	vperm.xlane v3, v0;
	_ =	sdelay $0x1  }
0x1b4: {  	v3 =	vperm.xlane v3, v2;
	v4 =	vadd.s32 v1, v4;
	_ =	sdelay $0x1  }
0x1b5: {  	v3 =	vadd.s32 v1, v3;
	_ =	sdelay $0x2  }
0x1b6: {  	[tilespmem:s0], [sflag:$0x5] =	stream.indirect_vreg.gather [hbm4b:s2+s3], $0x80, v4, vm0, $0xb8;
	[tilespmem:$0xF800] =	vst v63  }
0x1b7: {  	_ = 	snop  }
0x1b8: {  	[tilespmem:s11], [sflag:$0x5] =	stream.indirect_vreg.gather [hbm4b:s2+s3], $0x80, v3, vm0, $0xb8;
	[tilespmem:$0xF800] =	vst v63  }
0x1b9: {  	v3 =	vld [tilespmem:s9+$0xFFFFFF90];
	_ =	sdelay $0x4  }
0x1ba: {  	v59 =	vshll.u32 v3, $0x1  }
0x1bb: {  	v3 =	vand.u32 $0x7, v3;
	v4 =	vand.u32 $0xFFFFFFF0, v59  }
0x1bc: {  	v3 =	vor.u32 v3, v4  }
0x1bd: {  	v4 =	vperm.xlane v3, v0;
	_ =	sdelay $0x1  }
0x1be: {  	v3 =	vperm.xlane v3, v2;
	v4 =	vadd.s32 v1, v4;
	_ =	sdelay $0x1  }
0x1bf: {  	v3 =	vadd.s32 v1, v3;
	_ =	sdelay $0x2  }
0x1c0: {  	[tilespmem:s5], [sflag:$0x5] =	stream.indirect_vreg.gather [hbm4b:s2+s3], $0x80, v4, vm0, $0xb8;
	[tilespmem:$0xF800] =	vst v63  }
0x1c1: {  	_ = 	snop  }
0x1c2: {  	[tilespmem:s14], [sflag:$0x5] =	stream.indirect_vreg.gather [hbm4b:s2+s3], $0x80, v3, vm0, $0xb8;
	[tilespmem:$0xF800] =	vst v63  }
0x1c3: {  	v3 =	vld [tilespmem:s9+$0xFFFFFFA0];
	_ =	sdelay $0x4  }
0x1c4: {  	v60 =	vshll.u32 v3, $0x1  }
0x1c5: {  	v3 =	vand.u32 $0x7, v3;
	v4 =	vand.u32 $0xFFFFFFF0, v60  }
0x1c6: {  	v3 =	vor.u32 v3, v4  }
0x1c7: {  	v4 =	vperm.xlane v3, v0;
	_ =	sdelay $0x1  }
0x1c8: {  	v3 =	vperm.xlane v3, v2;
	v4 =	vadd.s32 v1, v4;
	_ =	sdelay $0x1  }
0x1c9: {  	v3 =	vadd.s32 v1, v3;
	_ =	sdelay $0x2  }
0x1ca: {  	[tilespmem:s15], [sflag:$0x5] =	stream.indirect_vreg.gather [hbm4b:s2+s3], $0x80, v4, vm0, $0xb8;
	[tilespmem:$0xF800] =	vst v63  }
0x1cb: {  	_ = 	snop  }
0x1cc: {  	[tilespmem:s16], [sflag:$0x5] =	stream.indirect_vreg.gather [hbm4b:s2+s3], $0x80, v3, vm0, $0xb8;
	[tilespmem:$0xF800] =	vst v63  }
0x1cd: {  	_ =	swait.ge [sflag:s12], $0x1000  }
0x1ce: {  	[sflag:s12] =	ssyncset.done $0x0  }
0x1cf: {  	[sflag:s12] =	ssyncadd.s32 $0xFFFFF000  }
0x1d0: {  	_ =	swait.ge [sflag:s12], $0x1000  }
0x1d1: {  	[sflag:s12] =	ssyncset.done $0x0  }
0x1d2: {  	[sflag:s12] =	ssyncadd.s32 $0xFFFFF000  }
0x1d3: {  	_ =	swait.ge [sflag:s12], $0x1000  }
0x1d4: {  	[sflag:s12] =	ssyncset.done $0x0  }
0x1d5: {  	s10 =	sadd.s32 s6, s19;
	[sflag:s12] =	ssyncadd.s32 $0xFFFFF000  }
0x1d6: {  	[hbm4b:s10+s3] =	stream.linear.scatter [tilespmem:s18], [sflag:$0x7], $0x3000, $0x38;
	[tilespmem:$0xF800] =	vst v63  }
0x1d7: {  	_ =	swait.ge [sflag:s28], $0x3000  }
0x1d8: {  	[sflag:s28] =	ssyncset.done $0x0  }
0x1d9: {  	[sflag:s28] =	ssyncadd.s32 $0xFFFFD000  }
0x1da: {  	v3 =	vld [tilespmem:s9+$0x0];
	_ =	sdelay $0x4  }
0x1db: {  	v61 =	vshll.u32 v3, $0x1  }
0x1dc: {  	v3 =	vand.u32 $0x7, v3;
	v4 =	vand.u32 $0xFFFFFFF0, v61  }
0x1dd: {  	v3 =	vor.u32 v3, v4  }
0x1de: {  	v4 =	vperm.xlane v3, v0;
	_ =	sdelay $0x1  }
0x1df: {  	v3 =	vperm.xlane v3, v2;
	v4 =	vadd.s32 v1, v4;
	_ =	sdelay $0x1  }
0x1e0: {  	v3 =	vadd.s32 v1, v3;
	_ =	sdelay $0x2  }
0x1e1: {  	[tilespmem:s13], [sflag:$0x6] =	stream.indirect_vreg.gather [hbm4b:s2+s3], $0x80, v4, vm0, $0xb8;
	[tilespmem:$0xF800] =	vst v63  }
0x1e2: {  	_ = 	snop  }
0x1e3: {  	[tilespmem:s17], [sflag:$0x6] =	stream.indirect_vreg.gather [hbm4b:s2+s3], $0x80, v3, vm0, $0xb8;
	[tilespmem:$0xF800] =	vst v63  }
0x1e4: {  	v3 =	vld [tilespmem:s9+$0x10];
	_ =	sdelay $0x4  }
0x1e5: {  	v62 =	vshll.u32 v3, $0x1  }
0x1e6: {  	v3 =	vand.u32 $0x7, v3;
	v4 =	vand.u32 $0xFFFFFFF0, v62  }
0x1e7: {  	v3 =	vor.u32 v3, v4  }
0x1e8: {  	v4 =	vperm.xlane v3, v0;
	_ =	sdelay $0x1  }
0x1e9: {  	v3 =	vperm.xlane v3, v2;
	v4 =	vadd.s32 v1, v4;
	_ =	sdelay $0x1  }
0x1ea: {  	v3 =	vadd.s32 v1, v3;
	_ =	sdelay $0x2  }
0x1eb: {  	[tilespmem:s20], [sflag:$0x6] =	stream.indirect_vreg.gather [hbm4b:s2+s3], $0x80, v4, vm0, $0xb8;
	[tilespmem:$0xF800] =	vst v63  }
0x1ec: {  	_ = 	snop  }
0x1ed: {  	[tilespmem:s26], [sflag:$0x6] =	stream.indirect_vreg.gather [hbm4b:s2+s3], $0x80, v3, vm0, $0xb8;
	[tilespmem:$0xF800] =	vst v63  }
0x1ee: {  	v3 =	vld [tilespmem:s9+$0x20];
	_ =	sdelay $0x4  }
0x1ef: {  	v63 =	vshll.u32 v3, $0x1  }
0x1f0: {  	v3 =	vand.u32 $0x7, v3;
	v4 =	vand.u32 $0xFFFFFFF0, v63  }
0x1f1: {  	v3 =	vor.u32 v3, v4  }
0x1f2: {  	v4 =	vperm.xlane v3, v0;
	_ =	sdelay $0x1  }
0x1f3: {  	v3 =	vperm.xlane v3, v2;
	v4 =	vadd.s32 v1, v4;
	_ =	sdelay $0x1  }
0x1f4: {  	v3 =	vadd.s32 v1, v3;
	_ =	sdelay $0x2  }
0x1f5: {  	[tilespmem:s29], [sflag:$0x6] =	stream.indirect_vreg.gather [hbm4b:s2+s3], $0x80, v4, vm0, $0xb8;
	[tilespmem:$0xF800] =	vst v63  }
0x1f6: {  	_ = 	snop  }
0x1f7: {  	[tilespmem:s30], [sflag:$0x6] =	stream.indirect_vreg.gather [hbm4b:s2+s3], $0x80, v3, vm0, $0xb8;
	[tilespmem:$0xF800] =	vst v63  }
0x1f8: {  	_ =	swait.ge [sflag:s8], $0x1000  }
0x1f9: {  	[sflag:s8] =	ssyncset.done $0x0  }
0x1fa: {  	[sflag:s8] =	ssyncadd.s32 $0xFFFFF000  }
0x1fb: {  	_ =	swait.ge [sflag:s8], $0x1000  }
0x1fc: {  	[sflag:s8] =	ssyncset.done $0x0  }
0x1fd: {  	[sflag:s8] =	ssyncadd.s32 $0xFFFFF000  }
0x1fe: {  	_ =	swait.ge [sflag:s8], $0x1000  }
0x1ff: {  	p1 =	seq.s32 s6, $0x13800;
	[sflag:s8] =	ssyncset.done $0x0  }
0x200: {  	s11 =	sadd.s32 s6, s1;
	s10 =	simm.s32 @!p1 $0x7;
	[sflag:s8] =	ssyncadd.s32 $0xFFFFF000  }
0x201: {  	[hbm4b:s11+s3] =	stream.linear.scatter [tilespmem:s23], [sflag:$0x8], $0x3000, $0x38;
	[tilespmem:$0xF800] =	vst v63  }
0x202: {  	_ =	swait.ge @!p1 [sflag:s10], $0x3000  }
0x203: {  	[sflag:s10] =	ssyncset.done @!p1 $0x0  }
0x204: {  	[sflag:s10] =	ssyncadd.s32 @!p1 $0xFFFFD000  }
0x205: {  	v3 =	vld @!p1 [tilespmem:s9+$0x80];
	_ =	sdelay $0x4  }
0x206: {  	v4 =	vshll.u32 @!p1 v3, $0x1  }
0x207: {  	v5 =	vlaneseq.u32 @!p1;
	v3 =	vand.u32 @!p1 $0x7, v3;
	v4 =	vand.u32 @!p1 $0xFFFFFFF0, v4  }
0x208: {  	v6 =	vshrl.u32 @!p1 v5, $0x3;
	v3 =	vor.u32 @!p1 v3, v4;
	v4 =	vand.u32 @!p1 $0x7, v5  }
0x209: {  	v6 =	vmul.u32 @!p1 $0x8, v6;
	v7 =	vperm.xlane @!p1 v3, v4  }
0x20a: {  	v5 =	vor.u32 @!p1 $0x8, v5  }
0x20b: {  	v3 =	vperm.xlane @!p1 v3, v5;
	v7 =	vadd.s32 @!p1 v6, v7;
	_ =	sdelay $0x1  }
0x20c: {  	v3 =	vadd.s32 @!p1 v6, v3;
	_ =	sdelay $0x1  }
0x20d: {  	vm1 =	vmmov @!p1 $0xffff;
	s11 =	simm.s32 @!p1 $0x3800;
	s10 =	simm.s32 @!p1 $0x0  }
0x20e: {  	[tilespmem:s11], [sflag:$0x3] =	stream.indirect_vreg.gather @!p1 [hbm4b:s2+s10], $0x80, v7, vm1, $0xb8;
	[tilespmem:$0xF800] =	vst v63  }
0x20f: {  	s11 =	simm.s32 @!p1 $0x5000  }
0x210: {  	[tilespmem:s11], [sflag:$0x3] =	stream.indirect_vreg.gather @!p1 [hbm4b:s2+s10], $0x80, v3, vm1, $0xb8;
	[tilespmem:$0xF800] =	vst v63  }
0x211: {  	v3 =	vld @!p1 [tilespmem:s9+$0x90];
	_ =	sdelay $0x4  }
0x212: {  	v7 =	vshll.u32 @!p1 v3, $0x1  }
0x213: {  	v3 =	vand.u32 @!p1 $0x7, v3;
	v7 =	vand.u32 @!p1 $0xFFFFFFF0, v7  }
0x214: {  	v3 =	vor.u32 @!p1 v3, v7  }
0x215: {  	v7 =	vperm.xlane @!p1 v3, v4;
	_ =	sdelay $0x1  }
0x216: {  	v3 =	vperm.xlane @!p1 v3, v5;
	v7 =	vadd.s32 @!p1 v6, v7;
	_ =	sdelay $0x1  }
0x217: {  	v3 =	vadd.s32 @!p1 v6, v3;
	_ =	sdelay $0x1  }
0x218: {  	s11 =	simm.s32 @!p1 $0x4000  }
0x219: {  	[tilespmem:s11], [sflag:$0x3] =	stream.indirect_vreg.gather @!p1 [hbm4b:s2+s10], $0x80, v7, vm1, $0xb8;
	[tilespmem:$0xF800] =	vst v63  }
0x21a: {  	s11 =	simm.s32 @!p1 $0x5800  }
0x21b: {  	[tilespmem:s11], [sflag:$0x3] =	stream.indirect_vreg.gather @!p1 [hbm4b:s2+s10], $0x80, v3, vm1, $0xb8;
	[tilespmem:$0xF800] =	vst v63  }
0x21c: {  	v3 =	vld @!p1 [tilespmem:s9+$0xA0];
	_ =	sdelay $0x4  }
0x21d: {  	v7 =	vshll.u32 @!p1 v3, $0x1  }
0x21e: {  	v3 =	vand.u32 @!p1 $0x7, v3;
	v7 =	vand.u32 @!p1 $0xFFFFFFF0, v7  }
0x21f: {  	v3 =	vor.u32 @!p1 v3, v7  }
0x220: {  	v7 =	vperm.xlane @!p1 v3, v4;
	_ =	sdelay $0x1  }
0x221: {  	v3 =	vperm.xlane @!p1 v3, v5;
	v7 =	vadd.s32 @!p1 v6, v7;
	_ =	sdelay $0x1  }
0x222: {  	v3 =	vadd.s32 @!p1 v6, v3;
	_ =	sdelay $0x1  }
0x223: {  	s11 =	simm.s32 @!p1 $0x4800  }
0x224: {  	[tilespmem:s11], [sflag:$0x3] =	stream.indirect_vreg.gather @!p1 [hbm4b:s2+s10], $0x80, v7, vm1, $0xb8;
	[tilespmem:$0xF800] =	vst v63  }
0x225: {  	s11 =	simm.s32 @!p1 $0x6000  }
0x226: {  	[tilespmem:s11], [sflag:$0x3] =	stream.indirect_vreg.gather @!p1 [hbm4b:s2+s10], $0x80, v3, vm1, $0xb8;
	[tilespmem:$0xF800] =	vst v63  }
0x227: {  	_ =	swait.ge [sflag:s7], $0x1000  }
0x228: {  	[sflag:s7] =	ssyncset.done $0x0  }
0x229: {  	[sflag:s7] =	ssyncadd.s32 $0xFFFFF000  }
0x22a: {  	_ =	swait.ge [sflag:s7], $0x1000  }
0x22b: {  	[sflag:s7] =	ssyncset.done $0x0  }
0x22c: {  	[sflag:s7] =	ssyncadd.s32 $0xFFFFF000  }
0x22d: {  	_ =	swait.ge [sflag:s7], $0x1000  }
0x22e: {  	[sflag:s7] =	ssyncset.done $0x0  }
0x22f: {  	s11 =	sadd.s32 s6, s22;
	[sflag:s7] =	ssyncadd.s32 $0xFFFFF000  }
0x230: {  	[hbm4b:s11+s3] =	stream.linear.scatter [tilespmem:s0], [sflag:$0x9], $0x3000, $0x38;
	[tilespmem:$0xF800] =	vst v63  }
0x231: {  	s11 =	simm.s32 @!p1 $0x8  }
0x232: {  	_ =	swait.ge @!p1 [sflag:s11], $0x3000  }
0x233: {  	[sflag:s11] =	ssyncset.done @!p1 $0x0  }
0x234: {  	[sflag:s11] =	ssyncadd.s32 @!p1 $0xFFFFD000  }
0x235: {  	v3 =	vld @!p1 [tilespmem:s9+$0x100];
	_ =	sdelay $0x4  }
0x236: {  	v7 =	vshll.u32 @!p1 v3, $0x1  }
0x237: {  	v3 =	vand.u32 @!p1 $0x7, v3;
	v7 =	vand.u32 @!p1 $0xFFFFFFF0, v7  }
0x238: {  	v3 =	vor.u32 @!p1 v3, v7  }
0x239: {  	v7 =	vperm.xlane @!p1 v3, v4;
	_ =	sdelay $0x1  }
0x23a: {  	v3 =	vperm.xlane @!p1 v3, v5;
	v7 =	vadd.s32 @!p1 v6, v7;
	_ =	sdelay $0x1  }
0x23b: {  	v3 =	vadd.s32 @!p1 v6, v3;
	_ =	sdelay $0x1  }
0x23c: {  	s11 =	simm.s32 @!p1 $0x6800  }
0x23d: {  	[tilespmem:s11], [sflag:$0x4] =	stream.indirect_vreg.gather @!p1 [hbm4b:s2+s10], $0x80, v7, vm1, $0xb8;
	[tilespmem:$0xF800] =	vst v63  }
0x23e: {  	s11 =	simm.s32 @!p1 $0x8000  }
0x23f: {  	[tilespmem:s11], [sflag:$0x4] =	stream.indirect_vreg.gather @!p1 [hbm4b:s2+s10], $0x80, v3, vm1, $0xb8;
	[tilespmem:$0xF800] =	vst v63  }
0x240: {  	v3 =	vld @!p1 [tilespmem:s9+$0x110];
	_ =	sdelay $0x4  }
0x241: {  	v7 =	vshll.u32 @!p1 v3, $0x1  }
0x242: {  	v3 =	vand.u32 @!p1 $0x7, v3;
	v7 =	vand.u32 @!p1 $0xFFFFFFF0, v7  }
0x243: {  	v3 =	vor.u32 @!p1 v3, v7  }
0x244: {  	v7 =	vperm.xlane @!p1 v3, v4;
	_ =	sdelay $0x1  }
0x245: {  	v3 =	vperm.xlane @!p1 v3, v5;
	v7 =	vadd.s32 @!p1 v6, v7;
	_ =	sdelay $0x1  }
0x246: {  	v3 =	vadd.s32 @!p1 v6, v3;
	_ =	sdelay $0x1  }
0x247: {  	s11 =	simm.s32 @!p1 $0x7000  }
0x248: {  	[tilespmem:s11], [sflag:$0x4] =	stream.indirect_vreg.gather @!p1 [hbm4b:s2+s10], $0x80, v7, vm1, $0xb8;
	[tilespmem:$0xF800] =	vst v63  }
0x249: {  	s11 =	simm.s32 @!p1 $0x8800  }
0x24a: {  	[tilespmem:s11], [sflag:$0x4] =	stream.indirect_vreg.gather @!p1 [hbm4b:s2+s10], $0x80, v3, vm1, $0xb8;
	[tilespmem:$0xF800] =	vst v63  }
0x24b: {  	v3 =	vld @!p1 [tilespmem:s9+$0x120];
	_ =	sdelay $0x4  }
0x24c: {  	v7 =	vshll.u32 @!p1 v3, $0x1  }
0x24d: {  	v3 =	vand.u32 @!p1 $0x7, v3;
	v7 =	vand.u32 @!p1 $0xFFFFFFF0, v7  }
0x24e: {  	v3 =	vor.u32 @!p1 v3, v7  }
0x24f: {  	v4 =	vperm.xlane @!p1 v3, v4;
	_ =	sdelay $0x1  }
0x250: {  	v3 =	vperm.xlane @!p1 v3, v5;
	v4 =	vadd.s32 @!p1 v6, v4;
	_ =	sdelay $0x1  }
0x251: {  	v3 =	vadd.s32 @!p1 v6, v3;
	_ =	sdelay $0x1  }
0x252: {  	s11 =	simm.s32 @!p1 $0x7800  }
0x253: {  	[tilespmem:s11], [sflag:$0x4] =	stream.indirect_vreg.gather @!p1 [hbm4b:s2+s10], $0x80, v4, vm1, $0xb8;
	[tilespmem:$0xF800] =	vst v63  }
0x254: {  	s11 =	simm.s32 @!p1 $0x9000  }
0x255: {  	[tilespmem:s11], [sflag:$0x4] =	stream.indirect_vreg.gather @!p1 [hbm4b:s2+s10], $0x80, v3, vm1, $0xb8;
	[tilespmem:$0xF800] =	vst v63  }
0x256: {  	_ =	swait.ge [sflag:s21], $0x1000  }
0x257: {  	[sflag:s21] =	ssyncset.done $0x0  }
0x258: {  	[sflag:s21] =	ssyncadd.s32 $0xFFFFF000  }
0x259: {  	s10 =	sadd.s32 s6, s31;
	s6 =	sadd.s32 $0x1800, s6;
	_ =	swait.ge [sflag:s21], $0x1000  }
0x25a: {  	p1 =	sne.s32 s6, $0x15000;
	[sflag:s21] =	ssyncset.done $0x0  }
.Ltmp5:
0x25b: {  	[sflag:s21] =	ssyncadd.s32 $0xFFFFF000;
	(pc) =	sbr.rel @p1 .LBB2_9-.Ltmp5, $4  }
0x25c: {  	_ =	swait.ge [sflag:s21], $0x1000  }
0x25d: {  	[sflag:s21] =	ssyncset.done $0x0  }
0x25e: {  	s9 =	sadd.s32 $0x200, s9;
	s11 =	simm.s32 $0xB000;
	[sflag:s21] =	ssyncadd.s32 $0xFFFFF000  }
0x25f: {  	[hbm4b:s10+s3] =	stream.linear.scatter [tilespmem:s13], [sflag:$0xA], $0x3000, $0x38;
	[tilespmem:$0xF800] =	vst v63  }
.Ltmp6:
0x260: {  	(pc) =	sbr.rel @p0 .LBB2_12-.Ltmp6, $1  }
0x261: {  	_ =	sdelay $0x3  }
0x262: {  	s1 =	rddreg [dreg:$0x1a]  }
0x263: {  	s9 =	rddreg [dreg:$0x8]  }
0x264: {  	s22 =	rddreg [dreg:$0x4]  }
0x265: {  	s31 =	rddreg [dreg:$0x19]  }
0x266: {  	s19 =	rddreg [dreg:$0x17]  }
0x267: {  	s26 =	rddreg [dreg:$0x15]  }
0x268: {  	s23 =	simm.s32 $0x1C00;
	s10 =	rddreg [dreg:$0x16]  }
0x269: {  	s4 =	sadd.s32 $0x2A000, s4;
	s24 =	sadd.s32 $0x2A000, s24;
	s29 =	rddreg [dreg:$0x14]  }
0x26a: {  	s30 =	rddreg [dreg:$0x13];
	s5 =	simm.s32 $0x3800;
	s6 =	smul.u32 $0x3800, s1  }
0x26b: {  	s14 =	simm.s32 $0x6800;
	s1 =	sadd.s32 $0x1, s1;
	s31 =	sadd.s32 $0xFFFD6000, s31  }
.Ltmp7:
0x26c: {  	s19 =	sadd.s32 $0x2A000, s19;
	s6 =	sadd.s32 s6, s9;
	(pc) =	sbr.rel .LBB2_2-.Ltmp7, $4  }
0x26d: {  	s10 =	sadd.s32 $0x2A000, s10;
	[dreg:$0x1a] =	wrdreg s1;
	s6 =	sshrl.u32 s6, $0x3  }
0x26e: {  	s1 =	sadd.s32 $0x2A000, s29;
	s6 =	sadd.s32 s22, s6;
	s22 =	rddreg [dreg:$0x18]  }
0x26f: {  	[tilespmem:s23], [sflag:$0x2] =	stream.linear.gather [hbm4b:s6+s3], $0x1C00, $0x38;
	[tilespmem:$0xF800] =	vst v63  }
0x270: {  	s9 =	sadd.s32 $0x2A000, s26;
	s22 =	sadd.s32 $0x2A000, s22;
	s6 =	sadd.s32 $0x2A000, s30  }
.LBB2_13:
0x271: {  	_ =	sfence.sel $0x180000  }
0x272: {  	[bflag:$0x0] =	sbarrier.arrive $0xFFFF  }
0x273: {  	_ =	strace $0x90000047  }
0x274: {  	s0 =	stileid.u32;
	[bflag:$0x2] =	sbarrier.arrive $0xFFFF  }
0x275: {  	p0 =	sne.s32 s0, $0x0;
	s0 =	rddreg [dreg:$0x3]  }
0x276: {  	s0 =	sadd.s32 @!p0 $0x100000, s0  }
0x277: {  	[sflag:s0] =	ssyncadd.tile.s32 @!p0 $0x1;
	_ =	shalt  }
.Lfunc_end2:
_tile_overlayer_lowered:
.L_overlay_start_2:
0x278: {  	(tag) =	ssettag $0x2  }
0x279: {  	s0 =	rddreg [dreg:$0x0];
	s2 =	stileid.u32  }
0x27a: {  	s1 =	rddreg [dreg:$0x1];
	p0 =	sne.s32 s2, $0x0  }
0x27b: {  	s3 =	rddreg [dreg:$0x2];
	[bflag:$0x3] =	sbarrier.arrive $0xFFFF;
	s2 =	simm.s32 @!p0 $0x1C0B  }
0x27c: {  	[timem:s3], [sflag:s2] =	dma.local @!p0 [hbm:s0], s1  }
0x27d: {  	s0 =	simm.s32 @!p0 $0xB  }
0x27e: {  	_ =	swait.ge @!p0 [sflag:s0], s1  }
0x27f: {  	s1 =	ssub.s32 @!p0 $0x0, s1;
	[sflag:s0] =	ssyncset.done @!p0 $0x0  }
0x280: {  	[sflag:s0] =	ssyncadd.s32 @!p0 s1  }
0x281: {  	[bflag:$0x3] =	sbarrier.arrive $0xFFFF  }
0x282: {  	_ =	shalt  }

</sc_bundles>
